<compile_context>
chip_gen: v7x
topology: tpu7x:2x2x1
jax: 0.10.2.dev20260603
libtpu: 0.0.44.dev20260713+nightly
codegen_flags: <defaults>
</compile_context>

<pallas_src>
import functools

import jax
import jax.numpy as jnp
from jax import lax
from jax.experimental import pallas as pl
from jax.experimental.pallas import tpu as pltpu
from jax.experimental.pallas import tpu_sc as plsc

N, E, D, R, G = 10000, 320000, 128, 4, 64
HID, F2, OUT = 32, 64, 10

NC, NS = 2, 16
NW = NC * NS
CH = 128
EPT = E // NW
NBUF = 8
NCHUNK = 80
WCH = 16
EPT_PAD = NCHUNK * CH
E_PAD = EPT_PAD * NW
NPAD = 10112
RPT = NPAD // NS
DEGW = 8
NB = 10000
NBLK = N // NB



def _edge_pass_body(with_deg, F, trows, staged, *args):
    if with_deg:
        (table_hbm, gidx_hbm, didx_hbm, zacc_hbm, zdeg_hbm, ones_hbm,
         acc_out, deg_out, gidx_v, didx_v, rows_v, rows_w, gsa, gsb,
         *maybe_tbl, acc_sh, ones_v, deg_sh) = args
    else:
        (table_hbm, gidx_hbm, didx_hbm, zacc_hbm,
         acc_out, gidx_v, didx_v, rows_v, rows_w, gsa, gsb,
         *maybe_tbl, acc_sh) = args
    c = lax.axis_index("c")
    s = lax.axis_index("s")
    wid = s * NC + c

    if not with_deg:
        pltpu.sync_copy(gidx_hbm.at[wid], gidx_v)
    pltpu.sync_copy(didx_hbm.at[wid], didx_v)
    if staged:
        table_sh = maybe_tbl[0]
        tslc = trows // NS
        pltpu.sync_copy(table_hbm.at[pl.ds(s * tslc, tslc)],
                        table_sh.at[pl.ds(s * tslc, tslc)])
    else:
        table_sh = table_hbm

    base = s * RPT
    pltpu.sync_copy(zacc_hbm, acc_sh.at[pl.ds(base, RPT)])
    if with_deg:
        pltpu.sync_copy(zdeg_hbm, deg_sh.at[pl.ds(base, RPT)])
        pltpu.sync_copy(ones_hbm, ones_v)

    plsc.subcore_barrier()

    def g_issue(j, buf, sem):
        pltpu.async_copy(table_sh.at[gidx_v.at[j]], buf, sem)

    def g_wait(buf, sem):
        pltpu.make_async_copy(table_sh.at[gidx_v.at[0]], buf, sem).wait()

    def scat(j, buf):
        pltpu.sync_copy(buf, acc_sh.at[didx_v.at[j]], add=True)

    if with_deg:
        def win(w, _):
            pltpu.sync_copy(gidx_hbm.at[wid, w], gidx_v)
            g_issue(0, rows_v, gsa)

            def pairw(p, _):
                l = p * 2
                j = w * WCH + l
                g_wait(rows_v, gsa)
                g_issue(jnp.minimum(l + 1, WCH - 1), rows_w, gsb)
                scat(j, rows_v)
                pltpu.sync_copy(ones_v, deg_sh.at[didx_v.at[j]], add=True)
                g_wait(rows_w, gsb)
                g_issue(jnp.minimum(l + 2, WCH - 1), rows_v, gsa)
                scat(j + 1, rows_w)
                pltpu.sync_copy(ones_v, deg_sh.at[didx_v.at[j + 1]],
                                add=True)
                return 0

            lax.fori_loop(0, WCH // 2, pairw, 0)
            g_wait(rows_v, gsa)
            return 0

        lax.fori_loop(0, NCHUNK // WCH, win, 0)
    else:
        g_issue(0, rows_v, gsa)

        def pair(p, _):
            j = p * 2
            g_wait(rows_v, gsa)
            g_issue(jnp.minimum(j + 1, NCHUNK - 1), rows_w, gsb)
            scat(j, rows_v)
            g_wait(rows_w, gsb)
            g_issue(jnp.minimum(j + 2, NCHUNK - 1), rows_v, gsa)
            scat(j + 1, rows_w)
            return 0

        lax.fori_loop(0, NCHUNK // 2, pair, 0)
        g_wait(rows_v, gsa)

    plsc.subcore_barrier()

    pltpu.sync_copy(acc_sh.at[pl.ds(base, RPT)], acc_out.at[c, pl.ds(base, RPT)])
    if with_deg:
        pltpu.sync_copy(deg_sh.at[pl.ds(base, RPT)], deg_out.at[c, pl.ds(base, RPT)])


def _make_edge_pass(F, trows, with_deg, staged):
    mesh = plsc.VectorSubcoreMesh(core_axis_name="c", subcore_axis_name="s")
    out_type = [jax.ShapeDtypeStruct((NC, NPAD, F), jnp.float32)]
    scratch = [
        pltpu.VMEM((WCH if with_deg else NCHUNK, CH), jnp.int32),
        pltpu.VMEM((NCHUNK, CH), jnp.int32),
        pltpu.VMEM((CH, F), jnp.float32),
        pltpu.VMEM((CH, F), jnp.float32),
        pltpu.SemaphoreType.DMA,
        pltpu.SemaphoreType.DMA,
    ]
    if staged:
        scratch.append(pltpu.VMEM_SHARED((trows, F), jnp.float32))
    scratch.append(pltpu.VMEM_SHARED((NPAD, F), jnp.float32))
    if with_deg:
        out_type.append(jax.ShapeDtypeStruct((NC, NPAD, DEGW), jnp.float32))
        scratch += [
            pltpu.VMEM((CH, DEGW), jnp.float32),
            pltpu.VMEM_SHARED((NPAD, DEGW), jnp.float32),
        ]
    return pl.kernel(
        functools.partial(_edge_pass_body, with_deg, F, trows, staged),
        out_type=out_type,
        mesh=mesh,
        scratch_types=scratch,
        compiler_params=pltpu.CompilerParams(use_tc_tiling_on_sc=False),
    )


_edge_pass_rgcn = _make_edge_pass(HID, R * N, True, True)
_edge_pass_gcn = _make_edge_pass(F2, N, False, True)



def _tc_a_body(x_ref, wrel_ref, wself_ref, brg_ref, hrel_ref, selfp_ref):
    xb = x_ref[...]
    for r in range(R):
        hrel_ref[r] = jnp.dot(xb, wrel_ref[r], preferred_element_type=jnp.float32)
    selfp_ref[...] = (
        jnp.dot(xb, wself_ref[...], preferred_element_type=jnp.float32)
        + brg_ref[...]
    )


_tc_a = pl.pallas_call(
    _tc_a_body,
    grid=(NBLK,),
    in_specs=[
        pl.BlockSpec((NB, D), lambda i: (i, 0)),
        pl.BlockSpec((R, D, HID), lambda i: (0, 0, 0)),
        pl.BlockSpec((D, HID), lambda i: (0, 0)),
        pl.BlockSpec((1, HID), lambda i: (0, 0)),
    ],
    out_specs=[
        pl.BlockSpec((R, NB, HID), lambda i: (0, i, 0)),
        pl.BlockSpec((NB, HID), lambda i: (i, 0)),
    ],
    out_shape=[
        jax.ShapeDtypeStruct((R, N, HID), jnp.float32),
        jax.ShapeDtypeStruct((N, HID), jnp.float32),
    ],
)


def _tc_c_body(acc_ref, selfp_ref, degp_ref, w1_ref, g1_ref, dinv_ref):
    h0 = jnp.maximum(acc_ref[0] + acc_ref[1] + selfp_ref[...], 0.0)
    deg = degp_ref[0] + degp_ref[1] + 1.0
    dinv = lax.rsqrt(deg)
    dinv_ref[...] = dinv
    g1_ref[...] = dinv[:, 0:1] * jnp.dot(
        h0, w1_ref[...], preferred_element_type=jnp.float32)


_tc_c = pl.pallas_call(
    _tc_c_body,
    grid=(NBLK,),
    in_specs=[
        pl.BlockSpec((NC, NB, HID), lambda i: (0, i, 0)),
        pl.BlockSpec((NB, HID), lambda i: (i, 0)),
        pl.BlockSpec((NC, NB, DEGW), lambda i: (0, i, 0)),
        pl.BlockSpec((HID, F2), lambda i: (0, 0)),
    ],
    out_specs=[
        pl.BlockSpec((NB, F2), lambda i: (i, 0)),
        pl.BlockSpec((NB, DEGW), lambda i: (i, 0)),
    ],
    out_shape=[
        jax.ShapeDtypeStruct((N, F2), jnp.float32),
        jax.ShapeDtypeStruct((N, DEGW), jnp.float32),
    ],
)


def _tc_e_body(acc_ref, g1_ref, dinv_ref, w3_ref, b1_ref, g2_ref):
    dinv1 = dinv_ref[:, 0:1]
    out1 = jnp.maximum(
        dinv1 * (acc_ref[0] + acc_ref[1] + g1_ref[...]) + b1_ref[...], 0.0)
    g2_ref[...] = dinv1 * jnp.dot(
        out1, w3_ref[...], preferred_element_type=jnp.float32)


_tc_e = pl.pallas_call(
    _tc_e_body,
    grid=(NBLK,),
    in_specs=[
        pl.BlockSpec((NC, NB, F2), lambda i: (0, i, 0)),
        pl.BlockSpec((NB, F2), lambda i: (i, 0)),
        pl.BlockSpec((NB, DEGW), lambda i: (i, 0)),
        pl.BlockSpec((F2, F2), lambda i: (0, 0)),
        pl.BlockSpec((1, F2), lambda i: (0, 0)),
    ],
    out_specs=pl.BlockSpec((NB, F2), lambda i: (i, 0)),
    out_shape=jax.ShapeDtypeStruct((N, F2), jnp.float32),
)


def _tc_g_body(acc_ref, g2_ref, dinv_ref, batch_ref, b3_ref, wl1_ref, bl1_ref,
               wl2_ref, bl2_ref, out_ref, pool_ref, cnt_ref):
    i = pl.program_id(0)

    @pl.when(i == 0)
    def _init():
        pool_ref[...] = jnp.zeros_like(pool_ref)
        cnt_ref[...] = jnp.zeros_like(cnt_ref)

    dinv1 = dinv_ref[:, 0:1]
    h2 = dinv1 * (acc_ref[0] + acc_ref[1] + g2_ref[...]) + b3_ref[...]
    onehot = (batch_ref[...] == lax.broadcasted_iota(
        jnp.int32, (NB, G), 1)).astype(jnp.float32)
    dn = (((0,), (0,)), ((), ()))
    pool_ref[...] += lax.dot_general(
        onehot, h2, dn, preferred_element_type=jnp.float32)
    cnt_ref[...] += lax.dot_general(
        onehot, jnp.ones((NB, 1), jnp.float32), dn,
        preferred_element_type=jnp.float32)

    @pl.when(i == NBLK - 1)
    def _fin():
        pooled = pool_ref[...] / jnp.maximum(cnt_ref[...], 1.0)
        o1 = jnp.dot(pooled, wl1_ref[...],
                     preferred_element_type=jnp.float32) + bl1_ref[...]
        o2 = jnp.dot(o1, wl2_ref[...],
                     preferred_element_type=jnp.float32) + bl2_ref[...]
        m = jnp.max(o2, axis=-1, keepdims=True)
        ex = jnp.exp(o2 - m)
        out_ref[...] = ex / jnp.sum(ex, axis=-1, keepdims=True)


_tc_g = pl.pallas_call(
    _tc_g_body,
    grid=(NBLK,),
    in_specs=[
        pl.BlockSpec((NC, NB, F2), lambda i: (0, i, 0)),
        pl.BlockSpec((NB, F2), lambda i: (i, 0)),
        pl.BlockSpec((NB, DEGW), lambda i: (i, 0)),
        pl.BlockSpec((NB, 1), lambda i: (i, 0)),
        pl.BlockSpec((1, F2), lambda i: (0, 0)),
        pl.BlockSpec((F2, 32), lambda i: (0, 0)),
        pl.BlockSpec((1, 32), lambda i: (0, 0)),
        pl.BlockSpec((32, OUT), lambda i: (0, 0)),
        pl.BlockSpec((1, OUT), lambda i: (0, 0)),
    ],
    out_specs=pl.BlockSpec((G, OUT), lambda i: (0, 0)),
    out_shape=jax.ShapeDtypeStruct((G, OUT), jnp.float32),
    scratch_shapes=[
        pltpu.VMEM((G, F2), jnp.float32),
        pltpu.VMEM((G, 1), jnp.float32),
    ],
)



def kernel(x, edge_index, edge_attr, batch, W_rel, W_self, b_rgcn,
           W1, b1, W3, b3, Wl1, bl1, Wl2, bl2):
    src = edge_index[0]
    dst = edge_index[1]
    pad = E_PAD - E
    zpad = jnp.zeros((pad,), jnp.int32)
    gidx1 = jnp.concatenate([edge_attr * N + src, zpad]).reshape(
        NW, NCHUNK // WCH, WCH, CH)
    src_p = jnp.concatenate([src, zpad]).reshape(NW, NCHUNK, CH)
    didx = jnp.concatenate([dst, jnp.full((pad,), N, jnp.int32)]
                           ).reshape(NW, NCHUNK, CH)

    zacc1 = jnp.zeros((RPT, HID), jnp.float32)
    zacc2 = jnp.zeros((RPT, F2), jnp.float32)
    zdeg = jnp.zeros((RPT, DEGW), jnp.float32)
    ones_deg = jnp.ones((CH, DEGW), jnp.float32)

    hrel, selfp = _tc_a(x, W_rel, W_self, b_rgcn.reshape(1, HID))
    acc0, degp = _edge_pass_rgcn(hrel.reshape(R * N, HID), gidx1, didx,
                                 zacc1, zdeg, ones_deg)
    g1, dinv = _tc_c(acc0, selfp, degp, W1)
    acc1, = _edge_pass_gcn(g1, src_p, didx, zacc2)
    g2 = _tc_e(acc1, g1, dinv, W3, b1.reshape(1, F2))
    acc2, = _edge_pass_gcn(g2, src_p, didx, zacc2)
    return _tc_g(acc2, g2, dinv, batch.reshape(N, 1), b3.reshape(1, F2),
                 Wl1, bl1.reshape(1, 32), Wl2, bl2.reshape(1, OUT))

# --- scband reference (transcript-rebuilt; emitter-appended) ---
"""Pipeline reference for scband-gcn-67242007986724 (READ-ONLY COPY).

The authoritative reference and input builder live on the scoring server;
editing this copy changes nothing except your own understanding.
"""

import jax, jax.numpy as jnp
import numpy as np

N, E, D, R, G = 10000, 320000, 128, 4, 64
HID, OUT = 32, 10


def setup_inputs(seed: int = 0):
    key = jax.random.key(seed)
    ks = jax.random.split(key, 20)

    def glorot(k, shape):
        fan_in, fan_out = shape[-2], shape[-1]
        lim = float(np.sqrt(6.0 / (fan_in + fan_out)))
        return jax.random.uniform(k, shape, jnp.float32, -lim, lim)

    inp = {}
    inp['x'] = jax.random.normal(ks[0], (N, D), dtype=jnp.float32)
    inp['edge_index'] = jax.random.randint(ks[1], (2, E), 0, N, dtype=jnp.int32)
    inp['edge_attr'] = jax.random.randint(ks[2], (E,), 0, R, dtype=jnp.int32)
    inp['batch'] = jnp.sort(jax.random.randint(ks[3], (N,), 0, G, dtype=jnp.int32))
    # RGCN(input_dim=128 -> 32, n_relations=4, n_layers=1)
    inp['W_rel'] = glorot(ks[4], (R, D, HID))
    inp['W_self'] = glorot(ks[5], (D, HID))
    inp['b_rgcn'] = jnp.zeros((HID,), jnp.float32)
    # GCNConv(32 -> 64) and GCNConv(64 -> 64)
    inp['W1'] = glorot(ks[6], (HID, 64)); inp['b1'] = jnp.zeros((64,), jnp.float32)
    inp['W3'] = glorot(ks[7], (64, 64)); inp['b3'] = jnp.zeros((64,), jnp.float32)
    # Linear(64 -> 32), Linear(32 -> output_dim)
    inp['Wl1'] = glorot(ks[8], (64, 32)); inp['bl1'] = jnp.zeros((32,), jnp.float32)
    inp['Wl2'] = glorot(ks[9], (32, OUT)); inp['bl2'] = jnp.zeros((OUT,), jnp.float32)
    return inp


def _gcn_conv(x, edge_index, W, b):
    # PyG GCNConv: add self-loops, symmetric normalization D^-1/2 A D^-1/2
    n = x.shape[0]
    loop = jnp.arange(n, dtype=edge_index.dtype)
    src = jnp.concatenate([edge_index[0], loop])
    dst = jnp.concatenate([edge_index[1], loop])
    deg = jax.ops.segment_sum(jnp.ones_like(src, dtype=jnp.float32), dst, num_segments=n)
    dinv = jnp.where(deg > 0, jax.lax.rsqrt(jnp.maximum(deg, 1e-12)), 0.0)
    norm = dinv[src] * dinv[dst]
    h = x @ W
    msg = h[src] * norm[:, None]
    return jax.ops.segment_sum(msg, dst, num_segments=n) + b


def _rgcn(x, edge_index, edge_attr, W_rel, W_self, b):
    # messages: W_{r(e)} x_src, sum-aggregated at dst, plus self transform
    n = x.shape[0]
    h_rel = jnp.einsum('nd,rdh->rnh', x, W_rel)
    msg = h_rel[edge_attr, edge_index[0]]
    agg = jax.ops.segment_sum(msg, edge_index[1], num_segments=n)
    return agg + x @ W_self + b


def reference(x, edge_index, edge_attr, batch, W_rel, W_self, b_rgcn, W1, b1, W3, b3, Wl1, bl1, Wl2, bl2):
    h = _rgcn(x, edge_index, edge_attr, W_rel, W_self, b_rgcn)
    h = jax.nn.relu(h)
    # dropout p=0.3 is identity at inference
    h = _gcn_conv(h, edge_index, W1, b1)
    h = jax.nn.relu(h)
    h = _gcn_conv(h, edge_index, W3, b3)
    cnt = jax.ops.segment_sum(jnp.ones((h.shape[0],), jnp.float32), batch, num_segments=G)
    pooled = jax.ops.segment_sum(h, batch, num_segments=G) / jnp.maximum(cnt, 1.0)[:, None]
    out = pooled @ Wl1 + bl1
    out = out @ Wl2 + bl2
    return jax.nn.softmax(out, axis=-1)

if __name__ == "__main__":
    import jax
    _d = setup_inputs()
    print(jax.jit(kernel)(*tuple(_d.values())))

</pallas_src>

<mosaic_0001>
#map = affine_map<(d0, d1) -> (0, 0)>
#map1 = affine_map<(d0, d1) -> (0, 0, 0)>
module attributes {stable_mosaic.version = 14 : i64} {
  func.func @_edge_pass_body(%arg0: i32, %arg1: i32, %arg2: memref<10000x64xf32, #tpu.memory_space<hbm>>, %arg3: memref<32x80x128xi32, #tpu.memory_space<hbm>>, %arg4: memref<32x80x128xi32, #tpu.memory_space<hbm>>, %arg5: memref<632x64xf32, #tpu.memory_space<hbm>>, %arg6: memref<2x10112x64xf32, #tpu.memory_space<hbm>>, %arg7: memref<80x128xi32, #tpu.memory_space<vmem>>, %arg8: memref<80x128xi32, #tpu.memory_space<vmem>>, %arg9: memref<128x64xf32, #tpu.memory_space<vmem>>, %arg10: memref<128x64xf32, #tpu.memory_space<vmem>>, %arg11: memref<!tpu.dma_semaphore, #tpu.memory_space<semaphore_mem>>, %arg12: memref<!tpu.dma_semaphore, #tpu.memory_space<semaphore_mem>>, %arg13: memref<10000x64xf32, #tpu.memory_space<vmem_shared>>, %arg14: memref<10112x64xf32, #tpu.memory_space<vmem_shared>>) attributes {dimension_semantics = [#tpu.dimension_semantics<core_parallel>, #tpu.dimension_semantics<subcore_parallel>], iteration_bounds = array<i64: 2, 16>, scalar_prefetch = 0 : i64, scratch_operands = 8 : i64, tpu.core_type = #tpu.core_type<sc_vector_subcore>, window_params = [{transform_indices = #map}, {transform_indices = #map1}, {transform_indices = #map1}, {transform_indices = #map}, {transform_indices = #map1}]} {
    %mul3A = arith.constant 2 : i32
    %mul3A_0 = arith.muli %arg1, %mul3A : i32
    %add3A = arith.addi %mul3A_0, %arg0 : i32
    "tpu.region"() ({
      %run_scoped3A = tpu.sem_alloc : memref<!tpu.dma_semaphore, #tpu.memory_space<semaphore_mem>>
      %dma_start3A_26 = arith.constant 0 : i32
      %dma_start3A_27 = arith.constant 0 : i32
      %dma_start3A_28 = tpu.memref_slice %arg3[%add3A, %dma_start3A_26, %dma_start3A_27] : memref<32x80x128xi32, #tpu.memory_space<hbm>> -> memref<1x80x128xi32, #tpu.memory_space<hbm>>
      %dma_start3A_29 = tpu.memref_squeeze %dma_start3A_28 : memref<1x80x128xi32, #tpu.memory_space<hbm>> -> memref<80x128xi32, #tpu.memory_space<hbm>>
      %dma_start3A_30 = arith.constant 0 : i32
      %dma_start3A_31 = arith.constant 0 : i32
      %dma_start3A_32 = tpu.memref_slice %arg3[%add3A, %dma_start3A_30, %dma_start3A_31] : memref<32x80x128xi32, #tpu.memory_space<hbm>> -> memref<1x80x128xi32, #tpu.memory_space<hbm>>
      %dma_start3A_33 = tpu.memref_squeeze %dma_start3A_32 : memref<1x80x128xi32, #tpu.memory_space<hbm>> -> memref<80x128xi32, #tpu.memory_space<hbm>>
      tpu.enqueue_dma source(%dma_start3A_33 : memref<80x128xi32, #tpu.memory_space<hbm>>) target(%arg7 : memref<80x128xi32, #tpu.memory_space<vmem>>) target_semaphore(%run_scoped3A : memref<!tpu.dma_semaphore, #tpu.memory_space<semaphore_mem>>)
      %dma_wait3A_34 = arith.constant 0 : i32
      %dma_wait3A_35 = arith.constant 0 : i32
      %dma_wait3A_36 = tpu.memref_slice %arg3[%add3A, %dma_wait3A_34, %dma_wait3A_35] : memref<32x80x128xi32, #tpu.memory_space<hbm>> -> memref<1x80x128xi32, #tpu.memory_space<hbm>>
      %dma_wait3A_37 = tpu.memref_squeeze %dma_wait3A_36 : memref<1x80x128xi32, #tpu.memory_space<hbm>> -> memref<80x128xi32, #tpu.memory_space<hbm>>
      %dma_wait3A_38 = arith.constant 0 : i32
      %dma_wait3A_39 = arith.constant 0 : i32
      %dma_wait3A_40 = tpu.memref_slice %arg3[%add3A, %dma_wait3A_38, %dma_wait3A_39] : memref<32x80x128xi32, #tpu.memory_space<hbm>> -> memref<1x80x128xi32, #tpu.memory_space<hbm>>
      %dma_wait3A_41 = tpu.memref_squeeze %dma_wait3A_40 : memref<1x80x128xi32, #tpu.memory_space<hbm>> -> memref<80x128xi32, #tpu.memory_space<hbm>>
      tpu.wait_dma2 semaphore(%run_scoped3A : memref<!tpu.dma_semaphore, #tpu.memory_space<semaphore_mem>>) src(%dma_wait3A_41 : memref<80x128xi32, #tpu.memory_space<hbm>>) dst(%arg7 : memref<80x128xi32, #tpu.memory_space<vmem>>)
      tpu.yield
    }) : () -> ()
    "tpu.region"() ({
      %run_scoped3A = tpu.sem_alloc : memref<!tpu.dma_semaphore, #tpu.memory_space<semaphore_mem>>
      %dma_start3A_26 = arith.constant 0 : i32
      %dma_start3A_27 = arith.constant 0 : i32
      %dma_start3A_28 = tpu.memref_slice %arg4[%add3A, %dma_start3A_26, %dma_start3A_27] : memref<32x80x128xi32, #tpu.memory_space<hbm>> -> memref<1x80x128xi32, #tpu.memory_space<hbm>>
      %dma_start3A_29 = tpu.memref_squeeze %dma_start3A_28 : memref<1x80x128xi32, #tpu.memory_space<hbm>> -> memref<80x128xi32, #tpu.memory_space<hbm>>
      %dma_start3A_30 = arith.constant 0 : i32
      %dma_start3A_31 = arith.constant 0 : i32
      %dma_start3A_32 = tpu.memref_slice %arg4[%add3A, %dma_start3A_30, %dma_start3A_31] : memref<32x80x128xi32, #tpu.memory_space<hbm>> -> memref<1x80x128xi32, #tpu.memory_space<hbm>>
      %dma_start3A_33 = tpu.memref_squeeze %dma_start3A_32 : memref<1x80x128xi32, #tpu.memory_space<hbm>> -> memref<80x128xi32, #tpu.memory_space<hbm>>
      tpu.enqueue_dma source(%dma_start3A_33 : memref<80x128xi32, #tpu.memory_space<hbm>>) target(%arg8 : memref<80x128xi32, #tpu.memory_space<vmem>>) target_semaphore(%run_scoped3A : memref<!tpu.dma_semaphore, #tpu.memory_space<semaphore_mem>>)
      %dma_wait3A_34 = arith.constant 0 : i32
      %dma_wait3A_35 = arith.constant 0 : i32
      %dma_wait3A_36 = tpu.memref_slice %arg4[%add3A, %dma_wait3A_34, %dma_wait3A_35] : memref<32x80x128xi32, #tpu.memory_space<hbm>> -> memref<1x80x128xi32, #tpu.memory_space<hbm>>
      %dma_wait3A_37 = tpu.memref_squeeze %dma_wait3A_36 : memref<1x80x128xi32, #tpu.memory_space<hbm>> -> memref<80x128xi32, #tpu.memory_space<hbm>>
      %dma_wait3A_38 = arith.constant 0 : i32
      %dma_wait3A_39 = arith.constant 0 : i32
      %dma_wait3A_40 = tpu.memref_slice %arg4[%add3A, %dma_wait3A_38, %dma_wait3A_39] : memref<32x80x128xi32, #tpu.memory_space<hbm>> -> memref<1x80x128xi32, #tpu.memory_space<hbm>>
      %dma_wait3A_41 = tpu.memref_squeeze %dma_wait3A_40 : memref<1x80x128xi32, #tpu.memory_space<hbm>> -> memref<80x128xi32, #tpu.memory_space<hbm>>
      tpu.wait_dma2 semaphore(%run_scoped3A : memref<!tpu.dma_semaphore, #tpu.memory_space<semaphore_mem>>) src(%dma_wait3A_41 : memref<80x128xi32, #tpu.memory_space<hbm>>) dst(%arg8 : memref<80x128xi32, #tpu.memory_space<vmem>>)
      tpu.yield
    }) : () -> ()
    %mul3A_1 = arith.constant 625 : i32
    %mul3A_2 = arith.muli %arg1, %mul3A_1 : i32
    %mul3A_3 = arith.constant 625 : i32
    %mul3A_4 = arith.muli %arg1, %mul3A_3 : i32
    "tpu.region"() ({
      %run_scoped3A = tpu.sem_alloc : memref<!tpu.dma_semaphore, #tpu.memory_space<semaphore_mem>>
      %dma_start3A_26 = arith.constant 0 : i32
      %dma_start3A_27 = tpu.memref_slice %arg13[%mul3A_4, %dma_start3A_26] : memref<10000x64xf32, #tpu.memory_space<vmem_shared>> -> memref<625x64xf32, #tpu.memory_space<vmem_shared>>
      %dma_start3A_28 = arith.constant 0 : i32
      %dma_start3A_29 = tpu.memref_slice %arg2[%mul3A_2, %dma_start3A_28] : memref<10000x64xf32, #tpu.memory_space<hbm>> -> memref<625x64xf32, #tpu.memory_space<hbm>>
      tpu.enqueue_dma source(%dma_start3A_29 : memref<625x64xf32, #tpu.memory_space<hbm>>) target(%dma_start3A_27 : memref<625x64xf32, #tpu.memory_space<vmem_shared>>) target_semaphore(%run_scoped3A : memref<!tpu.dma_semaphore, #tpu.memory_space<semaphore_mem>>)
      %dma_wait3A_30 = arith.constant 0 : i32
      %dma_wait3A_31 = tpu.memref_slice %arg13[%mul3A_4, %dma_wait3A_30] : memref<10000x64xf32, #tpu.memory_space<vmem_shared>> -> memref<625x64xf32, #tpu.memory_space<vmem_shared>>
      %dma_wait3A_32 = arith.constant 0 : i32
      %dma_wait3A_33 = tpu.memref_slice %arg2[%mul3A_2, %dma_wait3A_32] : memref<10000x64xf32, #tpu.memory_space<hbm>> -> memref<625x64xf32, #tpu.memory_space<hbm>>
      tpu.wait_dma2 semaphore(%run_scoped3A : memref<!tpu.dma_semaphore, #tpu.memory_space<semaphore_mem>>) src(%dma_wait3A_33 : memref<625x64xf32, #tpu.memory_space<hbm>>) dst(%dma_wait3A_31 : memref<625x64xf32, #tpu.memory_space<vmem_shared>>)
      tpu.yield
    }) : () -> ()
    %mul3A_5 = arith.constant 632 : i32
    %mul3A_6 = arith.muli %arg1, %mul3A_5 : i32
    "tpu.region"() ({
      %run_scoped3A = tpu.sem_alloc : memref<!tpu.dma_semaphore, #tpu.memory_space<semaphore_mem>>
      %dma_start3A_26 = arith.constant 0 : i32
      %dma_start3A_27 = tpu.memref_slice %arg14[%mul3A_6, %dma_start3A_26] : memref<10112x64xf32, #tpu.memory_space<vmem_shared>> -> memref<632x64xf32, #tpu.memory_space<vmem_shared>>
      tpu.enqueue_dma source(%arg5 : memref<632x64xf32, #tpu.memory_space<hbm>>) target(%dma_start3A_27 : memref<632x64xf32, #tpu.memory_space<vmem_shared>>) target_semaphore(%run_scoped3A : memref<!tpu.dma_semaphore, #tpu.memory_space<semaphore_mem>>)
      %dma_wait3A_28 = arith.constant 0 : i32
      %dma_wait3A_29 = tpu.memref_slice %arg14[%mul3A_6, %dma_wait3A_28] : memref<10112x64xf32, #tpu.memory_space<vmem_shared>> -> memref<632x64xf32, #tpu.memory_space<vmem_shared>>
      tpu.wait_dma2 semaphore(%run_scoped3A : memref<!tpu.dma_semaphore, #tpu.memory_space<semaphore_mem>>) src(%arg5 : memref<632x64xf32, #tpu.memory_space<hbm>>) dst(%dma_wait3A_29 : memref<632x64xf32, #tpu.memory_space<vmem_shared>>)
      tpu.yield
    }) : () -> ()
    %barrier3A = arith.constant 0 : index
    tpu.barrier barrier_id(%barrier3A)
    %dma_start3A = arith.constant 0 : i32
    %dma_start3A_7 = arith.constant 0 : i32
    %dma_start3A_8 = tpu.memref_slice %arg7[%dma_start3A, %dma_start3A_7] : memref<80x128xi32, #tpu.memory_space<vmem>> -> memref<1x128xi32, #tpu.memory_space<vmem>>
    %dma_start3A_9 = tpu.memref_squeeze %dma_start3A_8 : memref<1x128xi32, #tpu.memory_space<vmem>> -> memref<128xi32, #tpu.memory_space<vmem>>
    %dma_start3A_10 = arith.constant 0 : i32
    %dma_start3A_11 = arith.constant 0 : i32
    %dma_start3A_12 = tpu.memref_slice %arg13[%dma_start3A_10, %dma_start3A_11] : memref<10000x64xf32, #tpu.memory_space<vmem_shared>> -> memref<10000x64xf32, #tpu.memory_space<vmem_shared>>
    tpu.enqueue_indirect_dma source(%dma_start3A_12 : memref<10000x64xf32, #tpu.memory_space<vmem_shared>>) target(%arg9 : memref<128x64xf32, #tpu.memory_space<vmem>>) offsets(%dma_start3A_9 : memref<128xi32, #tpu.memory_space<vmem>>) semaphore(%arg11 : memref<!tpu.dma_semaphore, #tpu.memory_space<semaphore_mem>>)
    %scan3A = arith.constant 0 : i32
    %scan3A_13 = arith.constant 0 : i32
    %scan3A_14 = arith.constant 40 : i32
    %scan3A_15 = arith.addi %scan3A_13, %scan3A_14 : i32
    %scan3A_16 = arith.constant 1 : i32
    %scan3A_17 = scf.for %scan3A_26 = %scan3A_13 to %scan3A_15 step %scan3A_16 iter_args(%scan3A_27 = %scan3A) -> (i32)  : i32 {
      %mul3A_28 = arith.constant 2 : i32
      %mul3A_29 = arith.muli %scan3A_26, %mul3A_28 : i32
      %dma_wait3A_30 = arith.constant 0 : i32
      %dma_wait3A_31 = arith.constant 0 : i32
      %dma_wait3A_32 = tpu.memref_slice %arg7[%dma_wait3A_30, %dma_wait3A_31] : memref<80x128xi32, #tpu.memory_space<vmem>> -> memref<1x128xi32, #tpu.memory_space<vmem>>
      %dma_wait3A_33 = tpu.memref_squeeze %dma_wait3A_32 : memref<1x128xi32, #tpu.memory_space<vmem>> -> memref<128xi32, #tpu.memory_space<vmem>>
      %dma_wait3A_34 = arith.constant 0 : i32
      %dma_wait3A_35 = arith.constant 0 : i32
      %dma_wait3A_36 = tpu.memref_slice %arg13[%dma_wait3A_34, %dma_wait3A_35] : memref<10000x64xf32, #tpu.memory_space<vmem_shared>> -> memref<10000x64xf32, #tpu.memory_space<vmem_shared>>
      tpu.wait_indirect_dma semaphore(%arg11 : memref<!tpu.dma_semaphore, #tpu.memory_space<semaphore_mem>>) src(%dma_wait3A_36 : memref<10000x64xf32, #tpu.memory_space<vmem_shared>>) dst(%arg9 : memref<128x64xf32, #tpu.memory_space<vmem>>)
      %add3A_37 = arith.constant 1 : i32
      %add3A_38 = arith.addi %mul3A_29, %add3A_37 : i32
      %min3A = arith.constant 79 : i32
      %min3A_39 = arith.minsi %add3A_38, %min3A : i32
      %dma_start3A_40 = arith.constant 0 : i32
      %dma_start3A_41 = tpu.memref_slice %arg7[%min3A_39, %dma_start3A_40] : memref<80x128xi32, #tpu.memory_space<vmem>> -> memref<1x128xi32, #tpu.memory_space<vmem>>
      %dma_start3A_42 = tpu.memref_squeeze %dma_start3A_41 : memref<1x128xi32, #tpu.memory_space<vmem>> -> memref<128xi32, #tpu.memory_space<vmem>>
      %dma_start3A_43 = arith.constant 0 : i32
      %dma_start3A_44 = arith.constant 0 : i32
      %dma_start3A_45 = tpu.memref_slice %arg13[%dma_start3A_43, %dma_start3A_44] : memref<10000x64xf32, #tpu.memory_space<vmem_shared>> -> memref<10000x64xf32, #tpu.memory_space<vmem_shared>>
      tpu.enqueue_indirect_dma source(%dma_start3A_45 : memref<10000x64xf32, #tpu.memory_space<vmem_shared>>) target(%arg10 : memref<128x64xf32, #tpu.memory_space<vmem>>) offsets(%dma_start3A_42 : memref<128xi32, #tpu.memory_space<vmem>>) semaphore(%arg12 : memref<!tpu.dma_semaphore, #tpu.memory_space<semaphore_mem>>)
      "tpu.region"() ({
        %run_scoped3A = tpu.sem_alloc : memref<!tpu.dma_semaphore, #tpu.memory_space<semaphore_mem>>
        %dma_start3A_66 = arith.constant 0 : i32
        %dma_start3A_67 = tpu.memref_slice %arg8[%mul3A_29, %dma_start3A_66] : memref<80x128xi32, #tpu.memory_space<vmem>> -> memref<1x128xi32, #tpu.memory_space<vmem>>
        %dma_start3A_68 = tpu.memref_squeeze %dma_start3A_67 : memref<1x128xi32, #tpu.memory_space<vmem>> -> memref<128xi32, #tpu.memory_space<vmem>>
        %dma_start3A_69 = arith.constant 0 : i32
        %dma_start3A_70 = arith.constant 0 : i32
        %dma_start3A_71 = tpu.memref_slice %arg14[%dma_start3A_69, %dma_start3A_70] : memref<10112x64xf32, #tpu.memory_space<vmem_shared>> -> memref<10112x64xf32, #tpu.memory_space<vmem_shared>>
        tpu.enqueue_indirect_dma source(%arg9 : memref<128x64xf32, #tpu.memory_space<vmem>>) target(%dma_start3A_71 : memref<10112x64xf32, #tpu.memory_space<vmem_shared>>) offsets(%dma_start3A_68 : memref<128xi32, #tpu.memory_space<vmem>>) semaphore(%run_scoped3A : memref<!tpu.dma_semaphore, #tpu.memory_space<semaphore_mem>>) {add = true}
        %dma_wait3A_72 = arith.constant 0 : i32
        %dma_wait3A_73 = tpu.memref_slice %arg8[%mul3A_29, %dma_wait3A_72] : memref<80x128xi32, #tpu.memory_space<vmem>> -> memref<1x128xi32, #tpu.memory_space<vmem>>
        %dma_wait3A_74 = tpu.memref_squeeze %dma_wait3A_73 : memref<1x128xi32, #tpu.memory_space<vmem>> -> memref<128xi32, #tpu.memory_space<vmem>>
        %dma_wait3A_75 = arith.constant 0 : i32
        %dma_wait3A_76 = arith.constant 0 : i32
        %dma_wait3A_77 = tpu.memref_slice %arg14[%dma_wait3A_75, %dma_wait3A_76] : memref<10112x64xf32, #tpu.memory_space<vmem_shared>> -> memref<10112x64xf32, #tpu.memory_space<vmem_shared>>
        tpu.wait_indirect_dma semaphore(%run_scoped3A : memref<!tpu.dma_semaphore, #tpu.memory_space<semaphore_mem>>) src(%arg9 : memref<128x64xf32, #tpu.memory_space<vmem>>) dst(%dma_wait3A_77 : memref<10112x64xf32, #tpu.memory_space<vmem_shared>>)
        tpu.yield
      }) : () -> ()
      %dma_wait3A_46 = arith.constant 0 : i32
      %dma_wait3A_47 = arith.constant 0 : i32
      %dma_wait3A_48 = tpu.memref_slice %arg7[%dma_wait3A_46, %dma_wait3A_47] : memref<80x128xi32, #tpu.memory_space<vmem>> -> memref<1x128xi32, #tpu.memory_space<vmem>>
      %dma_wait3A_49 = tpu.memref_squeeze %dma_wait3A_48 : memref<1x128xi32, #tpu.memory_space<vmem>> -> memref<128xi32, #tpu.memory_space<vmem>>
      %dma_wait3A_50 = arith.constant 0 : i32
      %dma_wait3A_51 = arith.constant 0 : i32
      %dma_wait3A_52 = tpu.memref_slice %arg13[%dma_wait3A_50, %dma_wait3A_51] : memref<10000x64xf32, #tpu.memory_space<vmem_shared>> -> memref<10000x64xf32, #tpu.memory_space<vmem_shared>>
      tpu.wait_indirect_dma semaphore(%arg12 : memref<!tpu.dma_semaphore, #tpu.memory_space<semaphore_mem>>) src(%dma_wait3A_52 : memref<10000x64xf32, #tpu.memory_space<vmem_shared>>) dst(%arg10 : memref<128x64xf32, #tpu.memory_space<vmem>>)
      %add3A_53 = arith.constant 2 : i32
      %add3A_54 = arith.addi %mul3A_29, %add3A_53 : i32
      %min3A_55 = arith.constant 79 : i32
      %min3A_56 = arith.minsi %add3A_54, %min3A_55 : i32
      %dma_start3A_57 = arith.constant 0 : i32
      %dma_start3A_58 = tpu.memref_slice %arg7[%min3A_56, %dma_start3A_57] : memref<80x128xi32, #tpu.memory_space<vmem>> -> memref<1x128xi32, #tpu.memory_space<vmem>>
      %dma_start3A_59 = tpu.memref_squeeze %dma_start3A_58 : memref<1x128xi32, #tpu.memory_space<vmem>> -> memref<128xi32, #tpu.memory_space<vmem>>
      %dma_start3A_60 = arith.constant 0 : i32
      %dma_start3A_61 = arith.constant 0 : i32
      %dma_start3A_62 = tpu.memref_slice %arg13[%dma_start3A_60, %dma_start3A_61] : memref<10000x64xf32, #tpu.memory_space<vmem_shared>> -> memref<10000x64xf32, #tpu.memory_space<vmem_shared>>
      tpu.enqueue_indirect_dma source(%dma_start3A_62 : memref<10000x64xf32, #tpu.memory_space<vmem_shared>>) target(%arg9 : memref<128x64xf32, #tpu.memory_space<vmem>>) offsets(%dma_start3A_59 : memref<128xi32, #tpu.memory_space<vmem>>) semaphore(%arg11 : memref<!tpu.dma_semaphore, #tpu.memory_space<semaphore_mem>>)
      %add3A_63 = arith.constant 1 : i32
      %add3A_64 = arith.addi %mul3A_29, %add3A_63 : i32
      "tpu.region"() ({
        %run_scoped3A = tpu.sem_alloc : memref<!tpu.dma_semaphore, #tpu.memory_space<semaphore_mem>>
        %dma_start3A_66 = arith.constant 0 : i32
        %dma_start3A_67 = tpu.memref_slice %arg8[%add3A_64, %dma_start3A_66] : memref<80x128xi32, #tpu.memory_space<vmem>> -> memref<1x128xi32, #tpu.memory_space<vmem>>
        %dma_start3A_68 = tpu.memref_squeeze %dma_start3A_67 : memref<1x128xi32, #tpu.memory_space<vmem>> -> memref<128xi32, #tpu.memory_space<vmem>>
        %dma_start3A_69 = arith.constant 0 : i32
        %dma_start3A_70 = arith.constant 0 : i32
        %dma_start3A_71 = tpu.memref_slice %arg14[%dma_start3A_69, %dma_start3A_70] : memref<10112x64xf32, #tpu.memory_space<vmem_shared>> -> memref<10112x64xf32, #tpu.memory_space<vmem_shared>>
        tpu.enqueue_indirect_dma source(%arg10 : memref<128x64xf32, #tpu.memory_space<vmem>>) target(%dma_start3A_71 : memref<10112x64xf32, #tpu.memory_space<vmem_shared>>) offsets(%dma_start3A_68 : memref<128xi32, #tpu.memory_space<vmem>>) semaphore(%run_scoped3A : memref<!tpu.dma_semaphore, #tpu.memory_space<semaphore_mem>>) {add = true}
        %dma_wait3A_72 = arith.constant 0 : i32
        %dma_wait3A_73 = tpu.memref_slice %arg8[%add3A_64, %dma_wait3A_72] : memref<80x128xi32, #tpu.memory_space<vmem>> -> memref<1x128xi32, #tpu.memory_space<vmem>>
        %dma_wait3A_74 = tpu.memref_squeeze %dma_wait3A_73 : memref<1x128xi32, #tpu.memory_space<vmem>> -> memref<128xi32, #tpu.memory_space<vmem>>
        %dma_wait3A_75 = arith.constant 0 : i32
        %dma_wait3A_76 = arith.constant 0 : i32
        %dma_wait3A_77 = tpu.memref_slice %arg14[%dma_wait3A_75, %dma_wait3A_76] : memref<10112x64xf32, #tpu.memory_space<vmem_shared>> -> memref<10112x64xf32, #tpu.memory_space<vmem_shared>>
        tpu.wait_indirect_dma semaphore(%run_scoped3A : memref<!tpu.dma_semaphore, #tpu.memory_space<semaphore_mem>>) src(%arg10 : memref<128x64xf32, #tpu.memory_space<vmem>>) dst(%dma_wait3A_77 : memref<10112x64xf32, #tpu.memory_space<vmem_shared>>)
        tpu.yield
      }) : () -> ()
      %scan3A_65 = arith.constant 0 : i32
      scf.yield %scan3A_65 : i32
    }
    %scan3A_18 = arith.constant 40 : i32
    %dma_wait3A = arith.constant 0 : i32
    %dma_wait3A_19 = arith.constant 0 : i32
    %dma_wait3A_20 = tpu.memref_slice %arg7[%dma_wait3A, %dma_wait3A_19] : memref<80x128xi32, #tpu.memory_space<vmem>> -> memref<1x128xi32, #tpu.memory_space<vmem>>
    %dma_wait3A_21 = tpu.memref_squeeze %dma_wait3A_20 : memref<1x128xi32, #tpu.memory_space<vmem>> -> memref<128xi32, #tpu.memory_space<vmem>>
    %dma_wait3A_22 = arith.constant 0 : i32
    %dma_wait3A_23 = arith.constant 0 : i32
    %dma_wait3A_24 = tpu.memref_slice %arg13[%dma_wait3A_22, %dma_wait3A_23] : memref<10000x64xf32, #tpu.memory_space<vmem_shared>> -> memref<10000x64xf32, #tpu.memory_space<vmem_shared>>
    tpu.wait_indirect_dma semaphore(%arg11 : memref<!tpu.dma_semaphore, #tpu.memory_space<semaphore_mem>>) src(%dma_wait3A_24 : memref<10000x64xf32, #tpu.memory_space<vmem_shared>>) dst(%arg9 : memref<128x64xf32, #tpu.memory_space<vmem>>)
    %barrier3A_25 = arith.constant 0 : index
    tpu.barrier barrier_id(%barrier3A_25)
    "tpu.region"() ({
      %run_scoped3A = tpu.sem_alloc : memref<!tpu.dma_semaphore, #tpu.memory_space<semaphore_mem>>
      %dma_start3A_26 = arith.constant 0 : i32
      %dma_start3A_27 = tpu.memref_slice %arg6[%arg0, %mul3A_6, %dma_start3A_26] : memref<2x10112x64xf32, #tpu.memory_space<hbm>> -> memref<1x632x64xf32, #tpu.memory_space<hbm>>
      %dma_start3A_28 = tpu.memref_squeeze %dma_start3A_27 : memref<1x632x64xf32, #tpu.memory_space<hbm>> -> memref<632x64xf32, #tpu.memory_space<hbm>>
      %dma_start3A_29 = arith.constant 0 : i32
      %dma_start3A_30 = tpu.memref_slice %arg14[%mul3A_6, %dma_start3A_29] : memref<10112x64xf32, #tpu.memory_space<vmem_shared>> -> memref<632x64xf32, #tpu.memory_space<vmem_shared>>
      tpu.enqueue_dma source(%dma_start3A_30 : memref<632x64xf32, #tpu.memory_space<vmem_shared>>) target(%dma_start3A_28 : memref<632x64xf32, #tpu.memory_space<hbm>>) target_semaphore(%run_scoped3A : memref<!tpu.dma_semaphore, #tpu.memory_space<semaphore_mem>>)
      %dma_wait3A_31 = arith.constant 0 : i32
      %dma_wait3A_32 = tpu.memref_slice %arg6[%arg0, %mul3A_6, %dma_wait3A_31] : memref<2x10112x64xf32, #tpu.memory_space<hbm>> -> memref<1x632x64xf32, #tpu.memory_space<hbm>>
      %dma_wait3A_33 = tpu.memref_squeeze %dma_wait3A_32 : memref<1x632x64xf32, #tpu.memory_space<hbm>> -> memref<632x64xf32, #tpu.memory_space<hbm>>
      %dma_wait3A_34 = arith.constant 0 : i32
      %dma_wait3A_35 = tpu.memref_slice %arg14[%mul3A_6, %dma_wait3A_34] : memref<10112x64xf32, #tpu.memory_space<vmem_shared>> -> memref<632x64xf32, #tpu.memory_space<vmem_shared>>
      tpu.wait_dma2 semaphore(%run_scoped3A : memref<!tpu.dma_semaphore, #tpu.memory_space<semaphore_mem>>) src(%dma_wait3A_35 : memref<632x64xf32, #tpu.memory_space<vmem_shared>>) dst(%dma_wait3A_33 : memref<632x64xf32, #tpu.memory_space<hbm>>)
      tpu.yield
    }) : () -> ()
    return
  }
}

#map = affine_map<(d0, d1) -> (0, 0)>
#map1 = affine_map<(d0, d1) -> (0, 0, 0, 0)>
#map2 = affine_map<(d0, d1) -> (0, 0, 0)>
module attributes {stable_mosaic.version = 14 : i64} {
  func.func @_edge_pass_body(%arg0: i32, %arg1: i32, %arg2: memref<40000x32xf32, #tpu.memory_space<hbm>>, %arg3: memref<32x5x16x128xi32, #tpu.memory_space<hbm>>, %arg4: memref<32x80x128xi32, #tpu.memory_space<hbm>>, %arg5: memref<632x32xf32, #tpu.memory_space<hbm>>, %arg6: memref<632x8xf32, #tpu.memory_space<hbm>>, %arg7: memref<128x8xf32, #tpu.memory_space<hbm>>, %arg8: memref<2x10112x32xf32, #tpu.memory_space<hbm>>, %arg9: memref<2x10112x8xf32, #tpu.memory_space<hbm>>, %arg10: memref<16x128xi32, #tpu.memory_space<vmem>>, %arg11: memref<80x128xi32, #tpu.memory_space<vmem>>, %arg12: memref<128x32xf32, #tpu.memory_space<vmem>>, %arg13: memref<128x32xf32, #tpu.memory_space<vmem>>, %arg14: memref<!tpu.dma_semaphore, #tpu.memory_space<semaphore_mem>>, %arg15: memref<!tpu.dma_semaphore, #tpu.memory_space<semaphore_mem>>, %arg16: memref<40000x32xf32, #tpu.memory_space<vmem_shared>>, %arg17: memref<10112x32xf32, #tpu.memory_space<vmem_shared>>, %arg18: memref<128x8xf32, #tpu.memory_space<vmem>>, %arg19: memref<10112x8xf32, #tpu.memory_space<vmem_shared>>) attributes {dimension_semantics = [#tpu.dimension_semantics<core_parallel>, #tpu.dimension_semantics<subcore_parallel>], iteration_bounds = array<i64: 2, 16>, scalar_prefetch = 0 : i64, scratch_operands = 10 : i64, tpu.core_type = #tpu.core_type<sc_vector_subcore>, window_params = [{transform_indices = #map}, {transform_indices = #map1}, {transform_indices = #map2}, {transform_indices = #map}, {transform_indices = #map}, {transform_indices = #map}, {transform_indices = #map2}, {transform_indices = #map2}]} {
    %mul3A = arith.constant 2 : i32
    %mul3A_0 = arith.muli %arg1, %mul3A : i32
    %add3A = arith.addi %mul3A_0, %arg0 : i32
    "tpu.region"() ({
      %run_scoped3A = tpu.sem_alloc : memref<!tpu.dma_semaphore, #tpu.memory_space<semaphore_mem>>
      %dma_start3A = arith.constant 0 : i32
      %dma_start3A_14 = arith.constant 0 : i32
      %dma_start3A_15 = tpu.memref_slice %arg4[%add3A, %dma_start3A, %dma_start3A_14] : memref<32x80x128xi32, #tpu.memory_space<hbm>> -> memref<1x80x128xi32, #tpu.memory_space<hbm>>
      %dma_start3A_16 = tpu.memref_squeeze %dma_start3A_15 : memref<1x80x128xi32, #tpu.memory_space<hbm>> -> memref<80x128xi32, #tpu.memory_space<hbm>>
      %dma_start3A_17 = arith.constant 0 : i32
      %dma_start3A_18 = arith.constant 0 : i32
      %dma_start3A_19 = tpu.memref_slice %arg4[%add3A, %dma_start3A_17, %dma_start3A_18] : memref<32x80x128xi32, #tpu.memory_space<hbm>> -> memref<1x80x128xi32, #tpu.memory_space<hbm>>
      %dma_start3A_20 = tpu.memref_squeeze %dma_start3A_19 : memref<1x80x128xi32, #tpu.memory_space<hbm>> -> memref<80x128xi32, #tpu.memory_space<hbm>>
      tpu.enqueue_dma source(%dma_start3A_20 : memref<80x128xi32, #tpu.memory_space<hbm>>) target(%arg11 : memref<80x128xi32, #tpu.memory_space<vmem>>) target_semaphore(%run_scoped3A : memref<!tpu.dma_semaphore, #tpu.memory_space<semaphore_mem>>)
      %dma_wait3A = arith.constant 0 : i32
      %dma_wait3A_21 = arith.constant 0 : i32
      %dma_wait3A_22 = tpu.memref_slice %arg4[%add3A, %dma_wait3A, %dma_wait3A_21] : memref<32x80x128xi32, #tpu.memory_space<hbm>> -> memref<1x80x128xi32, #tpu.memory_space<hbm>>
      %dma_wait3A_23 = tpu.memref_squeeze %dma_wait3A_22 : memref<1x80x128xi32, #tpu.memory_space<hbm>> -> memref<80x128xi32, #tpu.memory_space<hbm>>
      %dma_wait3A_24 = arith.constant 0 : i32
      %dma_wait3A_25 = arith.constant 0 : i32
      %dma_wait3A_26 = tpu.memref_slice %arg4[%add3A, %dma_wait3A_24, %dma_wait3A_25] : memref<32x80x128xi32, #tpu.memory_space<hbm>> -> memref<1x80x128xi32, #tpu.memory_space<hbm>>
      %dma_wait3A_27 = tpu.memref_squeeze %dma_wait3A_26 : memref<1x80x128xi32, #tpu.memory_space<hbm>> -> memref<80x128xi32, #tpu.memory_space<hbm>>
      tpu.wait_dma2 semaphore(%run_scoped3A : memref<!tpu.dma_semaphore, #tpu.memory_space<semaphore_mem>>) src(%dma_wait3A_27 : memref<80x128xi32, #tpu.memory_space<hbm>>) dst(%arg11 : memref<80x128xi32, #tpu.memory_space<vmem>>)
      tpu.yield
    }) : () -> ()
    %mul3A_1 = arith.constant 2500 : i32
    %mul3A_2 = arith.muli %arg1, %mul3A_1 : i32
    %mul3A_3 = arith.constant 2500 : i32
    %mul3A_4 = arith.muli %arg1, %mul3A_3 : i32
    "tpu.region"() ({
      %run_scoped3A = tpu.sem_alloc : memref<!tpu.dma_semaphore, #tpu.memory_space<semaphore_mem>>
      %dma_start3A = arith.constant 0 : i32
      %dma_start3A_14 = tpu.memref_slice %arg16[%mul3A_4, %dma_start3A] : memref<40000x32xf32, #tpu.memory_space<vmem_shared>> -> memref<2500x32xf32, #tpu.memory_space<vmem_shared>>
      %dma_start3A_15 = arith.constant 0 : i32
      %dma_start3A_16 = tpu.memref_slice %arg2[%mul3A_2, %dma_start3A_15] : memref<40000x32xf32, #tpu.memory_space<hbm>> -> memref<2500x32xf32, #tpu.memory_space<hbm>>
      tpu.enqueue_dma source(%dma_start3A_16 : memref<2500x32xf32, #tpu.memory_space<hbm>>) target(%dma_start3A_14 : memref<2500x32xf32, #tpu.memory_space<vmem_shared>>) target_semaphore(%run_scoped3A : memref<!tpu.dma_semaphore, #tpu.memory_space<semaphore_mem>>)
      %dma_wait3A = arith.constant 0 : i32
      %dma_wait3A_17 = tpu.memref_slice %arg16[%mul3A_4, %dma_wait3A] : memref<40000x32xf32, #tpu.memory_space<vmem_shared>> -> memref<2500x32xf32, #tpu.memory_space<vmem_shared>>
      %dma_wait3A_18 = arith.constant 0 : i32
      %dma_wait3A_19 = tpu.memref_slice %arg2[%mul3A_2, %dma_wait3A_18] : memref<40000x32xf32, #tpu.memory_space<hbm>> -> memref<2500x32xf32, #tpu.memory_space<hbm>>
      tpu.wait_dma2 semaphore(%run_scoped3A : memref<!tpu.dma_semaphore, #tpu.memory_space<semaphore_mem>>) src(%dma_wait3A_19 : memref<2500x32xf32, #tpu.memory_space<hbm>>) dst(%dma_wait3A_17 : memref<2500x32xf32, #tpu.memory_space<vmem_shared>>)
      tpu.yield
    }) : () -> ()
    %mul3A_5 = arith.constant 632 : i32
    %mul3A_6 = arith.muli %arg1, %mul3A_5 : i32
    "tpu.region"() ({
      %run_scoped3A = tpu.sem_alloc : memref<!tpu.dma_semaphore, #tpu.memory_space<semaphore_mem>>
      %dma_start3A = arith.constant 0 : i32
      %dma_start3A_14 = tpu.memref_slice %arg17[%mul3A_6, %dma_start3A] : memref<10112x32xf32, #tpu.memory_space<vmem_shared>> -> memref<632x32xf32, #tpu.memory_space<vmem_shared>>
      tpu.enqueue_dma source(%arg5 : memref<632x32xf32, #tpu.memory_space<hbm>>) target(%dma_start3A_14 : memref<632x32xf32, #tpu.memory_space<vmem_shared>>) target_semaphore(%run_scoped3A : memref<!tpu.dma_semaphore, #tpu.memory_space<semaphore_mem>>)
      %dma_wait3A = arith.constant 0 : i32
      %dma_wait3A_15 = tpu.memref_slice %arg17[%mul3A_6, %dma_wait3A] : memref<10112x32xf32, #tpu.memory_space<vmem_shared>> -> memref<632x32xf32, #tpu.memory_space<vmem_shared>>
      tpu.wait_dma2 semaphore(%run_scoped3A : memref<!tpu.dma_semaphore, #tpu.memory_space<semaphore_mem>>) src(%arg5 : memref<632x32xf32, #tpu.memory_space<hbm>>) dst(%dma_wait3A_15 : memref<632x32xf32, #tpu.memory_space<vmem_shared>>)
      tpu.yield
    }) : () -> ()
    "tpu.region"() ({
      %run_scoped3A = tpu.sem_alloc : memref<!tpu.dma_semaphore, #tpu.memory_space<semaphore_mem>>
      %dma_start3A = arith.constant 0 : i32
      %dma_start3A_14 = tpu.memref_slice %arg19[%mul3A_6, %dma_start3A] : memref<10112x8xf32, #tpu.memory_space<vmem_shared>> -> memref<632x8xf32, #tpu.memory_space<vmem_shared>>
      tpu.enqueue_dma source(%arg6 : memref<632x8xf32, #tpu.memory_space<hbm>>) target(%dma_start3A_14 : memref<632x8xf32, #tpu.memory_space<vmem_shared>>) target_semaphore(%run_scoped3A : memref<!tpu.dma_semaphore, #tpu.memory_space<semaphore_mem>>)
      %dma_wait3A = arith.constant 0 : i32
      %dma_wait3A_15 = tpu.memref_slice %arg19[%mul3A_6, %dma_wait3A] : memref<10112x8xf32, #tpu.memory_space<vmem_shared>> -> memref<632x8xf32, #tpu.memory_space<vmem_shared>>
      tpu.wait_dma2 semaphore(%run_scoped3A : memref<!tpu.dma_semaphore, #tpu.memory_space<semaphore_mem>>) src(%arg6 : memref<632x8xf32, #tpu.memory_space<hbm>>) dst(%dma_wait3A_15 : memref<632x8xf32, #tpu.memory_space<vmem_shared>>)
      tpu.yield
    }) : () -> ()
    "tpu.region"() ({
      %run_scoped3A = tpu.sem_alloc : memref<!tpu.dma_semaphore, #tpu.memory_space<semaphore_mem>>
      tpu.enqueue_dma source(%arg7 : memref<128x8xf32, #tpu.memory_space<hbm>>) target(%arg18 : memref<128x8xf32, #tpu.memory_space<vmem>>) target_semaphore(%run_scoped3A : memref<!tpu.dma_semaphore, #tpu.memory_space<semaphore_mem>>)
      tpu.wait_dma2 semaphore(%run_scoped3A : memref<!tpu.dma_semaphore, #tpu.memory_space<semaphore_mem>>) src(%arg7 : memref<128x8xf32, #tpu.memory_space<hbm>>) dst(%arg18 : memref<128x8xf32, #tpu.memory_space<vmem>>)
      tpu.yield
    }) : () -> ()
    %barrier3A = arith.constant 0 : index
    tpu.barrier barrier_id(%barrier3A)
    %scan3A = arith.constant 0 : i32
    %scan3A_7 = arith.constant 0 : i32
    %scan3A_8 = arith.constant 5 : i32
    %scan3A_9 = arith.addi %scan3A_7, %scan3A_8 : i32
    %scan3A_10 = arith.constant 1 : i32
    %scan3A_11 = scf.for %scan3A_14 = %scan3A_7 to %scan3A_9 step %scan3A_10 iter_args(%scan3A_15 = %scan3A) -> (i32)  : i32 {
      "tpu.region"() ({
        %run_scoped3A = tpu.sem_alloc : memref<!tpu.dma_semaphore, #tpu.memory_space<semaphore_mem>>
        %dma_start3A_36 = arith.constant 0 : i32
        %dma_start3A_37 = arith.constant 0 : i32
        %dma_start3A_38 = tpu.memref_slice %arg3[%add3A, %scan3A_14, %dma_start3A_36, %dma_start3A_37] : memref<32x5x16x128xi32, #tpu.memory_space<hbm>> -> memref<1x1x16x128xi32, #tpu.memory_space<hbm>>
        %dma_start3A_39 = tpu.memref_squeeze %dma_start3A_38 : memref<1x1x16x128xi32, #tpu.memory_space<hbm>> -> memref<16x128xi32, #tpu.memory_space<hbm>>
        %dma_start3A_40 = arith.constant 0 : i32
        %dma_start3A_41 = arith.constant 0 : i32
        %dma_start3A_42 = tpu.memref_slice %arg3[%add3A, %scan3A_14, %dma_start3A_40, %dma_start3A_41] : memref<32x5x16x128xi32, #tpu.memory_space<hbm>> -> memref<1x1x16x128xi32, #tpu.memory_space<hbm>>
        %dma_start3A_43 = tpu.memref_squeeze %dma_start3A_42 : memref<1x1x16x128xi32, #tpu.memory_space<hbm>> -> memref<16x128xi32, #tpu.memory_space<hbm>>
        tpu.enqueue_dma source(%dma_start3A_43 : memref<16x128xi32, #tpu.memory_space<hbm>>) target(%arg10 : memref<16x128xi32, #tpu.memory_space<vmem>>) target_semaphore(%run_scoped3A : memref<!tpu.dma_semaphore, #tpu.memory_space<semaphore_mem>>)
        %dma_wait3A_44 = arith.constant 0 : i32
        %dma_wait3A_45 = arith.constant 0 : i32
        %dma_wait3A_46 = tpu.memref_slice %arg3[%add3A, %scan3A_14, %dma_wait3A_44, %dma_wait3A_45] : memref<32x5x16x128xi32, #tpu.memory_space<hbm>> -> memref<1x1x16x128xi32, #tpu.memory_space<hbm>>
        %dma_wait3A_47 = tpu.memref_squeeze %dma_wait3A_46 : memref<1x1x16x128xi32, #tpu.memory_space<hbm>> -> memref<16x128xi32, #tpu.memory_space<hbm>>
        %dma_wait3A_48 = arith.constant 0 : i32
        %dma_wait3A_49 = arith.constant 0 : i32
        %dma_wait3A_50 = tpu.memref_slice %arg3[%add3A, %scan3A_14, %dma_wait3A_48, %dma_wait3A_49] : memref<32x5x16x128xi32, #tpu.memory_space<hbm>> -> memref<1x1x16x128xi32, #tpu.memory_space<hbm>>
        %dma_wait3A_51 = tpu.memref_squeeze %dma_wait3A_50 : memref<1x1x16x128xi32, #tpu.memory_space<hbm>> -> memref<16x128xi32, #tpu.memory_space<hbm>>
        tpu.wait_dma2 semaphore(%run_scoped3A : memref<!tpu.dma_semaphore, #tpu.memory_space<semaphore_mem>>) src(%dma_wait3A_51 : memref<16x128xi32, #tpu.memory_space<hbm>>) dst(%arg10 : memref<16x128xi32, #tpu.memory_space<vmem>>)
        tpu.yield
      }) : () -> ()
      %dma_start3A = arith.constant 0 : i32
      %dma_start3A_16 = arith.constant 0 : i32
      %dma_start3A_17 = tpu.memref_slice %arg10[%dma_start3A, %dma_start3A_16] : memref<16x128xi32, #tpu.memory_space<vmem>> -> memref<1x128xi32, #tpu.memory_space<vmem>>
      %dma_start3A_18 = tpu.memref_squeeze %dma_start3A_17 : memref<1x128xi32, #tpu.memory_space<vmem>> -> memref<128xi32, #tpu.memory_space<vmem>>
      %dma_start3A_19 = arith.constant 0 : i32
      %dma_start3A_20 = arith.constant 0 : i32
      %dma_start3A_21 = tpu.memref_slice %arg16[%dma_start3A_19, %dma_start3A_20] : memref<40000x32xf32, #tpu.memory_space<vmem_shared>> -> memref<40000x32xf32, #tpu.memory_space<vmem_shared>>
      tpu.enqueue_indirect_dma source(%dma_start3A_21 : memref<40000x32xf32, #tpu.memory_space<vmem_shared>>) target(%arg12 : memref<128x32xf32, #tpu.memory_space<vmem>>) offsets(%dma_start3A_18 : memref<128xi32, #tpu.memory_space<vmem>>) semaphore(%arg14 : memref<!tpu.dma_semaphore, #tpu.memory_space<semaphore_mem>>)
      %scan3A_22 = arith.constant 0 : i32
      %scan3A_23 = arith.constant 0 : i32
      %scan3A_24 = arith.constant 8 : i32
      %scan3A_25 = arith.addi %scan3A_23, %scan3A_24 : i32
      %scan3A_26 = arith.constant 1 : i32
      %scan3A_27 = scf.for %scan3A_36 = %scan3A_23 to %scan3A_25 step %scan3A_26 iter_args(%scan3A_37 = %scan3A_22) -> (i32)  : i32 {
        %mul3A_38 = arith.constant 2 : i32
        %mul3A_39 = arith.muli %scan3A_36, %mul3A_38 : i32
        %mul3A_40 = arith.constant 16 : i32
        %mul3A_41 = arith.muli %scan3A_14, %mul3A_40 : i32
        %add3A_42 = arith.addi %mul3A_41, %mul3A_39 : i32
        %dma_wait3A_43 = arith.constant 0 : i32
        %dma_wait3A_44 = arith.constant 0 : i32
        %dma_wait3A_45 = tpu.memref_slice %arg10[%dma_wait3A_43, %dma_wait3A_44] : memref<16x128xi32, #tpu.memory_space<vmem>> -> memref<1x128xi32, #tpu.memory_space<vmem>>
        %dma_wait3A_46 = tpu.memref_squeeze %dma_wait3A_45 : memref<1x128xi32, #tpu.memory_space<vmem>> -> memref<128xi32, #tpu.memory_space<vmem>>
        %dma_wait3A_47 = arith.constant 0 : i32
        %dma_wait3A_48 = arith.constant 0 : i32
        %dma_wait3A_49 = tpu.memref_slice %arg16[%dma_wait3A_47, %dma_wait3A_48] : memref<40000x32xf32, #tpu.memory_space<vmem_shared>> -> memref<40000x32xf32, #tpu.memory_space<vmem_shared>>
        tpu.wait_indirect_dma semaphore(%arg14 : memref<!tpu.dma_semaphore, #tpu.memory_space<semaphore_mem>>) src(%dma_wait3A_49 : memref<40000x32xf32, #tpu.memory_space<vmem_shared>>) dst(%arg12 : memref<128x32xf32, #tpu.memory_space<vmem>>)
        %add3A_50 = arith.constant 1 : i32
        %add3A_51 = arith.addi %mul3A_39, %add3A_50 : i32
        %min3A = arith.constant 15 : i32
        %min3A_52 = arith.minsi %add3A_51, %min3A : i32
        %dma_start3A_53 = arith.constant 0 : i32
        %dma_start3A_54 = tpu.memref_slice %arg10[%min3A_52, %dma_start3A_53] : memref<16x128xi32, #tpu.memory_space<vmem>> -> memref<1x128xi32, #tpu.memory_space<vmem>>
        %dma_start3A_55 = tpu.memref_squeeze %dma_start3A_54 : memref<1x128xi32, #tpu.memory_space<vmem>> -> memref<128xi32, #tpu.memory_space<vmem>>
        %dma_start3A_56 = arith.constant 0 : i32
        %dma_start3A_57 = arith.constant 0 : i32
        %dma_start3A_58 = tpu.memref_slice %arg16[%dma_start3A_56, %dma_start3A_57] : memref<40000x32xf32, #tpu.memory_space<vmem_shared>> -> memref<40000x32xf32, #tpu.memory_space<vmem_shared>>
        tpu.enqueue_indirect_dma source(%dma_start3A_58 : memref<40000x32xf32, #tpu.memory_space<vmem_shared>>) target(%arg13 : memref<128x32xf32, #tpu.memory_space<vmem>>) offsets(%dma_start3A_55 : memref<128xi32, #tpu.memory_space<vmem>>) semaphore(%arg15 : memref<!tpu.dma_semaphore, #tpu.memory_space<semaphore_mem>>)
        "tpu.region"() ({
          %run_scoped3A = tpu.sem_alloc : memref<!tpu.dma_semaphore, #tpu.memory_space<semaphore_mem>>
          %dma_start3A_81 = arith.constant 0 : i32
          %dma_start3A_82 = tpu.memref_slice %arg11[%add3A_42, %dma_start3A_81] : memref<80x128xi32, #tpu.memory_space<vmem>> -> memref<1x128xi32, #tpu.memory_space<vmem>>
          %dma_start3A_83 = tpu.memref_squeeze %dma_start3A_82 : memref<1x128xi32, #tpu.memory_space<vmem>> -> memref<128xi32, #tpu.memory_space<vmem>>
          %dma_start3A_84 = arith.constant 0 : i32
          %dma_start3A_85 = arith.constant 0 : i32
          %dma_start3A_86 = tpu.memref_slice %arg17[%dma_start3A_84, %dma_start3A_85] : memref<10112x32xf32, #tpu.memory_space<vmem_shared>> -> memref<10112x32xf32, #tpu.memory_space<vmem_shared>>
          tpu.enqueue_indirect_dma source(%arg12 : memref<128x32xf32, #tpu.memory_space<vmem>>) target(%dma_start3A_86 : memref<10112x32xf32, #tpu.memory_space<vmem_shared>>) offsets(%dma_start3A_83 : memref<128xi32, #tpu.memory_space<vmem>>) semaphore(%run_scoped3A : memref<!tpu.dma_semaphore, #tpu.memory_space<semaphore_mem>>) {add = true}
          %dma_wait3A_87 = arith.constant 0 : i32
          %dma_wait3A_88 = tpu.memref_slice %arg11[%add3A_42, %dma_wait3A_87] : memref<80x128xi32, #tpu.memory_space<vmem>> -> memref<1x128xi32, #tpu.memory_space<vmem>>
          %dma_wait3A_89 = tpu.memref_squeeze %dma_wait3A_88 : memref<1x128xi32, #tpu.memory_space<vmem>> -> memref<128xi32, #tpu.memory_space<vmem>>
          %dma_wait3A_90 = arith.constant 0 : i32
          %dma_wait3A_91 = arith.constant 0 : i32
          %dma_wait3A_92 = tpu.memref_slice %arg17[%dma_wait3A_90, %dma_wait3A_91] : memref<10112x32xf32, #tpu.memory_space<vmem_shared>> -> memref<10112x32xf32, #tpu.memory_space<vmem_shared>>
          tpu.wait_indirect_dma semaphore(%run_scoped3A : memref<!tpu.dma_semaphore, #tpu.memory_space<semaphore_mem>>) src(%arg12 : memref<128x32xf32, #tpu.memory_space<vmem>>) dst(%dma_wait3A_92 : memref<10112x32xf32, #tpu.memory_space<vmem_shared>>)
          tpu.yield
        }) : () -> ()
        "tpu.region"() ({
          %run_scoped3A = tpu.sem_alloc : memref<!tpu.dma_semaphore, #tpu.memory_space<semaphore_mem>>
          %dma_start3A_81 = arith.constant 0 : i32
          %dma_start3A_82 = tpu.memref_slice %arg11[%add3A_42, %dma_start3A_81] : memref<80x128xi32, #tpu.memory_space<vmem>> -> memref<1x128xi32, #tpu.memory_space<vmem>>
          %dma_start3A_83 = tpu.memref_squeeze %dma_start3A_82 : memref<1x128xi32, #tpu.memory_space<vmem>> -> memref<128xi32, #tpu.memory_space<vmem>>
          %dma_start3A_84 = arith.constant 0 : i32
          %dma_start3A_85 = arith.constant 0 : i32
          %dma_start3A_86 = tpu.memref_slice %arg19[%dma_start3A_84, %dma_start3A_85] : memref<10112x8xf32, #tpu.memory_space<vmem_shared>> -> memref<10112x8xf32, #tpu.memory_space<vmem_shared>>
          tpu.enqueue_indirect_dma source(%arg18 : memref<128x8xf32, #tpu.memory_space<vmem>>) target(%dma_start3A_86 : memref<10112x8xf32, #tpu.memory_space<vmem_shared>>) offsets(%dma_start3A_83 : memref<128xi32, #tpu.memory_space<vmem>>) semaphore(%run_scoped3A : memref<!tpu.dma_semaphore, #tpu.memory_space<semaphore_mem>>) {add = true}
          %dma_wait3A_87 = arith.constant 0 : i32
          %dma_wait3A_88 = tpu.memref_slice %arg11[%add3A_42, %dma_wait3A_87] : memref<80x128xi32, #tpu.memory_space<vmem>> -> memref<1x128xi32, #tpu.memory_space<vmem>>
          %dma_wait3A_89 = tpu.memref_squeeze %dma_wait3A_88 : memref<1x128xi32, #tpu.memory_space<vmem>> -> memref<128xi32, #tpu.memory_space<vmem>>
          %dma_wait3A_90 = arith.constant 0 : i32
          %dma_wait3A_91 = arith.constant 0 : i32
          %dma_wait3A_92 = tpu.memref_slice %arg19[%dma_wait3A_90, %dma_wait3A_91] : memref<10112x8xf32, #tpu.memory_space<vmem_shared>> -> memref<10112x8xf32, #tpu.memory_space<vmem_shared>>
          tpu.wait_indirect_dma semaphore(%run_scoped3A : memref<!tpu.dma_semaphore, #tpu.memory_space<semaphore_mem>>) src(%arg18 : memref<128x8xf32, #tpu.memory_space<vmem>>) dst(%dma_wait3A_92 : memref<10112x8xf32, #tpu.memory_space<vmem_shared>>)
          tpu.yield
        }) : () -> ()
        %dma_wait3A_59 = arith.constant 0 : i32
        %dma_wait3A_60 = arith.constant 0 : i32
        %dma_wait3A_61 = tpu.memref_slice %arg10[%dma_wait3A_59, %dma_wait3A_60] : memref<16x128xi32, #tpu.memory_space<vmem>> -> memref<1x128xi32, #tpu.memory_space<vmem>>
        %dma_wait3A_62 = tpu.memref_squeeze %dma_wait3A_61 : memref<1x128xi32, #tpu.memory_space<vmem>> -> memref<128xi32, #tpu.memory_space<vmem>>
        %dma_wait3A_63 = arith.constant 0 : i32
        %dma_wait3A_64 = arith.constant 0 : i32
        %dma_wait3A_65 = tpu.memref_slice %arg16[%dma_wait3A_63, %dma_wait3A_64] : memref<40000x32xf32, #tpu.memory_space<vmem_shared>> -> memref<40000x32xf32, #tpu.memory_space<vmem_shared>>
        tpu.wait_indirect_dma semaphore(%arg15 : memref<!tpu.dma_semaphore, #tpu.memory_space<semaphore_mem>>) src(%dma_wait3A_65 : memref<40000x32xf32, #tpu.memory_space<vmem_shared>>) dst(%arg13 : memref<128x32xf32, #tpu.memory_space<vmem>>)
        %add3A_66 = arith.constant 2 : i32
        %add3A_67 = arith.addi %mul3A_39, %add3A_66 : i32
        %min3A_68 = arith.constant 15 : i32
        %min3A_69 = arith.minsi %add3A_67, %min3A_68 : i32
        %dma_start3A_70 = arith.constant 0 : i32
        %dma_start3A_71 = tpu.memref_slice %arg10[%min3A_69, %dma_start3A_70] : memref<16x128xi32, #tpu.memory_space<vmem>> -> memref<1x128xi32, #tpu.memory_space<vmem>>
        %dma_start3A_72 = tpu.memref_squeeze %dma_start3A_71 : memref<1x128xi32, #tpu.memory_space<vmem>> -> memref<128xi32, #tpu.memory_space<vmem>>
        %dma_start3A_73 = arith.constant 0 : i32
        %dma_start3A_74 = arith.constant 0 : i32
        %dma_start3A_75 = tpu.memref_slice %arg16[%dma_start3A_73, %dma_start3A_74] : memref<40000x32xf32, #tpu.memory_space<vmem_shared>> -> memref<40000x32xf32, #tpu.memory_space<vmem_shared>>
        tpu.enqueue_indirect_dma source(%dma_start3A_75 : memref<40000x32xf32, #tpu.memory_space<vmem_shared>>) target(%arg12 : memref<128x32xf32, #tpu.memory_space<vmem>>) offsets(%dma_start3A_72 : memref<128xi32, #tpu.memory_space<vmem>>) semaphore(%arg14 : memref<!tpu.dma_semaphore, #tpu.memory_space<semaphore_mem>>)
        %add3A_76 = arith.constant 1 : i32
        %add3A_77 = arith.addi %add3A_42, %add3A_76 : i32
        "tpu.region"() ({
          %run_scoped3A = tpu.sem_alloc : memref<!tpu.dma_semaphore, #tpu.memory_space<semaphore_mem>>
          %dma_start3A_81 = arith.constant 0 : i32
          %dma_start3A_82 = tpu.memref_slice %arg11[%add3A_77, %dma_start3A_81] : memref<80x128xi32, #tpu.memory_space<vmem>> -> memref<1x128xi32, #tpu.memory_space<vmem>>
          %dma_start3A_83 = tpu.memref_squeeze %dma_start3A_82 : memref<1x128xi32, #tpu.memory_space<vmem>> -> memref<128xi32, #tpu.memory_space<vmem>>
          %dma_start3A_84 = arith.constant 0 : i32
          %dma_start3A_85 = arith.constant 0 : i32
          %dma_start3A_86 = tpu.memref_slice %arg17[%dma_start3A_84, %dma_start3A_85] : memref<10112x32xf32, #tpu.memory_space<vmem_shared>> -> memref<10112x32xf32, #tpu.memory_space<vmem_shared>>
          tpu.enqueue_indirect_dma source(%arg13 : memref<128x32xf32, #tpu.memory_space<vmem>>) target(%dma_start3A_86 : memref<10112x32xf32, #tpu.memory_space<vmem_shared>>) offsets(%dma_start3A_83 : memref<128xi32, #tpu.memory_space<vmem>>) semaphore(%run_scoped3A : memref<!tpu.dma_semaphore, #tpu.memory_space<semaphore_mem>>) {add = true}
          %dma_wait3A_87 = arith.constant 0 : i32
          %dma_wait3A_88 = tpu.memref_slice %arg11[%add3A_77, %dma_wait3A_87] : memref<80x128xi32, #tpu.memory_space<vmem>> -> memref<1x128xi32, #tpu.memory_space<vmem>>
          %dma_wait3A_89 = tpu.memref_squeeze %dma_wait3A_88 : memref<1x128xi32, #tpu.memory_space<vmem>> -> memref<128xi32, #tpu.memory_space<vmem>>
          %dma_wait3A_90 = arith.constant 0 : i32
          %dma_wait3A_91 = arith.constant 0 : i32
          %dma_wait3A_92 = tpu.memref_slice %arg17[%dma_wait3A_90, %dma_wait3A_91] : memref<10112x32xf32, #tpu.memory_space<vmem_shared>> -> memref<10112x32xf32, #tpu.memory_space<vmem_shared>>
          tpu.wait_indirect_dma semaphore(%run_scoped3A : memref<!tpu.dma_semaphore, #tpu.memory_space<semaphore_mem>>) src(%arg13 : memref<128x32xf32, #tpu.memory_space<vmem>>) dst(%dma_wait3A_92 : memref<10112x32xf32, #tpu.memory_space<vmem_shared>>)
          tpu.yield
        }) : () -> ()
        %add3A_78 = arith.constant 1 : i32
        %add3A_79 = arith.addi %add3A_42, %add3A_78 : i32
        "tpu.region"() ({
          %run_scoped3A = tpu.sem_alloc : memref<!tpu.dma_semaphore, #tpu.memory_space<semaphore_mem>>
          %dma_start3A_81 = arith.constant 0 : i32
          %dma_start3A_82 = tpu.memref_slice %arg11[%add3A_79, %dma_start3A_81] : memref<80x128xi32, #tpu.memory_space<vmem>> -> memref<1x128xi32, #tpu.memory_space<vmem>>
          %dma_start3A_83 = tpu.memref_squeeze %dma_start3A_82 : memref<1x128xi32, #tpu.memory_space<vmem>> -> memref<128xi32, #tpu.memory_space<vmem>>
          %dma_start3A_84 = arith.constant 0 : i32
          %dma_start3A_85 = arith.constant 0 : i32
          %dma_start3A_86 = tpu.memref_slice %arg19[%dma_start3A_84, %dma_start3A_85] : memref<10112x8xf32, #tpu.memory_space<vmem_shared>> -> memref<10112x8xf32, #tpu.memory_space<vmem_shared>>
          tpu.enqueue_indirect_dma source(%arg18 : memref<128x8xf32, #tpu.memory_space<vmem>>) target(%dma_start3A_86 : memref<10112x8xf32, #tpu.memory_space<vmem_shared>>) offsets(%dma_start3A_83 : memref<128xi32, #tpu.memory_space<vmem>>) semaphore(%run_scoped3A : memref<!tpu.dma_semaphore, #tpu.memory_space<semaphore_mem>>) {add = true}
          %dma_wait3A_87 = arith.constant 0 : i32
          %dma_wait3A_88 = tpu.memref_slice %arg11[%add3A_79, %dma_wait3A_87] : memref<80x128xi32, #tpu.memory_space<vmem>> -> memref<1x128xi32, #tpu.memory_space<vmem>>
          %dma_wait3A_89 = tpu.memref_squeeze %dma_wait3A_88 : memref<1x128xi32, #tpu.memory_space<vmem>> -> memref<128xi32, #tpu.memory_space<vmem>>
          %dma_wait3A_90 = arith.constant 0 : i32
          %dma_wait3A_91 = arith.constant 0 : i32
          %dma_wait3A_92 = tpu.memref_slice %arg19[%dma_wait3A_90, %dma_wait3A_91] : memref<10112x8xf32, #tpu.memory_space<vmem_shared>> -> memref<10112x8xf32, #tpu.memory_space<vmem_shared>>
          tpu.wait_indirect_dma semaphore(%run_scoped3A : memref<!tpu.dma_semaphore, #tpu.memory_space<semaphore_mem>>) src(%arg18 : memref<128x8xf32, #tpu.memory_space<vmem>>) dst(%dma_wait3A_92 : memref<10112x8xf32, #tpu.memory_space<vmem_shared>>)
          tpu.yield
        }) : () -> ()
        %scan3A_80 = arith.constant 0 : i32
        scf.yield %scan3A_80 : i32
      }
      %scan3A_28 = arith.constant 8 : i32
      %dma_wait3A = arith.constant 0 : i32
      %dma_wait3A_29 = arith.constant 0 : i32
      %dma_wait3A_30 = tpu.memref_slice %arg10[%dma_wait3A, %dma_wait3A_29] : memref<16x128xi32, #tpu.memory_space<vmem>> -> memref<1x128xi32, #tpu.memory_space<vmem>>
      %dma_wait3A_31 = tpu.memref_squeeze %dma_wait3A_30 : memref<1x128xi32, #tpu.memory_space<vmem>> -> memref<128xi32, #tpu.memory_space<vmem>>
      %dma_wait3A_32 = arith.constant 0 : i32
      %dma_wait3A_33 = arith.constant 0 : i32
      %dma_wait3A_34 = tpu.memref_slice %arg16[%dma_wait3A_32, %dma_wait3A_33] : memref<40000x32xf32, #tpu.memory_space<vmem_shared>> -> memref<40000x32xf32, #tpu.memory_space<vmem_shared>>
      tpu.wait_indirect_dma semaphore(%arg14 : memref<!tpu.dma_semaphore, #tpu.memory_space<semaphore_mem>>) src(%dma_wait3A_34 : memref<40000x32xf32, #tpu.memory_space<vmem_shared>>) dst(%arg12 : memref<128x32xf32, #tpu.memory_space<vmem>>)
      %scan3A_35 = arith.constant 0 : i32
      scf.yield %scan3A_35 : i32
    }
    %scan3A_12 = arith.constant 5 : i32
    %barrier3A_13 = arith.constant 0 : index
    tpu.barrier barrier_id(%barrier3A_13)
    "tpu.region"() ({
      %run_scoped3A = tpu.sem_alloc : memref<!tpu.dma_semaphore, #tpu.memory_space<semaphore_mem>>
      %dma_start3A = arith.constant 0 : i32
      %dma_start3A_14 = tpu.memref_slice %arg8[%arg0, %mul3A_6, %dma_start3A] : memref<2x10112x32xf32, #tpu.memory_space<hbm>> -> memref<1x632x32xf32, #tpu.memory_space<hbm>>
      %dma_start3A_15 = tpu.memref_squeeze %dma_start3A_14 : memref<1x632x32xf32, #tpu.memory_space<hbm>> -> memref<632x32xf32, #tpu.memory_space<hbm>>
      %dma_start3A_16 = arith.constant 0 : i32
      %dma_start3A_17 = tpu.memref_slice %arg17[%mul3A_6, %dma_start3A_16] : memref<10112x32xf32, #tpu.memory_space<vmem_shared>> -> memref<632x32xf32, #tpu.memory_space<vmem_shared>>
      tpu.enqueue_dma source(%dma_start3A_17 : memref<632x32xf32, #tpu.memory_space<vmem_shared>>) target(%dma_start3A_15 : memref<632x32xf32, #tpu.memory_space<hbm>>) target_semaphore(%run_scoped3A : memref<!tpu.dma_semaphore, #tpu.memory_space<semaphore_mem>>)
      %dma_wait3A = arith.constant 0 : i32
      %dma_wait3A_18 = tpu.memref_slice %arg8[%arg0, %mul3A_6, %dma_wait3A] : memref<2x10112x32xf32, #tpu.memory_space<hbm>> -> memref<1x632x32xf32, #tpu.memory_space<hbm>>
      %dma_wait3A_19 = tpu.memref_squeeze %dma_wait3A_18 : memref<1x632x32xf32, #tpu.memory_space<hbm>> -> memref<632x32xf32, #tpu.memory_space<hbm>>
      %dma_wait3A_20 = arith.constant 0 : i32
      %dma_wait3A_21 = tpu.memref_slice %arg17[%mul3A_6, %dma_wait3A_20] : memref<10112x32xf32, #tpu.memory_space<vmem_shared>> -> memref<632x32xf32, #tpu.memory_space<vmem_shared>>
      tpu.wait_dma2 semaphore(%run_scoped3A : memref<!tpu.dma_semaphore, #tpu.memory_space<semaphore_mem>>) src(%dma_wait3A_21 : memref<632x32xf32, #tpu.memory_space<vmem_shared>>) dst(%dma_wait3A_19 : memref<632x32xf32, #tpu.memory_space<hbm>>)
      tpu.yield
    }) : () -> ()
    "tpu.region"() ({
      %run_scoped3A = tpu.sem_alloc : memref<!tpu.dma_semaphore, #tpu.memory_space<semaphore_mem>>
      %dma_start3A = arith.constant 0 : i32
      %dma_start3A_14 = tpu.memref_slice %arg9[%arg0, %mul3A_6, %dma_start3A] : memref<2x10112x8xf32, #tpu.memory_space<hbm>> -> memref<1x632x8xf32, #tpu.memory_space<hbm>>
      %dma_start3A_15 = tpu.memref_squeeze %dma_start3A_14 : memref<1x632x8xf32, #tpu.memory_space<hbm>> -> memref<632x8xf32, #tpu.memory_space<hbm>>
      %dma_start3A_16 = arith.constant 0 : i32
      %dma_start3A_17 = tpu.memref_slice %arg19[%mul3A_6, %dma_start3A_16] : memref<10112x8xf32, #tpu.memory_space<vmem_shared>> -> memref<632x8xf32, #tpu.memory_space<vmem_shared>>
      tpu.enqueue_dma source(%dma_start3A_17 : memref<632x8xf32, #tpu.memory_space<vmem_shared>>) target(%dma_start3A_15 : memref<632x8xf32, #tpu.memory_space<hbm>>) target_semaphore(%run_scoped3A : memref<!tpu.dma_semaphore, #tpu.memory_space<semaphore_mem>>)
      %dma_wait3A = arith.constant 0 : i32
      %dma_wait3A_18 = tpu.memref_slice %arg9[%arg0, %mul3A_6, %dma_wait3A] : memref<2x10112x8xf32, #tpu.memory_space<hbm>> -> memref<1x632x8xf32, #tpu.memory_space<hbm>>
      %dma_wait3A_19 = tpu.memref_squeeze %dma_wait3A_18 : memref<1x632x8xf32, #tpu.memory_space<hbm>> -> memref<632x8xf32, #tpu.memory_space<hbm>>
      %dma_wait3A_20 = arith.constant 0 : i32
      %dma_wait3A_21 = tpu.memref_slice %arg19[%mul3A_6, %dma_wait3A_20] : memref<10112x8xf32, #tpu.memory_space<vmem_shared>> -> memref<632x8xf32, #tpu.memory_space<vmem_shared>>
      tpu.wait_dma2 semaphore(%run_scoped3A : memref<!tpu.dma_semaphore, #tpu.memory_space<semaphore_mem>>) src(%dma_wait3A_21 : memref<632x8xf32, #tpu.memory_space<vmem_shared>>) dst(%dma_wait3A_19 : memref<632x8xf32, #tpu.memory_space<hbm>>)
      tpu.yield
    }) : () -> ()
    return
  }
}

#map = affine_map<(d0, d1) -> (0, 0)>
#map1 = affine_map<(d0, d1) -> (0, 0, 0)>
module attributes {stable_mosaic.version = 14 : i64} {
  func.func @_edge_pass_body(%arg0: i32, %arg1: i32, %arg2: memref<10000x64xf32, #tpu.memory_space<hbm>>, %arg3: memref<32x80x128xi32, #tpu.memory_space<hbm>>, %arg4: memref<32x80x128xi32, #tpu.memory_space<hbm>>, %arg5: memref<632x64xf32, #tpu.memory_space<hbm>>, %arg6: memref<2x10112x64xf32, #tpu.memory_space<hbm>>, %arg7: memref<80x128xi32, #tpu.memory_space<vmem>>, %arg8: memref<80x128xi32, #tpu.memory_space<vmem>>, %arg9: memref<128x64xf32, #tpu.memory_space<vmem>>, %arg10: memref<128x64xf32, #tpu.memory_space<vmem>>, %arg11: memref<!tpu.dma_semaphore, #tpu.memory_space<semaphore_mem>>, %arg12: memref<!tpu.dma_semaphore, #tpu.memory_space<semaphore_mem>>, %arg13: memref<10000x64xf32, #tpu.memory_space<vmem_shared>>, %arg14: memref<10112x64xf32, #tpu.memory_space<vmem_shared>>) attributes {dimension_semantics = [#tpu.dimension_semantics<core_parallel>, #tpu.dimension_semantics<subcore_parallel>], iteration_bounds = array<i64: 2, 16>, scalar_prefetch = 0 : i64, scratch_operands = 8 : i64, tpu.core_type = #tpu.core_type<sc_vector_subcore>, window_params = [{transform_indices = #map}, {transform_indices = #map1}, {transform_indices = #map1}, {transform_indices = #map}, {transform_indices = #map1}]} {
    %mul3A = arith.constant 2 : i32
    %mul3A_0 = arith.muli %arg1, %mul3A : i32
    %add3A = arith.addi %mul3A_0, %arg0 : i32
    "tpu.region"() ({
      %run_scoped3A = tpu.sem_alloc : memref<!tpu.dma_semaphore, #tpu.memory_space<semaphore_mem>>
      %dma_start3A_26 = arith.constant 0 : i32
      %dma_start3A_27 = arith.constant 0 : i32
      %dma_start3A_28 = tpu.memref_slice %arg3[%add3A, %dma_start3A_26, %dma_start3A_27] : memref<32x80x128xi32, #tpu.memory_space<hbm>> -> memref<1x80x128xi32, #tpu.memory_space<hbm>>
      %dma_start3A_29 = tpu.memref_squeeze %dma_start3A_28 : memref<1x80x128xi32, #tpu.memory_space<hbm>> -> memref<80x128xi32, #tpu.memory_space<hbm>>
      %dma_start3A_30 = arith.constant 0 : i32
      %dma_start3A_31 = arith.constant 0 : i32
      %dma_start3A_32 = tpu.memref_slice %arg3[%add3A, %dma_start3A_30, %dma_start3A_31] : memref<32x80x128xi32, #tpu.memory_space<hbm>> -> memref<1x80x128xi32, #tpu.memory_space<hbm>>
      %dma_start3A_33 = tpu.memref_squeeze %dma_start3A_32 : memref<1x80x128xi32, #tpu.memory_space<hbm>> -> memref<80x128xi32, #tpu.memory_space<hbm>>
      tpu.enqueue_dma source(%dma_start3A_33 : memref<80x128xi32, #tpu.memory_space<hbm>>) target(%arg7 : memref<80x128xi32, #tpu.memory_space<vmem>>) target_semaphore(%run_scoped3A : memref<!tpu.dma_semaphore, #tpu.memory_space<semaphore_mem>>)
      %dma_wait3A_34 = arith.constant 0 : i32
      %dma_wait3A_35 = arith.constant 0 : i32
      %dma_wait3A_36 = tpu.memref_slice %arg3[%add3A, %dma_wait3A_34, %dma_wait3A_35] : memref<32x80x128xi32, #tpu.memory_space<hbm>> -> memref<1x80x128xi32, #tpu.memory_space<hbm>>
      %dma_wait3A_37 = tpu.memref_squeeze %dma_wait3A_36 : memref<1x80x128xi32, #tpu.memory_space<hbm>> -> memref<80x128xi32, #tpu.memory_space<hbm>>
      %dma_wait3A_38 = arith.constant 0 : i32
      %dma_wait3A_39 = arith.constant 0 : i32
      %dma_wait3A_40 = tpu.memref_slice %arg3[%add3A, %dma_wait3A_38, %dma_wait3A_39] : memref<32x80x128xi32, #tpu.memory_space<hbm>> -> memref<1x80x128xi32, #tpu.memory_space<hbm>>
      %dma_wait3A_41 = tpu.memref_squeeze %dma_wait3A_40 : memref<1x80x128xi32, #tpu.memory_space<hbm>> -> memref<80x128xi32, #tpu.memory_space<hbm>>
      tpu.wait_dma2 semaphore(%run_scoped3A : memref<!tpu.dma_semaphore, #tpu.memory_space<semaphore_mem>>) src(%dma_wait3A_41 : memref<80x128xi32, #tpu.memory_space<hbm>>) dst(%arg7 : memref<80x128xi32, #tpu.memory_space<vmem>>)
      tpu.yield
    }) : () -> ()
    "tpu.region"() ({
      %run_scoped3A = tpu.sem_alloc : memref<!tpu.dma_semaphore, #tpu.memory_space<semaphore_mem>>
      %dma_start3A_26 = arith.constant 0 : i32
      %dma_start3A_27 = arith.constant 0 : i32
      %dma_start3A_28 = tpu.memref_slice %arg4[%add3A, %dma_start3A_26, %dma_start3A_27] : memref<32x80x128xi32, #tpu.memory_space<hbm>> -> memref<1x80x128xi32, #tpu.memory_space<hbm>>
      %dma_start3A_29 = tpu.memref_squeeze %dma_start3A_28 : memref<1x80x128xi32, #tpu.memory_space<hbm>> -> memref<80x128xi32, #tpu.memory_space<hbm>>
      %dma_start3A_30 = arith.constant 0 : i32
      %dma_start3A_31 = arith.constant 0 : i32
      %dma_start3A_32 = tpu.memref_slice %arg4[%add3A, %dma_start3A_30, %dma_start3A_31] : memref<32x80x128xi32, #tpu.memory_space<hbm>> -> memref<1x80x128xi32, #tpu.memory_space<hbm>>
      %dma_start3A_33 = tpu.memref_squeeze %dma_start3A_32 : memref<1x80x128xi32, #tpu.memory_space<hbm>> -> memref<80x128xi32, #tpu.memory_space<hbm>>
      tpu.enqueue_dma source(%dma_start3A_33 : memref<80x128xi32, #tpu.memory_space<hbm>>) target(%arg8 : memref<80x128xi32, #tpu.memory_space<vmem>>) target_semaphore(%run_scoped3A : memref<!tpu.dma_semaphore, #tpu.memory_space<semaphore_mem>>)
      %dma_wait3A_34 = arith.constant 0 : i32
      %dma_wait3A_35 = arith.constant 0 : i32
      %dma_wait3A_36 = tpu.memref_slice %arg4[%add3A, %dma_wait3A_34, %dma_wait3A_35] : memref<32x80x128xi32, #tpu.memory_space<hbm>> -> memref<1x80x128xi32, #tpu.memory_space<hbm>>
      %dma_wait3A_37 = tpu.memref_squeeze %dma_wait3A_36 : memref<1x80x128xi32, #tpu.memory_space<hbm>> -> memref<80x128xi32, #tpu.memory_space<hbm>>
      %dma_wait3A_38 = arith.constant 0 : i32
      %dma_wait3A_39 = arith.constant 0 : i32
      %dma_wait3A_40 = tpu.memref_slice %arg4[%add3A, %dma_wait3A_38, %dma_wait3A_39] : memref<32x80x128xi32, #tpu.memory_space<hbm>> -> memref<1x80x128xi32, #tpu.memory_space<hbm>>
      %dma_wait3A_41 = tpu.memref_squeeze %dma_wait3A_40 : memref<1x80x128xi32, #tpu.memory_space<hbm>> -> memref<80x128xi32, #tpu.memory_space<hbm>>
      tpu.wait_dma2 semaphore(%run_scoped3A : memref<!tpu.dma_semaphore, #tpu.memory_space<semaphore_mem>>) src(%dma_wait3A_41 : memref<80x128xi32, #tpu.memory_space<hbm>>) dst(%arg8 : memref<80x128xi32, #tpu.memory_space<vmem>>)
      tpu.yield
    }) : () -> ()
    %mul3A_1 = arith.constant 625 : i32
    %mul3A_2 = arith.muli %arg1, %mul3A_1 : i32
    %mul3A_3 = arith.constant 625 : i32
    %mul3A_4 = arith.muli %arg1, %mul3A_3 : i32
    "tpu.region"() ({
      %run_scoped3A = tpu.sem_alloc : memref<!tpu.dma_semaphore, #tpu.memory_space<semaphore_mem>>
      %dma_start3A_26 = arith.constant 0 : i32
      %dma_start3A_27 = tpu.memref_slice %arg13[%mul3A_4, %dma_start3A_26] : memref<10000x64xf32, #tpu.memory_space<vmem_shared>> -> memref<625x64xf32, #tpu.memory_space<vmem_shared>>
      %dma_start3A_28 = arith.constant 0 : i32
      %dma_start3A_29 = tpu.memref_slice %arg2[%mul3A_2, %dma_start3A_28] : memref<10000x64xf32, #tpu.memory_space<hbm>> -> memref<625x64xf32, #tpu.memory_space<hbm>>
      tpu.enqueue_dma source(%dma_start3A_29 : memref<625x64xf32, #tpu.memory_space<hbm>>) target(%dma_start3A_27 : memref<625x64xf32, #tpu.memory_space<vmem_shared>>) target_semaphore(%run_scoped3A : memref<!tpu.dma_semaphore, #tpu.memory_space<semaphore_mem>>)
      %dma_wait3A_30 = arith.constant 0 : i32
      %dma_wait3A_31 = tpu.memref_slice %arg13[%mul3A_4, %dma_wait3A_30] : memref<10000x64xf32, #tpu.memory_space<vmem_shared>> -> memref<625x64xf32, #tpu.memory_space<vmem_shared>>
      %dma_wait3A_32 = arith.constant 0 : i32
      %dma_wait3A_33 = tpu.memref_slice %arg2[%mul3A_2, %dma_wait3A_32] : memref<10000x64xf32, #tpu.memory_space<hbm>> -> memref<625x64xf32, #tpu.memory_space<hbm>>
      tpu.wait_dma2 semaphore(%run_scoped3A : memref<!tpu.dma_semaphore, #tpu.memory_space<semaphore_mem>>) src(%dma_wait3A_33 : memref<625x64xf32, #tpu.memory_space<hbm>>) dst(%dma_wait3A_31 : memref<625x64xf32, #tpu.memory_space<vmem_shared>>)
      tpu.yield
    }) : () -> ()
    %mul3A_5 = arith.constant 632 : i32
    %mul3A_6 = arith.muli %arg1, %mul3A_5 : i32
    "tpu.region"() ({
      %run_scoped3A = tpu.sem_alloc : memref<!tpu.dma_semaphore, #tpu.memory_space<semaphore_mem>>
      %dma_start3A_26 = arith.constant 0 : i32
      %dma_start3A_27 = tpu.memref_slice %arg14[%mul3A_6, %dma_start3A_26] : memref<10112x64xf32, #tpu.memory_space<vmem_shared>> -> memref<632x64xf32, #tpu.memory_space<vmem_shared>>
      tpu.enqueue_dma source(%arg5 : memref<632x64xf32, #tpu.memory_space<hbm>>) target(%dma_start3A_27 : memref<632x64xf32, #tpu.memory_space<vmem_shared>>) target_semaphore(%run_scoped3A : memref<!tpu.dma_semaphore, #tpu.memory_space<semaphore_mem>>)
      %dma_wait3A_28 = arith.constant 0 : i32
      %dma_wait3A_29 = tpu.memref_slice %arg14[%mul3A_6, %dma_wait3A_28] : memref<10112x64xf32, #tpu.memory_space<vmem_shared>> -> memref<632x64xf32, #tpu.memory_space<vmem_shared>>
      tpu.wait_dma2 semaphore(%run_scoped3A : memref<!tpu.dma_semaphore, #tpu.memory_space<semaphore_mem>>) src(%arg5 : memref<632x64xf32, #tpu.memory_space<hbm>>) dst(%dma_wait3A_29 : memref<632x64xf32, #tpu.memory_space<vmem_shared>>)
      tpu.yield
    }) : () -> ()
    %barrier3A = arith.constant 0 : index
    tpu.barrier barrier_id(%barrier3A)
    %dma_start3A = arith.constant 0 : i32
    %dma_start3A_7 = arith.constant 0 : i32
    %dma_start3A_8 = tpu.memref_slice %arg7[%dma_start3A, %dma_start3A_7] : memref<80x128xi32, #tpu.memory_space<vmem>> -> memref<1x128xi32, #tpu.memory_space<vmem>>
    %dma_start3A_9 = tpu.memref_squeeze %dma_start3A_8 : memref<1x128xi32, #tpu.memory_space<vmem>> -> memref<128xi32, #tpu.memory_space<vmem>>
    %dma_start3A_10 = arith.constant 0 : i32
    %dma_start3A_11 = arith.constant 0 : i32
    %dma_start3A_12 = tpu.memref_slice %arg13[%dma_start3A_10, %dma_start3A_11] : memref<10000x64xf32, #tpu.memory_space<vmem_shared>> -> memref<10000x64xf32, #tpu.memory_space<vmem_shared>>
    tpu.enqueue_indirect_dma source(%dma_start3A_12 : memref<10000x64xf32, #tpu.memory_space<vmem_shared>>) target(%arg9 : memref<128x64xf32, #tpu.memory_space<vmem>>) offsets(%dma_start3A_9 : memref<128xi32, #tpu.memory_space<vmem>>) semaphore(%arg11 : memref<!tpu.dma_semaphore, #tpu.memory_space<semaphore_mem>>)
    %scan3A = arith.constant 0 : i32
    %scan3A_13 = arith.constant 0 : i32
    %scan3A_14 = arith.constant 40 : i32
    %scan3A_15 = arith.addi %scan3A_13, %scan3A_14 : i32
    %scan3A_16 = arith.constant 1 : i32
    %scan3A_17 = scf.for %scan3A_26 = %scan3A_13 to %scan3A_15 step %scan3A_16 iter_args(%scan3A_27 = %scan3A) -> (i32)  : i32 {
      %mul3A_28 = arith.constant 2 : i32
      %mul3A_29 = arith.muli %scan3A_26, %mul3A_28 : i32
      %dma_wait3A_30 = arith.constant 0 : i32
      %dma_wait3A_31 = arith.constant 0 : i32
      %dma_wait3A_32 = tpu.memref_slice %arg7[%dma_wait3A_30, %dma_wait3A_31] : memref<80x128xi32, #tpu.memory_space<vmem>> -> memref<1x128xi32, #tpu.memory_space<vmem>>
      %dma_wait3A_33 = tpu.memref_squeeze %dma_wait3A_32 : memref<1x128xi32, #tpu.memory_space<vmem>> -> memref<128xi32, #tpu.memory_space<vmem>>
      %dma_wait3A_34 = arith.constant 0 : i32
      %dma_wait3A_35 = arith.constant 0 : i32
      %dma_wait3A_36 = tpu.memref_slice %arg13[%dma_wait3A_34, %dma_wait3A_35] : memref<10000x64xf32, #tpu.memory_space<vmem_shared>> -> memref<10000x64xf32, #tpu.memory_space<vmem_shared>>
      tpu.wait_indirect_dma semaphore(%arg11 : memref<!tpu.dma_semaphore, #tpu.memory_space<semaphore_mem>>) src(%dma_wait3A_36 : memref<10000x64xf32, #tpu.memory_space<vmem_shared>>) dst(%arg9 : memref<128x64xf32, #tpu.memory_space<vmem>>)
      %add3A_37 = arith.constant 1 : i32
      %add3A_38 = arith.addi %mul3A_29, %add3A_37 : i32
      %min3A = arith.constant 79 : i32
      %min3A_39 = arith.minsi %add3A_38, %min3A : i32
      %dma_start3A_40 = arith.constant 0 : i32
      %dma_start3A_41 = tpu.memref_slice %arg7[%min3A_39, %dma_start3A_40] : memref<80x128xi32, #tpu.memory_space<vmem>> -> memref<1x128xi32, #tpu.memory_space<vmem>>
      %dma_start3A_42 = tpu.memref_squeeze %dma_start3A_41 : memref<1x128xi32, #tpu.memory_space<vmem>> -> memref<128xi32, #tpu.memory_space<vmem>>
      %dma_start3A_43 = arith.constant 0 : i32
      %dma_start3A_44 = arith.constant 0 : i32
      %dma_start3A_45 = tpu.memref_slice %arg13[%dma_start3A_43, %dma_start3A_44] : memref<10000x64xf32, #tpu.memory_space<vmem_shared>> -> memref<10000x64xf32, #tpu.memory_space<vmem_shared>>
      tpu.enqueue_indirect_dma source(%dma_start3A_45 : memref<10000x64xf32, #tpu.memory_space<vmem_shared>>) target(%arg10 : memref<128x64xf32, #tpu.memory_space<vmem>>) offsets(%dma_start3A_42 : memref<128xi32, #tpu.memory_space<vmem>>) semaphore(%arg12 : memref<!tpu.dma_semaphore, #tpu.memory_space<semaphore_mem>>)
      "tpu.region"() ({
        %run_scoped3A = tpu.sem_alloc : memref<!tpu.dma_semaphore, #tpu.memory_space<semaphore_mem>>
        %dma_start3A_66 = arith.constant 0 : i32
        %dma_start3A_67 = tpu.memref_slice %arg8[%mul3A_29, %dma_start3A_66] : memref<80x128xi32, #tpu.memory_space<vmem>> -> memref<1x128xi32, #tpu.memory_space<vmem>>
        %dma_start3A_68 = tpu.memref_squeeze %dma_start3A_67 : memref<1x128xi32, #tpu.memory_space<vmem>> -> memref<128xi32, #tpu.memory_space<vmem>>
        %dma_start3A_69 = arith.constant 0 : i32
        %dma_start3A_70 = arith.constant 0 : i32
        %dma_start3A_71 = tpu.memref_slice %arg14[%dma_start3A_69, %dma_start3A_70] : memref<10112x64xf32, #tpu.memory_space<vmem_shared>> -> memref<10112x64xf32, #tpu.memory_space<vmem_shared>>
        tpu.enqueue_indirect_dma source(%arg9 : memref<128x64xf32, #tpu.memory_space<vmem>>) target(%dma_start3A_71 : memref<10112x64xf32, #tpu.memory_space<vmem_shared>>) offsets(%dma_start3A_68 : memref<128xi32, #tpu.memory_space<vmem>>) semaphore(%run_scoped3A : memref<!tpu.dma_semaphore, #tpu.memory_space<semaphore_mem>>) {add = true}
        %dma_wait3A_72 = arith.constant 0 : i32
        %dma_wait3A_73 = tpu.memref_slice %arg8[%mul3A_29, %dma_wait3A_72] : memref<80x128xi32, #tpu.memory_space<vmem>> -> memref<1x128xi32, #tpu.memory_space<vmem>>
        %dma_wait3A_74 = tpu.memref_squeeze %dma_wait3A_73 : memref<1x128xi32, #tpu.memory_space<vmem>> -> memref<128xi32, #tpu.memory_space<vmem>>
        %dma_wait3A_75 = arith.constant 0 : i32
        %dma_wait3A_76 = arith.constant 0 : i32
        %dma_wait3A_77 = tpu.memref_slice %arg14[%dma_wait3A_75, %dma_wait3A_76] : memref<10112x64xf32, #tpu.memory_space<vmem_shared>> -> memref<10112x64xf32, #tpu.memory_space<vmem_shared>>
        tpu.wait_indirect_dma semaphore(%run_scoped3A : memref<!tpu.dma_semaphore, #tpu.memory_space<semaphore_mem>>) src(%arg9 : memref<128x64xf32, #tpu.memory_space<vmem>>) dst(%dma_wait3A_77 : memref<10112x64xf32, #tpu.memory_space<vmem_shared>>)
        tpu.yield
      }) : () -> ()
      %dma_wait3A_46 = arith.constant 0 : i32
      %dma_wait3A_47 = arith.constant 0 : i32
      %dma_wait3A_48 = tpu.memref_slice %arg7[%dma_wait3A_46, %dma_wait3A_47] : memref<80x128xi32, #tpu.memory_space<vmem>> -> memref<1x128xi32, #tpu.memory_space<vmem>>
      %dma_wait3A_49 = tpu.memref_squeeze %dma_wait3A_48 : memref<1x128xi32, #tpu.memory_space<vmem>> -> memref<128xi32, #tpu.memory_space<vmem>>
      %dma_wait3A_50 = arith.constant 0 : i32
      %dma_wait3A_51 = arith.constant 0 : i32
      %dma_wait3A_52 = tpu.memref_slice %arg13[%dma_wait3A_50, %dma_wait3A_51] : memref<10000x64xf32, #tpu.memory_space<vmem_shared>> -> memref<10000x64xf32, #tpu.memory_space<vmem_shared>>
      tpu.wait_indirect_dma semaphore(%arg12 : memref<!tpu.dma_semaphore, #tpu.memory_space<semaphore_mem>>) src(%dma_wait3A_52 : memref<10000x64xf32, #tpu.memory_space<vmem_shared>>) dst(%arg10 : memref<128x64xf32, #tpu.memory_space<vmem>>)
      %add3A_53 = arith.constant 2 : i32
      %add3A_54 = arith.addi %mul3A_29, %add3A_53 : i32
      %min3A_55 = arith.constant 79 : i32
      %min3A_56 = arith.minsi %add3A_54, %min3A_55 : i32
      %dma_start3A_57 = arith.constant 0 : i32
      %dma_start3A_58 = tpu.memref_slice %arg7[%min3A_56, %dma_start3A_57] : memref<80x128xi32, #tpu.memory_space<vmem>> -> memref<1x128xi32, #tpu.memory_space<vmem>>
      %dma_start3A_59 = tpu.memref_squeeze %dma_start3A_58 : memref<1x128xi32, #tpu.memory_space<vmem>> -> memref<128xi32, #tpu.memory_space<vmem>>
      %dma_start3A_60 = arith.constant 0 : i32
      %dma_start3A_61 = arith.constant 0 : i32
      %dma_start3A_62 = tpu.memref_slice %arg13[%dma_start3A_60, %dma_start3A_61] : memref<10000x64xf32, #tpu.memory_space<vmem_shared>> -> memref<10000x64xf32, #tpu.memory_space<vmem_shared>>
      tpu.enqueue_indirect_dma source(%dma_start3A_62 : memref<10000x64xf32, #tpu.memory_space<vmem_shared>>) target(%arg9 : memref<128x64xf32, #tpu.memory_space<vmem>>) offsets(%dma_start3A_59 : memref<128xi32, #tpu.memory_space<vmem>>) semaphore(%arg11 : memref<!tpu.dma_semaphore, #tpu.memory_space<semaphore_mem>>)
      %add3A_63 = arith.constant 1 : i32
      %add3A_64 = arith.addi %mul3A_29, %add3A_63 : i32
      "tpu.region"() ({
        %run_scoped3A = tpu.sem_alloc : memref<!tpu.dma_semaphore, #tpu.memory_space<semaphore_mem>>
        %dma_start3A_66 = arith.constant 0 : i32
        %dma_start3A_67 = tpu.memref_slice %arg8[%add3A_64, %dma_start3A_66] : memref<80x128xi32, #tpu.memory_space<vmem>> -> memref<1x128xi32, #tpu.memory_space<vmem>>
        %dma_start3A_68 = tpu.memref_squeeze %dma_start3A_67 : memref<1x128xi32, #tpu.memory_space<vmem>> -> memref<128xi32, #tpu.memory_space<vmem>>
        %dma_start3A_69 = arith.constant 0 : i32
        %dma_start3A_70 = arith.constant 0 : i32
        %dma_start3A_71 = tpu.memref_slice %arg14[%dma_start3A_69, %dma_start3A_70] : memref<10112x64xf32, #tpu.memory_space<vmem_shared>> -> memref<10112x64xf32, #tpu.memory_space<vmem_shared>>
        tpu.enqueue_indirect_dma source(%arg10 : memref<128x64xf32, #tpu.memory_space<vmem>>) target(%dma_start3A_71 : memref<10112x64xf32, #tpu.memory_space<vmem_shared>>) offsets(%dma_start3A_68 : memref<128xi32, #tpu.memory_space<vmem>>) semaphore(%run_scoped3A : memref<!tpu.dma_semaphore, #tpu.memory_space<semaphore_mem>>) {add = true}
        %dma_wait3A_72 = arith.constant 0 : i32
        %dma_wait3A_73 = tpu.memref_slice %arg8[%add3A_64, %dma_wait3A_72] : memref<80x128xi32, #tpu.memory_space<vmem>> -> memref<1x128xi32, #tpu.memory_space<vmem>>
        %dma_wait3A_74 = tpu.memref_squeeze %dma_wait3A_73 : memref<1x128xi32, #tpu.memory_space<vmem>> -> memref<128xi32, #tpu.memory_space<vmem>>
        %dma_wait3A_75 = arith.constant 0 : i32
        %dma_wait3A_76 = arith.constant 0 : i32
        %dma_wait3A_77 = tpu.memref_slice %arg14[%dma_wait3A_75, %dma_wait3A_76] : memref<10112x64xf32, #tpu.memory_space<vmem_shared>> -> memref<10112x64xf32, #tpu.memory_space<vmem_shared>>
        tpu.wait_indirect_dma semaphore(%run_scoped3A : memref<!tpu.dma_semaphore, #tpu.memory_space<semaphore_mem>>) src(%arg10 : memref<128x64xf32, #tpu.memory_space<vmem>>) dst(%dma_wait3A_77 : memref<10112x64xf32, #tpu.memory_space<vmem_shared>>)
        tpu.yield
      }) : () -> ()
      %scan3A_65 = arith.constant 0 : i32
      scf.yield %scan3A_65 : i32
    }
    %scan3A_18 = arith.constant 40 : i32
    %dma_wait3A = arith.constant 0 : i32
    %dma_wait3A_19 = arith.constant 0 : i32
    %dma_wait3A_20 = tpu.memref_slice %arg7[%dma_wait3A, %dma_wait3A_19] : memref<80x128xi32, #tpu.memory_space<vmem>> -> memref<1x128xi32, #tpu.memory_space<vmem>>
    %dma_wait3A_21 = tpu.memref_squeeze %dma_wait3A_20 : memref<1x128xi32, #tpu.memory_space<vmem>> -> memref<128xi32, #tpu.memory_space<vmem>>
    %dma_wait3A_22 = arith.constant 0 : i32
    %dma_wait3A_23 = arith.constant 0 : i32
    %dma_wait3A_24 = tpu.memref_slice %arg13[%dma_wait3A_22, %dma_wait3A_23] : memref<10000x64xf32, #tpu.memory_space<vmem_shared>> -> memref<10000x64xf32, #tpu.memory_space<vmem_shared>>
    tpu.wait_indirect_dma semaphore(%arg11 : memref<!tpu.dma_semaphore, #tpu.memory_space<semaphore_mem>>) src(%dma_wait3A_24 : memref<10000x64xf32, #tpu.memory_space<vmem_shared>>) dst(%arg9 : memref<128x64xf32, #tpu.memory_space<vmem>>)
    %barrier3A_25 = arith.constant 0 : index
    tpu.barrier barrier_id(%barrier3A_25)
    "tpu.region"() ({
      %run_scoped3A = tpu.sem_alloc : memref<!tpu.dma_semaphore, #tpu.memory_space<semaphore_mem>>
      %dma_start3A_26 = arith.constant 0 : i32
      %dma_start3A_27 = tpu.memref_slice %arg6[%arg0, %mul3A_6, %dma_start3A_26] : memref<2x10112x64xf32, #tpu.memory_space<hbm>> -> memref<1x632x64xf32, #tpu.memory_space<hbm>>
      %dma_start3A_28 = tpu.memref_squeeze %dma_start3A_27 : memref<1x632x64xf32, #tpu.memory_space<hbm>> -> memref<632x64xf32, #tpu.memory_space<hbm>>
      %dma_start3A_29 = arith.constant 0 : i32
      %dma_start3A_30 = tpu.memref_slice %arg14[%mul3A_6, %dma_start3A_29] : memref<10112x64xf32, #tpu.memory_space<vmem_shared>> -> memref<632x64xf32, #tpu.memory_space<vmem_shared>>
      tpu.enqueue_dma source(%dma_start3A_30 : memref<632x64xf32, #tpu.memory_space<vmem_shared>>) target(%dma_start3A_28 : memref<632x64xf32, #tpu.memory_space<hbm>>) target_semaphore(%run_scoped3A : memref<!tpu.dma_semaphore, #tpu.memory_space<semaphore_mem>>)
      %dma_wait3A_31 = arith.constant 0 : i32
      %dma_wait3A_32 = tpu.memref_slice %arg6[%arg0, %mul3A_6, %dma_wait3A_31] : memref<2x10112x64xf32, #tpu.memory_space<hbm>> -> memref<1x632x64xf32, #tpu.memory_space<hbm>>
      %dma_wait3A_33 = tpu.memref_squeeze %dma_wait3A_32 : memref<1x632x64xf32, #tpu.memory_space<hbm>> -> memref<632x64xf32, #tpu.memory_space<hbm>>
      %dma_wait3A_34 = arith.constant 0 : i32
      %dma_wait3A_35 = tpu.memref_slice %arg14[%mul3A_6, %dma_wait3A_34] : memref<10112x64xf32, #tpu.memory_space<vmem_shared>> -> memref<632x64xf32, #tpu.memory_space<vmem_shared>>
      tpu.wait_dma2 semaphore(%run_scoped3A : memref<!tpu.dma_semaphore, #tpu.memory_space<semaphore_mem>>) src(%dma_wait3A_35 : memref<632x64xf32, #tpu.memory_space<vmem_shared>>) dst(%dma_wait3A_33 : memref<632x64xf32, #tpu.memory_space<hbm>>)
      tpu.yield
    }) : () -> ()
    return
  }
}

module attributes {stable_mosaic.version = 14 : i64} {
  func.func @_tc_a_body(%arg0: i32, %arg1: memref<10000x128xf32, #tpu.memory_space<vmem>>, %arg2: memref<4x128x32xf32, #tpu.memory_space<vmem>>, %arg3: memref<128x32xf32, #tpu.memory_space<vmem>>, %arg4: memref<1x32xf32, #tpu.memory_space<vmem>>, %arg5: memref<4x10000x32xf32, #tpu.memory_space<vmem>>, %arg6: memref<10000x32xf32, #tpu.memory_space<vmem>>) attributes {dimension_semantics = [#tpu.dimension_semantics<arbitrary>], iteration_bounds = array<i64: 1>, scalar_prefetch = 0 : i64, scratch_operands = 0 : i64, tpu.core_type = #tpu.core_type<tc>, window_params = [{transform_indices = @transform_0, window_bounds = array<i64: 10000, 128>}, {pipeline_mode = #tpu.pipeline_mode<synchronous>, transform_indices = @transform_1, window_bounds = array<i64: 4, 128, 32>}, {pipeline_mode = #tpu.pipeline_mode<synchronous>, transform_indices = @transform_2, window_bounds = array<i64: 128, 32>}, {pipeline_mode = #tpu.pipeline_mode<synchronous>, transform_indices = @transform_3, window_bounds = array<i64: 1, 32>}, {transform_indices = @transform_4, window_bounds = array<i64: 4, 10000, 32>}, {transform_indices = @transform_5, window_bounds = array<i64: 10000, 32>}]} {
    %get3A = arith.constant 0 : index
    %get3A_0 = arith.constant 0 : index
    %get3A_1 = vector.load %arg1[%get3A, %get3A_0] : memref<10000x128xf32, #tpu.memory_space<vmem>>, vector<10000x128xf32>
    %get3A_2 = arith.constant 0 : index
    %get3A_3 = arith.constant 0 : index
    %get3A_4 = arith.constant 0 : index
    %get3A_5 = vector.load %arg2[%get3A_2, %get3A_3, %get3A_4] : memref<4x128x32xf32, #tpu.memory_space<vmem>>, vector<1x128x32xf32>
    %get3A_6 = vector.shape_cast %get3A_5 : vector<1x128x32xf32> to vector<128x32xf32>
    %dot_general3A = arith.constant dense<0.000000e+00> : vector<10000x32xf32>
    %dot_general3A_7 = tpu.matmul %get3A_1, %get3A_6, %dot_general3A {dimension_numbers = #tpu.dot_dimension_numbers<[1], [0], [0], [1], [0, 0, 1, 1], [], []>, transpose_lhs_hint = false} : vector<10000x128xf32>, vector<128x32xf32>, vector<10000x32xf32> -> vector<10000x32xf32>
    %swap3A = arith.constant 0 : index
    %swap3A_8 = arith.constant 0 : index
    %swap3A_9 = arith.constant 0 : index
    %swap3A_10 = vector.load %arg5[%swap3A, %swap3A_8, %swap3A_9] : memref<4x10000x32xf32, #tpu.memory_space<vmem>>, vector<1x10000x32xf32>
    %swap3A_11 = vector.shape_cast %swap3A_10 : vector<1x10000x32xf32> to vector<10000x32xf32>
    %swap3A_12 = vector.shape_cast %dot_general3A_7 : vector<10000x32xf32> to vector<1x10000x32xf32>
    tpu.vector_store %arg5[%swap3A, %swap3A_8, %swap3A_9], %swap3A_12 {strides = array<i32>} : memref<4x10000x32xf32, #tpu.memory_space<vmem>>, vector<1x10000x32xf32>,
    %get3A_13 = arith.constant 1 : index
    %get3A_14 = arith.constant 0 : index
    %get3A_15 = arith.constant 0 : index
    %get3A_16 = vector.load %arg2[%get3A_13, %get3A_14, %get3A_15] : memref<4x128x32xf32, #tpu.memory_space<vmem>>, vector<1x128x32xf32>
    %get3A_17 = vector.shape_cast %get3A_16 : vector<1x128x32xf32> to vector<128x32xf32>
    %dot_general3A_18 = arith.constant dense<0.000000e+00> : vector<10000x32xf32>
    %dot_general3A_19 = tpu.matmul %get3A_1, %get3A_17, %dot_general3A_18 {dimension_numbers = #tpu.dot_dimension_numbers<[1], [0], [0], [1], [0, 0, 1, 1], [], []>, transpose_lhs_hint = false} : vector<10000x128xf32>, vector<128x32xf32>, vector<10000x32xf32> -> vector<10000x32xf32>
    %swap3A_20 = arith.constant 1 : index
    %swap3A_21 = arith.constant 0 : index
    %swap3A_22 = arith.constant 0 : index
    %swap3A_23 = vector.load %arg5[%swap3A_20, %swap3A_21, %swap3A_22] : memref<4x10000x32xf32, #tpu.memory_space<vmem>>, vector<1x10000x32xf32>
    %swap3A_24 = vector.shape_cast %swap3A_23 : vector<1x10000x32xf32> to vector<10000x32xf32>
    %swap3A_25 = vector.shape_cast %dot_general3A_19 : vector<10000x32xf32> to vector<1x10000x32xf32>
    tpu.vector_store %arg5[%swap3A_20, %swap3A_21, %swap3A_22], %swap3A_25 {strides = array<i32>} : memref<4x10000x32xf32, #tpu.memory_space<vmem>>, vector<1x10000x32xf32>,
    %get3A_26 = arith.constant 2 : index
    %get3A_27 = arith.constant 0 : index
    %get3A_28 = arith.constant 0 : index
    %get3A_29 = vector.load %arg2[%get3A_26, %get3A_27, %get3A_28] : memref<4x128x32xf32, #tpu.memory_space<vmem>>, vector<1x128x32xf32>
    %get3A_30 = vector.shape_cast %get3A_29 : vector<1x128x32xf32> to vector<128x32xf32>
    %dot_general3A_31 = arith.constant dense<0.000000e+00> : vector<10000x32xf32>
    %dot_general3A_32 = tpu.matmul %get3A_1, %get3A_30, %dot_general3A_31 {dimension_numbers = #tpu.dot_dimension_numbers<[1], [0], [0], [1], [0, 0, 1, 1], [], []>, transpose_lhs_hint = false} : vector<10000x128xf32>, vector<128x32xf32>, vector<10000x32xf32> -> vector<10000x32xf32>
    %swap3A_33 = arith.constant 2 : index
    %swap3A_34 = arith.constant 0 : index
    %swap3A_35 = arith.constant 0 : index
    %swap3A_36 = vector.load %arg5[%swap3A_33, %swap3A_34, %swap3A_35] : memref<4x10000x32xf32, #tpu.memory_space<vmem>>, vector<1x10000x32xf32>
    %swap3A_37 = vector.shape_cast %swap3A_36 : vector<1x10000x32xf32> to vector<10000x32xf32>
    %swap3A_38 = vector.shape_cast %dot_general3A_32 : vector<10000x32xf32> to vector<1x10000x32xf32>
    tpu.vector_store %arg5[%swap3A_33, %swap3A_34, %swap3A_35], %swap3A_38 {strides = array<i32>} : memref<4x10000x32xf32, #tpu.memory_space<vmem>>, vector<1x10000x32xf32>,
    %get3A_39 = arith.constant 3 : index
    %get3A_40 = arith.constant 0 : index
    %get3A_41 = arith.constant 0 : index
    %get3A_42 = vector.load %arg2[%get3A_39, %get3A_40, %get3A_41] : memref<4x128x32xf32, #tpu.memory_space<vmem>>, vector<1x128x32xf32>
    %get3A_43 = vector.shape_cast %get3A_42 : vector<1x128x32xf32> to vector<128x32xf32>
    %dot_general3A_44 = arith.constant dense<0.000000e+00> : vector<10000x32xf32>
    %dot_general3A_45 = tpu.matmul %get3A_1, %get3A_43, %dot_general3A_44 {dimension_numbers = #tpu.dot_dimension_numbers<[1], [0], [0], [1], [0, 0, 1, 1], [], []>, transpose_lhs_hint = false} : vector<10000x128xf32>, vector<128x32xf32>, vector<10000x32xf32> -> vector<10000x32xf32>
    %swap3A_46 = arith.constant 3 : index
    %swap3A_47 = arith.constant 0 : index
    %swap3A_48 = arith.constant 0 : index
    %swap3A_49 = vector.load %arg5[%swap3A_46, %swap3A_47, %swap3A_48] : memref<4x10000x32xf32, #tpu.memory_space<vmem>>, vector<1x10000x32xf32>
    %swap3A_50 = vector.shape_cast %swap3A_49 : vector<1x10000x32xf32> to vector<10000x32xf32>
    %swap3A_51 = vector.shape_cast %dot_general3A_45 : vector<10000x32xf32> to vector<1x10000x32xf32>
    tpu.vector_store %arg5[%swap3A_46, %swap3A_47, %swap3A_48], %swap3A_51 {strides = array<i32>} : memref<4x10000x32xf32, #tpu.memory_space<vmem>>, vector<1x10000x32xf32>,
    %get3A_52 = arith.constant 0 : index
    %get3A_53 = arith.constant 0 : index
    %get3A_54 = vector.load %arg3[%get3A_52, %get3A_53] : memref<128x32xf32, #tpu.memory_space<vmem>>, vector<128x32xf32>
    %dot_general3A_55 = arith.constant dense<0.000000e+00> : vector<10000x32xf32>
    %dot_general3A_56 = tpu.matmul %get3A_1, %get3A_54, %dot_general3A_55 {dimension_numbers = #tpu.dot_dimension_numbers<[1], [0], [0], [1], [0, 0, 1, 1], [], []>, transpose_lhs_hint = false} : vector<10000x128xf32>, vector<128x32xf32>, vector<10000x32xf32> -> vector<10000x32xf32>
    %get3A_57 = arith.constant 0 : index
    %get3A_58 = arith.constant 0 : index
    %get3A_59 = vector.load %arg4[%get3A_57, %get3A_58] : memref<1x32xf32, #tpu.memory_space<vmem>>, vector<1x32xf32>
    %add3A = vector.broadcast %get3A_59 : vector<1x32xf32> to vector<10000x32xf32>
    %add3A_60 = arith.addf %dot_general3A_56, %add3A : vector<10000x32xf32>
    %swap3A_61 = arith.constant 0 : index
    %swap3A_62 = arith.constant 0 : index
    %swap3A_63 = vector.load %arg6[%swap3A_61, %swap3A_62] : memref<10000x32xf32, #tpu.memory_space<vmem>>, vector<10000x32xf32>
    tpu.vector_store %arg6[%swap3A_61, %swap3A_62], %add3A_60 {strides = array<i32>} : memref<10000x32xf32, #tpu.memory_space<vmem>>, vector<10000x32xf32>,
    return
  }
  func.func @transform_0(%arg0: i32) -> (i32, i32) {
    %c0_i32 = arith.constant 0 : i32
    %c0_i32_0 = arith.constant 0 : i32
    return %arg0, %c0_i32 : i32, i32
  }
  func.func @transform_1(%arg0: i32) -> (i32, i32, i32) {
    %c0_i32 = arith.constant 0 : i32
    %c0_i32_0 = arith.constant 0 : i32
    %c0_i32_1 = arith.constant 0 : i32
    %c0_i32_2 = arith.constant 0 : i32
    return %c0_i32, %c0_i32_0, %c0_i32_1 : i32, i32, i32
  }
  func.func @transform_2(%arg0: i32) -> (i32, i32) {
    %c0_i32 = arith.constant 0 : i32
    %c0_i32_0 = arith.constant 0 : i32
    %c0_i32_1 = arith.constant 0 : i32
    return %c0_i32, %c0_i32_0 : i32, i32
  }
  func.func @transform_3(%arg0: i32) -> (i32, i32) {
    %c0_i32 = arith.constant 0 : i32
    %c0_i32_0 = arith.constant 0 : i32
    %c0_i32_1 = arith.constant 0 : i32
    return %c0_i32, %c0_i32_0 : i32, i32
  }
  func.func @transform_4(%arg0: i32) -> (i32, i32, i32) {
    %c0_i32 = arith.constant 0 : i32
    %c0_i32_0 = arith.constant 0 : i32
    %c0_i32_1 = arith.constant 0 : i32
    return %c0_i32, %arg0, %c0_i32_0 : i32, i32, i32
  }
  func.func @transform_5(%arg0: i32) -> (i32, i32) {
    %c0_i32 = arith.constant 0 : i32
    %c0_i32_0 = arith.constant 0 : i32
    return %arg0, %c0_i32 : i32, i32
  }
}

module attributes {stable_mosaic.version = 14 : i64} {
  func.func @_tc_c_body(%arg0: i32, %arg1: memref<2x10000x32xf32, #tpu.memory_space<vmem>>, %arg2: memref<10000x32xf32, #tpu.memory_space<vmem>>, %arg3: memref<2x10000x8xf32, #tpu.memory_space<vmem>>, %arg4: memref<32x64xf32, #tpu.memory_space<vmem>>, %arg5: memref<10000x64xf32, #tpu.memory_space<vmem>>, %arg6: memref<10000x8xf32, #tpu.memory_space<vmem>>) attributes {dimension_semantics = [#tpu.dimension_semantics<arbitrary>], iteration_bounds = array<i64: 1>, scalar_prefetch = 0 : i64, scratch_operands = 0 : i64, tpu.core_type = #tpu.core_type<tc>, window_params = [{transform_indices = @transform_0, window_bounds = array<i64: 2, 10000, 32>}, {transform_indices = @transform_1, window_bounds = array<i64: 10000, 32>}, {transform_indices = @transform_2, window_bounds = array<i64: 2, 10000, 8>}, {pipeline_mode = #tpu.pipeline_mode<synchronous>, transform_indices = @transform_3, window_bounds = array<i64: 32, 64>}, {transform_indices = @transform_4, window_bounds = array<i64: 10000, 64>}, {transform_indices = @transform_5, window_bounds = array<i64: 10000, 8>}]} {
    %get3A = arith.constant 0 : index
    %get3A_0 = arith.constant 0 : index
    %get3A_1 = arith.constant 0 : index
    %get3A_2 = vector.load %arg1[%get3A, %get3A_0, %get3A_1] : memref<2x10000x32xf32, #tpu.memory_space<vmem>>, vector<1x10000x32xf32>
    %get3A_3 = vector.shape_cast %get3A_2 : vector<1x10000x32xf32> to vector<10000x32xf32>
    %get3A_4 = arith.constant 1 : index
    %get3A_5 = arith.constant 0 : index
    %get3A_6 = arith.constant 0 : index
    %get3A_7 = vector.load %arg1[%get3A_4, %get3A_5, %get3A_6] : memref<2x10000x32xf32, #tpu.memory_space<vmem>>, vector<1x10000x32xf32>
    %get3A_8 = vector.shape_cast %get3A_7 : vector<1x10000x32xf32> to vector<10000x32xf32>
    %add3A = arith.addf %get3A_3, %get3A_8 : vector<10000x32xf32>
    %get3A_9 = arith.constant 0 : index
    %get3A_10 = arith.constant 0 : index
    %get3A_11 = vector.load %arg2[%get3A_9, %get3A_10] : memref<10000x32xf32, #tpu.memory_space<vmem>>, vector<10000x32xf32>
    %add3A_12 = arith.addf %add3A, %get3A_11 : vector<10000x32xf32>
    %max3A = arith.constant 0.000000e+00 : f32
    %max3A_13 = vector.broadcast %max3A : f32 to vector<10000x32xf32>
    %max3A_14 = arith.maximumf %add3A_12, %max3A_13 : vector<10000x32xf32>
    %get3A_15 = arith.constant 0 : index
    %get3A_16 = arith.constant 0 : index
    %get3A_17 = arith.constant 0 : index
    %get3A_18 = vector.load %arg3[%get3A_15, %get3A_16, %get3A_17] : memref<2x10000x8xf32, #tpu.memory_space<vmem>>, vector<1x10000x8xf32>
    %get3A_19 = vector.shape_cast %get3A_18 : vector<1x10000x8xf32> to vector<10000x8xf32>
    %get3A_20 = arith.constant 1 : index
    %get3A_21 = arith.constant 0 : index
    %get3A_22 = arith.constant 0 : index
    %get3A_23 = vector.load %arg3[%get3A_20, %get3A_21, %get3A_22] : memref<2x10000x8xf32, #tpu.memory_space<vmem>>, vector<1x10000x8xf32>
    %get3A_24 = vector.shape_cast %get3A_23 : vector<1x10000x8xf32> to vector<10000x8xf32>
    %add3A_25 = arith.addf %get3A_19, %get3A_24 : vector<10000x8xf32>
    %add3A_26 = arith.constant 1.000000e+00 : f32
    %add3A_27 = vector.broadcast %add3A_26 : f32 to vector<10000x8xf32>
    %add3A_28 = arith.addf %add3A_25, %add3A_27 : vector<10000x8xf32>
    %rsqrt3A = math.rsqrt %add3A_28 : vector<10000x8xf32>
    %swap3A = arith.constant 0 : index
    %swap3A_29 = arith.constant 0 : index
    %swap3A_30 = vector.load %arg6[%swap3A, %swap3A_29] : memref<10000x8xf32, #tpu.memory_space<vmem>>, vector<10000x8xf32>
    tpu.vector_store %arg6[%swap3A, %swap3A_29], %rsqrt3A {strides = array<i32>} : memref<10000x8xf32, #tpu.memory_space<vmem>>, vector<10000x8xf32>,
    %slice3A = vector.extract_strided_slice %rsqrt3A {offsets = [0, 0], sizes = [10000, 1], strides = [1, 1]} : vector<10000x8xf32> to vector<10000x1xf32>
    %get3A_31 = arith.constant 0 : index
    %get3A_32 = arith.constant 0 : index
    %get3A_33 = vector.load %arg4[%get3A_31, %get3A_32] : memref<32x64xf32, #tpu.memory_space<vmem>>, vector<32x64xf32>
    %dot_general3A = arith.constant dense<0.000000e+00> : vector<10000x64xf32>
    %dot_general3A_34 = tpu.matmul %max3A_14, %get3A_33, %dot_general3A {dimension_numbers = #tpu.dot_dimension_numbers<[1], [0], [0], [1], [0, 0, 1, 1], [], []>, transpose_lhs_hint = false} : vector<10000x32xf32>, vector<32x64xf32>, vector<10000x64xf32> -> vector<10000x64xf32>
    %mul3A = vector.broadcast %slice3A : vector<10000x1xf32> to vector<10000x64xf32>
    %mul3A_35 = arith.mulf %mul3A, %dot_general3A_34 : vector<10000x64xf32>
    %swap3A_36 = arith.constant 0 : index
    %swap3A_37 = arith.constant 0 : index
    %swap3A_38 = vector.load %arg5[%swap3A_36, %swap3A_37] : memref<10000x64xf32, #tpu.memory_space<vmem>>, vector<10000x64xf32>
    tpu.vector_store %arg5[%swap3A_36, %swap3A_37], %mul3A_35 {strides = array<i32>} : memref<10000x64xf32, #tpu.memory_space<vmem>>, vector<10000x64xf32>,
    return
  }
  func.func @transform_0(%arg0: i32) -> (i32, i32, i32) {
    %c0_i32 = arith.constant 0 : i32
    %c0_i32_0 = arith.constant 0 : i32
    %c0_i32_1 = arith.constant 0 : i32
    return %c0_i32, %arg0, %c0_i32_0 : i32, i32, i32
  }
  func.func @transform_1(%arg0: i32) -> (i32, i32) {
    %c0_i32 = arith.constant 0 : i32
    %c0_i32_0 = arith.constant 0 : i32
    return %arg0, %c0_i32 : i32, i32
  }
  func.func @transform_2(%arg0: i32) -> (i32, i32, i32) {
    %c0_i32 = arith.constant 0 : i32
    %c0_i32_0 = arith.constant 0 : i32
    %c0_i32_1 = arith.constant 0 : i32
    return %c0_i32, %arg0, %c0_i32_0 : i32, i32, i32
  }
  func.func @transform_3(%arg0: i32) -> (i32, i32) {
    %c0_i32 = arith.constant 0 : i32
    %c0_i32_0 = arith.constant 0 : i32
    %c0_i32_1 = arith.constant 0 : i32
    return %c0_i32, %c0_i32_0 : i32, i32
  }
  func.func @transform_4(%arg0: i32) -> (i32, i32) {
    %c0_i32 = arith.constant 0 : i32
    %c0_i32_0 = arith.constant 0 : i32
    return %arg0, %c0_i32 : i32, i32
  }
  func.func @transform_5(%arg0: i32) -> (i32, i32) {
    %c0_i32 = arith.constant 0 : i32
    %c0_i32_0 = arith.constant 0 : i32
    return %arg0, %c0_i32 : i32, i32
  }
}

module attributes {stable_mosaic.version = 14 : i64} {
  func.func @_tc_e_body(%arg0: i32, %arg1: memref<2x10000x64xf32, #tpu.memory_space<vmem>>, %arg2: memref<10000x64xf32, #tpu.memory_space<vmem>>, %arg3: memref<10000x8xf32, #tpu.memory_space<vmem>>, %arg4: memref<64x64xf32, #tpu.memory_space<vmem>>, %arg5: memref<1x64xf32, #tpu.memory_space<vmem>>, %arg6: memref<10000x64xf32, #tpu.memory_space<vmem>>) attributes {dimension_semantics = [#tpu.dimension_semantics<arbitrary>], iteration_bounds = array<i64: 1>, scalar_prefetch = 0 : i64, scratch_operands = 0 : i64, tpu.core_type = #tpu.core_type<tc>, window_params = [{transform_indices = @transform_0, window_bounds = array<i64: 2, 10000, 64>}, {transform_indices = @transform_1, window_bounds = array<i64: 10000, 64>}, {transform_indices = @transform_2, window_bounds = array<i64: 10000, 8>}, {pipeline_mode = #tpu.pipeline_mode<synchronous>, transform_indices = @transform_3, window_bounds = array<i64: 64, 64>}, {pipeline_mode = #tpu.pipeline_mode<synchronous>, transform_indices = @transform_4, window_bounds = array<i64: 1, 64>}, {transform_indices = @transform_5, window_bounds = array<i64: 10000, 64>}]} {
    %get3A = arith.constant 0 : index
    %get3A_0 = arith.constant 0 : index
    %get3A_1 = vector.load %arg3[%get3A, %get3A_0] : memref<10000x8xf32, #tpu.memory_space<vmem>>, vector<10000x1xf32>
    %get3A_2 = arith.constant 0 : index
    %get3A_3 = arith.constant 0 : index
    %get3A_4 = arith.constant 0 : index
    %get3A_5 = vector.load %arg1[%get3A_2, %get3A_3, %get3A_4] : memref<2x10000x64xf32, #tpu.memory_space<vmem>>, vector<1x10000x64xf32>
    %get3A_6 = vector.shape_cast %get3A_5 : vector<1x10000x64xf32> to vector<10000x64xf32>
    %get3A_7 = arith.constant 1 : index
    %get3A_8 = arith.constant 0 : index
    %get3A_9 = arith.constant 0 : index
    %get3A_10 = vector.load %arg1[%get3A_7, %get3A_8, %get3A_9] : memref<2x10000x64xf32, #tpu.memory_space<vmem>>, vector<1x10000x64xf32>
    %get3A_11 = vector.shape_cast %get3A_10 : vector<1x10000x64xf32> to vector<10000x64xf32>
    %add3A = arith.addf %get3A_6, %get3A_11 : vector<10000x64xf32>
    %get3A_12 = arith.constant 0 : index
    %get3A_13 = arith.constant 0 : index
    %get3A_14 = vector.load %arg2[%get3A_12, %get3A_13] : memref<10000x64xf32, #tpu.memory_space<vmem>>, vector<10000x64xf32>
    %add3A_15 = arith.addf %add3A, %get3A_14 : vector<10000x64xf32>
    %mul3A = vector.broadcast %get3A_1 : vector<10000x1xf32> to vector<10000x64xf32>
    %mul3A_16 = arith.mulf %mul3A, %add3A_15 : vector<10000x64xf32>
    %get3A_17 = arith.constant 0 : index
    %get3A_18 = arith.constant 0 : index
    %get3A_19 = vector.load %arg5[%get3A_17, %get3A_18] : memref<1x64xf32, #tpu.memory_space<vmem>>, vector<1x64xf32>
    %add3A_20 = vector.broadcast %get3A_19 : vector<1x64xf32> to vector<10000x64xf32>
    %add3A_21 = arith.addf %mul3A_16, %add3A_20 : vector<10000x64xf32>
    %max3A = arith.constant 0.000000e+00 : f32
    %max3A_22 = vector.broadcast %max3A : f32 to vector<10000x64xf32>
    %max3A_23 = arith.maximumf %add3A_21, %max3A_22 : vector<10000x64xf32>
    %get3A_24 = arith.constant 0 : index
    %get3A_25 = arith.constant 0 : index
    %get3A_26 = vector.load %arg4[%get3A_24, %get3A_25] : memref<64x64xf32, #tpu.memory_space<vmem>>, vector<64x64xf32>
    %dot_general3A = arith.constant dense<0.000000e+00> : vector<10000x64xf32>
    %dot_general3A_27 = tpu.matmul %max3A_23, %get3A_26, %dot_general3A {dimension_numbers = #tpu.dot_dimension_numbers<[1], [0], [0], [1], [0, 0, 1, 1], [], []>, transpose_lhs_hint = false} : vector<10000x64xf32>, vector<64x64xf32>, vector<10000x64xf32> -> vector<10000x64xf32>
    %mul3A_28 = vector.broadcast %get3A_1 : vector<10000x1xf32> to vector<10000x64xf32>
    %mul3A_29 = arith.mulf %mul3A_28, %dot_general3A_27 : vector<10000x64xf32>
    %swap3A = arith.constant 0 : index
    %swap3A_30 = arith.constant 0 : index
    %swap3A_31 = vector.load %arg6[%swap3A, %swap3A_30] : memref<10000x64xf32, #tpu.memory_space<vmem>>, vector<10000x64xf32>
    tpu.vector_store %arg6[%swap3A, %swap3A_30], %mul3A_29 {strides = array<i32>} : memref<10000x64xf32, #tpu.memory_space<vmem>>, vector<10000x64xf32>,
    return
  }
  func.func @transform_0(%arg0: i32) -> (i32, i32, i32) {
    %c0_i32 = arith.constant 0 : i32
    %c0_i32_0 = arith.constant 0 : i32
    %c0_i32_1 = arith.constant 0 : i32
    return %c0_i32, %arg0, %c0_i32_0 : i32, i32, i32
  }
  func.func @transform_1(%arg0: i32) -> (i32, i32) {
    %c0_i32 = arith.constant 0 : i32
    %c0_i32_0 = arith.constant 0 : i32
    return %arg0, %c0_i32 : i32, i32
  }
  func.func @transform_2(%arg0: i32) -> (i32, i32) {
    %c0_i32 = arith.constant 0 : i32
    %c0_i32_0 = arith.constant 0 : i32
    return %arg0, %c0_i32 : i32, i32
  }
  func.func @transform_3(%arg0: i32) -> (i32, i32) {
    %c0_i32 = arith.constant 0 : i32
    %c0_i32_0 = arith.constant 0 : i32
    %c0_i32_1 = arith.constant 0 : i32
    return %c0_i32, %c0_i32_0 : i32, i32
  }
  func.func @transform_4(%arg0: i32) -> (i32, i32) {
    %c0_i32 = arith.constant 0 : i32
    %c0_i32_0 = arith.constant 0 : i32
    %c0_i32_1 = arith.constant 0 : i32
    return %c0_i32, %c0_i32_0 : i32, i32
  }
  func.func @transform_5(%arg0: i32) -> (i32, i32) {
    %c0_i32 = arith.constant 0 : i32
    %c0_i32_0 = arith.constant 0 : i32
    return %arg0, %c0_i32 : i32, i32
  }
}

module attributes {stable_mosaic.version = 14 : i64} {
  func.func @_tc_g_body(%arg0: i32, %arg1: memref<2x10000x64xf32, #tpu.memory_space<vmem>>, %arg2: memref<10000x64xf32, #tpu.memory_space<vmem>>, %arg3: memref<10000x8xf32, #tpu.memory_space<vmem>>, %arg4: memref<10000x1xi32, #tpu.memory_space<vmem>>, %arg5: memref<1x64xf32, #tpu.memory_space<vmem>>, %arg6: memref<64x32xf32, #tpu.memory_space<vmem>>, %arg7: memref<1x32xf32, #tpu.memory_space<vmem>>, %arg8: memref<32x10xf32, #tpu.memory_space<vmem>>, %arg9: memref<1x10xf32, #tpu.memory_space<vmem>>, %arg10: memref<64x10xf32, #tpu.memory_space<vmem>>, %arg11: memref<64x64xf32, #tpu.memory_space<vmem>>, %arg12: memref<64x1xf32, #tpu.memory_space<vmem>>) attributes {dimension_semantics = [#tpu.dimension_semantics<arbitrary>], iteration_bounds = array<i64: 1>, scalar_prefetch = 0 : i64, scratch_operands = 2 : i64, tpu.core_type = #tpu.core_type<tc>, window_params = [{transform_indices = @transform_0, window_bounds = array<i64: 2, 10000, 64>}, {transform_indices = @transform_1, window_bounds = array<i64: 10000, 64>}, {transform_indices = @transform_2, window_bounds = array<i64: 10000, 8>}, {transform_indices = @transform_3, window_bounds = array<i64: 10000, 1>}, {pipeline_mode = #tpu.pipeline_mode<synchronous>, transform_indices = @transform_4, window_bounds = array<i64: 1, 64>}, {pipeline_mode = #tpu.pipeline_mode<synchronous>, transform_indices = @transform_5, window_bounds = array<i64: 64, 32>}, {pipeline_mode = #tpu.pipeline_mode<synchronous>, transform_indices = @transform_6, window_bounds = array<i64: 1, 32>}, {pipeline_mode = #tpu.pipeline_mode<synchronous>, transform_indices = @transform_7, window_bounds = array<i64: 32, 10>}, {pipeline_mode = #tpu.pipeline_mode<synchronous>, transform_indices = @transform_8, window_bounds = array<i64: 1, 10>}, {pipeline_mode = #tpu.pipeline_mode<synchronous>, transform_indices = @transform_9, window_bounds = array<i64: 64, 10>}]} {
    %eq3A = arith.constant 0 : i32
    %eq3A_0 = arith.cmpi eq, %arg0, %eq3A : i32
    %convert_element_type3A = arith.extui %eq3A_0 : i1 to i32
    %cond3A = arith.constant 0 : i32
    %cond3A_1 = arith.cmpi ne, %convert_element_type3A, %cond3A : i32
    scf.if %cond3A_1 {
      %broadcast_in_dim3A_53 = arith.constant 0.000000e+00 : f32
      %broadcast_in_dim3A_54 = vector.broadcast %broadcast_in_dim3A_53 : f32 to vector<64x64xf32>
      %swap3A_55 = arith.constant 0 : index
      %swap3A_56 = arith.constant 0 : index
      %swap3A_57 = vector.load %arg11[%swap3A_55, %swap3A_56] : memref<64x64xf32, #tpu.memory_space<vmem>>, vector<64x64xf32>
      tpu.vector_store %arg11[%swap3A_55, %swap3A_56], %broadcast_in_dim3A_54 {strides = array<i32>} : memref<64x64xf32, #tpu.memory_space<vmem>>, vector<64x64xf32>,
      %broadcast_in_dim3A_58 = arith.constant 0.000000e+00 : f32
      %broadcast_in_dim3A_59 = vector.broadcast %broadcast_in_dim3A_58 : f32 to vector<64x1xf32>
      %swap3A_60 = arith.constant 0 : index
      %swap3A_61 = arith.constant 0 : index
      %swap3A_62 = vector.load %arg12[%swap3A_60, %swap3A_61] : memref<64x1xf32, #tpu.memory_space<vmem>>, vector<64x1xf32>
      tpu.vector_store %arg12[%swap3A_60, %swap3A_61], %broadcast_in_dim3A_59 {strides = array<i32>} : memref<64x1xf32, #tpu.memory_space<vmem>>, vector<64x1xf32>,
    } else {
    }
    %get3A = arith.constant 0 : index
    %get3A_2 = arith.constant 0 : index
    %get3A_3 = vector.load %arg3[%get3A, %get3A_2] : memref<10000x8xf32, #tpu.memory_space<vmem>>, vector<10000x1xf32>
    %get3A_4 = arith.constant 0 : index
    %get3A_5 = arith.constant 0 : index
    %get3A_6 = arith.constant 0 : index
    %get3A_7 = vector.load %arg1[%get3A_4, %get3A_5, %get3A_6] : memref<2x10000x64xf32, #tpu.memory_space<vmem>>, vector<1x10000x64xf32>
    %get3A_8 = vector.shape_cast %get3A_7 : vector<1x10000x64xf32> to vector<10000x64xf32>
    %get3A_9 = arith.constant 1 : index
    %get3A_10 = arith.constant 0 : index
    %get3A_11 = arith.constant 0 : index
    %get3A_12 = vector.load %arg1[%get3A_9, %get3A_10, %get3A_11] : memref<2x10000x64xf32, #tpu.memory_space<vmem>>, vector<1x10000x64xf32>
    %get3A_13 = vector.shape_cast %get3A_12 : vector<1x10000x64xf32> to vector<10000x64xf32>
    %add3A = arith.addf %get3A_8, %get3A_13 : vector<10000x64xf32>
    %get3A_14 = arith.constant 0 : index
    %get3A_15 = arith.constant 0 : index
    %get3A_16 = vector.load %arg2[%get3A_14, %get3A_15] : memref<10000x64xf32, #tpu.memory_space<vmem>>, vector<10000x64xf32>
    %add3A_17 = arith.addf %add3A, %get3A_16 : vector<10000x64xf32>
    %mul3A = vector.broadcast %get3A_3 : vector<10000x1xf32> to vector<10000x64xf32>
    %mul3A_18 = arith.mulf %mul3A, %add3A_17 : vector<10000x64xf32>
    %get3A_19 = arith.constant 0 : index
    %get3A_20 = arith.constant 0 : index
    %get3A_21 = vector.load %arg5[%get3A_19, %get3A_20] : memref<1x64xf32, #tpu.memory_space<vmem>>, vector<1x64xf32>
    %add3A_22 = vector.broadcast %get3A_21 : vector<1x64xf32> to vector<10000x64xf32>
    %add3A_23 = arith.addf %mul3A_18, %add3A_22 : vector<10000x64xf32>
    %get3A_24 = arith.constant 0 : index
    %get3A_25 = arith.constant 0 : index
    %get3A_26 = vector.load %arg4[%get3A_24, %get3A_25] : memref<10000x1xi32, #tpu.memory_space<vmem>>, vector<10000x1xi32>
    %iota3A = tpu.iota {dimensions = array<i32: 1>} : vector<10000x64xi32>
    %eq3A_27 = vector.broadcast %get3A_26 : vector<10000x1xi32> to vector<10000x64xi32>
    %eq3A_28 = arith.cmpi eq, %eq3A_27, %iota3A : vector<10000x64xi32>
    %convert_element_type3A_29 = arith.extui %eq3A_28 : vector<10000x64xi1> to vector<10000x64xi32>
    %convert_element_type3A_30 = arith.sitofp %convert_element_type3A_29 : vector<10000x64xi32> to vector<10000x64xf32>
    %get3A_31 = arith.constant 0 : index
    %get3A_32 = arith.constant 0 : index
    %get3A_33 = vector.load %arg11[%get3A_31, %get3A_32] : memref<64x64xf32, #tpu.memory_space<vmem>>, vector<64x64xf32>
    %dot_general3A = arith.constant dense<0.000000e+00> : vector<64x64xf32>
    %dot_general3A_34 = tpu.matmul %convert_element_type3A_30, %add3A_23, %dot_general3A {dimension_numbers = #tpu.dot_dimension_numbers<[0], [0], [1], [1], [0, 1, 1, 1], [], []>, transpose_lhs_hint = false} : vector<10000x64xf32>, vector<10000x64xf32>, vector<64x64xf32> -> vector<64x64xf32>
    %add3A_35 = arith.addf %get3A_33, %dot_general3A_34 : vector<64x64xf32>
    %swap3A = arith.constant 0 : index
    %swap3A_36 = arith.constant 0 : index
    %swap3A_37 = vector.load %arg11[%swap3A, %swap3A_36] : memref<64x64xf32, #tpu.memory_space<vmem>>, vector<64x64xf32>
    tpu.vector_store %arg11[%swap3A, %swap3A_36], %add3A_35 {strides = array<i32>} : memref<64x64xf32, #tpu.memory_space<vmem>>, vector<64x64xf32>,
    %get3A_38 = arith.constant 0 : index
    %get3A_39 = arith.constant 0 : index
    %get3A_40 = vector.load %arg12[%get3A_38, %get3A_39] : memref<64x1xf32, #tpu.memory_space<vmem>>, vector<64x1xf32>
    %broadcast_in_dim3A = arith.constant 1.000000e+00 : f32
    %broadcast_in_dim3A_41 = vector.broadcast %broadcast_in_dim3A : f32 to vector<10000x1xf32>
    %dot_general3A_42 = arith.constant dense<0.000000e+00> : vector<64x1xf32>
    %dot_general3A_43 = tpu.matmul %convert_element_type3A_30, %broadcast_in_dim3A_41, %dot_general3A_42 {dimension_numbers = #tpu.dot_dimension_numbers<[0], [0], [1], [1], [0, 1, 1, 1], [], []>, transpose_lhs_hint = false} : vector<10000x64xf32>, vector<10000x1xf32>, vector<64x1xf32> -> vector<64x1xf32>
    %add3A_44 = arith.addf %get3A_40, %dot_general3A_43 : vector<64x1xf32>
    %swap3A_45 = arith.constant 0 : index
    %swap3A_46 = arith.constant 0 : index
    %swap3A_47 = vector.load %arg12[%swap3A_45, %swap3A_46] : memref<64x1xf32, #tpu.memory_space<vmem>>, vector<64x1xf32>
    tpu.vector_store %arg12[%swap3A_45, %swap3A_46], %add3A_44 {strides = array<i32>} : memref<64x1xf32, #tpu.memory_space<vmem>>, vector<64x1xf32>,
    %eq3A_48 = arith.constant 0 : i32
    %eq3A_49 = arith.cmpi eq, %arg0, %eq3A_48 : i32
    %convert_element_type3A_50 = arith.extui %eq3A_49 : i1 to i32
    %cond3A_51 = arith.constant 0 : i32
    %cond3A_52 = arith.cmpi ne, %convert_element_type3A_50, %cond3A_51 : i32
    scf.if %cond3A_52 {
      %get3A_53 = arith.constant 0 : index
      %get3A_54 = arith.constant 0 : index
      %get3A_55 = vector.load %arg11[%get3A_53, %get3A_54] : memref<64x64xf32, #tpu.memory_space<vmem>>, vector<64x64xf32>
      %get3A_56 = arith.constant 0 : index
      %get3A_57 = arith.constant 0 : index
      %get3A_58 = vector.load %arg12[%get3A_56, %get3A_57] : memref<64x1xf32, #tpu.memory_space<vmem>>, vector<64x1xf32>
      %max3A = arith.constant 1.000000e+00 : f32
      %max3A_59 = vector.broadcast %max3A : f32 to vector<64x1xf32>
      %max3A_60 = arith.maximumf %get3A_58, %max3A_59 : vector<64x1xf32>
      %div3A = vector.broadcast %max3A_60 : vector<64x1xf32> to vector<64x64xf32>
      %div3A_61 = arith.divf %get3A_55, %div3A : vector<64x64xf32>
      %get3A_62 = arith.constant 0 : index
      %get3A_63 = arith.constant 0 : index
      %get3A_64 = vector.load %arg6[%get3A_62, %get3A_63] : memref<64x32xf32, #tpu.memory_space<vmem>>, vector<64x32xf32>
      %dot_general3A_65 = arith.constant dense<0.000000e+00> : vector<64x32xf32>
      %dot_general3A_66 = tpu.matmul %div3A_61, %get3A_64, %dot_general3A_65 {dimension_numbers = #tpu.dot_dimension_numbers<[1], [0], [0], [1], [0, 0, 1, 1], [], []>, transpose_lhs_hint = false} : vector<64x64xf32>, vector<64x32xf32>, vector<64x32xf32> -> vector<64x32xf32>
      %get3A_67 = arith.constant 0 : index
      %get3A_68 = arith.constant 0 : index
      %get3A_69 = vector.load %arg7[%get3A_67, %get3A_68] : memref<1x32xf32, #tpu.memory_space<vmem>>, vector<1x32xf32>
      %add3A_70 = vector.broadcast %get3A_69 : vector<1x32xf32> to vector<64x32xf32>
      %add3A_71 = arith.addf %dot_general3A_66, %add3A_70 : vector<64x32xf32>
      %get3A_72 = arith.constant 0 : index
      %get3A_73 = arith.constant 0 : index
      %get3A_74 = vector.load %arg8[%get3A_72, %get3A_73] : memref<32x10xf32, #tpu.memory_space<vmem>>, vector<32x10xf32>
      %dot_general3A_75 = arith.constant dense<0.000000e+00> : vector<64x10xf32>
      %dot_general3A_76 = tpu.matmul %add3A_71, %get3A_74, %dot_general3A_75 {dimension_numbers = #tpu.dot_dimension_numbers<[1], [0], [0], [1], [0, 0, 1, 1], [], []>, transpose_lhs_hint = false} : vector<64x32xf32>, vector<32x10xf32>, vector<64x10xf32> -> vector<64x10xf32>
      %get3A_77 = arith.constant 0 : index
      %get3A_78 = arith.constant 0 : index
      %get3A_79 = vector.load %arg9[%get3A_77, %get3A_78] : memref<1x10xf32, #tpu.memory_space<vmem>>, vector<1x10xf32>
      %add3A_80 = vector.broadcast %get3A_79 : vector<1x10xf32> to vector<64x10xf32>
      %add3A_81 = arith.addf %dot_general3A_76, %add3A_80 : vector<64x10xf32>
      %reduce_max3A = arith.constant dense<0xFF800000> : vector<64xf32>
      %reduce_max3A_82 = vector.multi_reduction <maximumf>, %add3A_81, %reduce_max3A [1] : vector<64x10xf32> to vector<64xf32>
      %broadcast_in_dim3A_83 = vector.shape_cast %reduce_max3A_82 : vector<64xf32> to vector<64x1xf32>
      %sub3A = vector.broadcast %broadcast_in_dim3A_83 : vector<64x1xf32> to vector<64x10xf32>
      %sub3A_84 = arith.subf %add3A_81, %sub3A : vector<64x10xf32>
      %exp3A = math.exp %sub3A_84 : vector<64x10xf32>
      %reduce_sum3A = arith.constant dense<0.000000e+00> : vector<64xf32>
      %reduce_sum3A_85 = vector.multi_reduction <add>, %exp3A, %reduce_sum3A [1] : vector<64x10xf32> to vector<64xf32>
      %broadcast_in_dim3A_86 = vector.shape_cast %reduce_sum3A_85 : vector<64xf32> to vector<64x1xf32>
      %div3A_87 = vector.broadcast %broadcast_in_dim3A_86 : vector<64x1xf32> to vector<64x10xf32>
      %div3A_88 = arith.divf %exp3A, %div3A_87 : vector<64x10xf32>
      %swap3A_89 = arith.constant 0 : index
      %swap3A_90 = arith.constant 0 : index
      %swap3A_91 = vector.load %arg10[%swap3A_89, %swap3A_90] : memref<64x10xf32, #tpu.memory_space<vmem>>, vector<64x10xf32>
      tpu.vector_store %arg10[%swap3A_89, %swap3A_90], %div3A_88 {strides = array<i32>} : memref<64x10xf32, #tpu.memory_space<vmem>>, vector<64x10xf32>,
    } else {
    }
    return
  }
  func.func @transform_0(%arg0: i32) -> (i32, i32, i32) {
    %c0_i32 = arith.constant 0 : i32
    %c0_i32_0 = arith.constant 0 : i32
    %c0_i32_1 = arith.constant 0 : i32
    return %c0_i32, %arg0, %c0_i32_0 : i32, i32, i32
  }
  func.func @transform_1(%arg0: i32) -> (i32, i32) {
    %c0_i32 = arith.constant 0 : i32
    %c0_i32_0 = arith.constant 0 : i32
    return %arg0, %c0_i32 : i32, i32
  }
  func.func @transform_2(%arg0: i32) -> (i32, i32) {
    %c0_i32 = arith.constant 0 : i32
    %c0_i32_0 = arith.constant 0 : i32
    return %arg0, %c0_i32 : i32, i32
  }
  func.func @transform_3(%arg0: i32) -> (i32, i32) {
    %c0_i32 = arith.constant 0 : i32
    %c0_i32_0 = arith.constant 0 : i32
    return %arg0, %c0_i32 : i32, i32
  }
  func.func @transform_4(%arg0: i32) -> (i32, i32) {
    %c0_i32 = arith.constant 0 : i32
    %c0_i32_0 = arith.constant 0 : i32
    %c0_i32_1 = arith.constant 0 : i32
    return %c0_i32, %c0_i32_0 : i32, i32
  }
  func.func @transform_5(%arg0: i32) -> (i32, i32) {
    %c0_i32 = arith.constant 0 : i32
    %c0_i32_0 = arith.constant 0 : i32
    %c0_i32_1 = arith.constant 0 : i32
    return %c0_i32, %c0_i32_0 : i32, i32
  }
  func.func @transform_6(%arg0: i32) -> (i32, i32) {
    %c0_i32 = arith.constant 0 : i32
    %c0_i32_0 = arith.constant 0 : i32
    %c0_i32_1 = arith.constant 0 : i32
    return %c0_i32, %c0_i32_0 : i32, i32
  }
  func.func @transform_7(%arg0: i32) -> (i32, i32) {
    %c0_i32 = arith.constant 0 : i32
    %c0_i32_0 = arith.constant 0 : i32
    %c0_i32_1 = arith.constant 0 : i32
    return %c0_i32, %c0_i32_0 : i32, i32
  }
  func.func @transform_8(%arg0: i32) -> (i32, i32) {
    %c0_i32 = arith.constant 0 : i32
    %c0_i32_0 = arith.constant 0 : i32
    %c0_i32_1 = arith.constant 0 : i32
    return %c0_i32, %c0_i32_0 : i32, i32
  }
  func.func @transform_9(%arg0: i32) -> (i32, i32) {
    %c0_i32 = arith.constant 0 : i32
    %c0_i32_0 = arith.constant 0 : i32
    %c0_i32_1 = arith.constant 0 : i32
    return %c0_i32, %c0_i32_0 : i32, i32
  }
}

</mosaic_0001>

<sc_bundles>
// kernel: kernel.12.cloned.1.call-start
scs
__scs_entry_jumppad:
0x0: {  	(pc) =	sbr.rel $0x88, $3  }
0x1: {  	(tag) =	ssettag $0x0;
	lr =	simm.s32 $0x1  }
0x2: {  	[smem:$0x3F92] =	sst lr;
	_ =	strace $0xD0000000  }
0x3: {  	_ = 	snop  }
0x4: {  	_ = 	snop  }
0x5: {  	_ = 	snop  }
0x6: {  	_ = 	snop  }
0x7: {  	_ = 	snop  }
__scs_overlays_trampoline_lowered:
0x8: {  	[smem:$0x3FA1] =	sst s0  }
0x9: {  	[smem:$0x3FA2] =	sst s1  }
0xa: {  	[smem:$0x3FA3] =	sst s2  }
0xb: {  	[smem:$0x3FA4] =	sst s3  }
0xc: {  	[smem:$0x3FA5] =	sst s4  }
0xd: {  	[smem:$0x3FA6] =	sst s5  }
0xe: {  	[smem:$0x3FA7] =	sst s6  }
0xf: {  	[smem:$0x3FA8] =	sst s7  }
0x10: {  	[smem:$0x3FA9] =	sst s8  }
0x11: {  	[smem:$0x3FAA] =	sst s9;
	s0 =	simm.s32 @!p0 $0x0  }
0x12: {  	s1 =	sld [smem:$0x3F90];
	s0 =	simm.s32 @p0 $0x1  }
0x13: {  	[smem:$0x3FAB] =	sst s0;
	s0 =	simm.s32 @!p1 $0x0  }
0x14: {  	s2 =	sld [smem:$0x3F8F];
	s0 =	simm.s32 @p1 $0x1  }
0x15: {  	[smem:$0x3FAC] =	sst s0;
	s0 =	simm.s32 @!p2 $0x0  }
0x16: {  	s3 =	sld [smem:$0x3FDB];
	s0 =	simm.s32 @p2 $0x1  }
0x17: {  	s4 =	simm.s32 $0x1BF5;
	[smem:$0x3FAE] =	sst s0  }
0x18: {  	s0 =	sld [smem:$0x3F91];
	_ =	swait.ge [sflag:s4], $0x0  }
0x19: {  	s7 =	sld [smem:$0x3F92]  }
0x1a: {  	s8 =	sadd.s32 $0xFFFFE003, lr  }
0x1b: {  	s9 =	sadd.s32 $0xFFFFFEF7, lr;
	s5 =	simm.s32 $0xFFFFFFFF;
	p2 =	slt.u32 s8, $0xFFFFF086  }
0x1c: {  	p1 =	slt.u32 s9, $0xF7A;
	s5 =	simm.s32 @!p2 $0x0  }
0x1d: {  	s5 =	simm.s32 @p1 $0x1;
	p0 =	seq.s32 s7, s2  }
0x1e: {  	s7 =	smul.u32 @!p0 $0xF7A, s2;
	p2 =	seq.s32 @!p0 s5, $0x0  }
0x1f: {  	s9 =	smul.u32 $0xF7A, s1;
	s8 =	simm.s32 @!p0 $0x1BF5;
	p2 =	por !p2, p0  }
0x20: {  	[sflag:s8] =	ssyncset.s32 @!p0 $0xFFFFF086;
	s6 =	sadd.s32 @!p0 s3, s7;
	s7 =	simm.s32 @!p0 $0x108  }
0x21: {  	s3 =	sadd.s32 s3, s9;
	s6 =	sadd.s32 @!p0 $0x88, s6;
	s7 =	simm.s32 @p2 $0x1082  }
0x22: {  	[simem:s7], [sflag:s8] =	dma.local @!p0 [hbm:s6], $0xF7A  }
0x23: {  	s9 =	sor.u32 $0xD0000000, s2;
	s6 =	simm.s32 $0x108;
	_ =	swait.ge @!p0 [sflag:s8], $0x0  }
0x24: {  	s3 =	sadd.s32 $0x88, s3;
	s6 =	simm.s32 @!p1 $0x1082;
	[sflag:s4] =	ssyncset.s32 $0xFFFFF086  }
0x25: {  	[simem:s6], [sflag:s4] =	dma.local [hbm:s3], $0xF7A  }
0x26: {  	[smem:$0x3F92] =	sst s1;
	(tag) =	ssettag s2;
	_ =	strace s9  }
0x27: {  	s1 =	sld [smem:$0x3FA2]  }
0x28: {  	s2 =	sld [smem:$0x3FA3]  }
0x29: {  	s4 =	sld [smem:$0x3FA5]  }
0x2a: {  	p0 =	seq.s32 s5, $0x0;
	s5 =	sld [smem:$0x3FA6]  }
0x2b: {  	s6 =	sld [smem:$0x3FA7]  }
0x2c: {  	s7 =	sld [smem:$0x3FA8]  }
0x2d: {  	s3 =	simm.s32 $0x108;
	s8 =	sld [smem:$0x3FA9]  }
0x2e: {  	s3 =	simm.s32 @!p0 $0x1082;
	s9 =	sld [smem:$0x3FAA]  }
0x2f: {  	lr =	sadd.s32 s0, s3;
	s0 =	sld [smem:$0x3FA1]  }
0x30: {  	s3 =	sld [smem:$0x3FA4]  }
0x31: {  	[smem:$0x3FAD] =	sst s10  }
0x32: {  	s10 =	sld [smem:$0x3FAB];
	_ =	sdelay $0x3  }
0x33: {  	p0 =	seq.s32 s10, $0x1;
	s10 =	sld [smem:$0x3FAD];
	_ =	sdelay $0x3  }
0x34: {  	[smem:$0x3FAD] =	sst s10  }
0x35: {  	s10 =	sld [smem:$0x3FAC];
	_ =	sdelay $0x3  }
0x36: {  	p1 =	seq.s32 s10, $0x1;
	s10 =	sld [smem:$0x3FAD];
	_ =	sdelay $0x3  }
0x37: {  	[smem:$0x3FAD] =	sst s10  }
0x38: {  	s10 =	sld [smem:$0x3FAE]  }
0x39: {  	_ = 	snop;
	(pc) =	sbr.ind lr, $3  }
0x3a: {  	_ = 	snop  }
0x3b: {  	_ = 	snop  }
0x3c: {  	p2 =	seq.s32 s10, $0x1;
	s10 =	sld [smem:$0x3FAD]  }
0x3d: {  	_ =	shalt  }
0x3e: {  	_ =	shalt  }
0x3f: {  	_ =	shalt  }
0x40: {  	_ =	shalt  }
0x41: {  	_ =	shalt  }
0x42: {  	_ =	shalt  }
0x43: {  	_ =	shalt  }
0x44: {  	_ =	shalt  }
0x45: {  	_ =	shalt  }
0x46: {  	_ =	shalt  }
0x47: {  	_ =	shalt  }
0x48: {  	_ =	shalt  }
0x49: {  	_ =	shalt  }
0x4a: {  	_ =	shalt  }
0x4b: {  	_ =	shalt  }
0x4c: {  	_ =	shalt  }
0x4d: {  	_ =	shalt  }
0x4e: {  	_ =	shalt  }
0x4f: {  	_ =	shalt  }
0x50: {  	_ =	shalt  }
0x51: {  	_ =	shalt  }
0x52: {  	_ =	shalt  }
0x53: {  	_ =	shalt  }
0x54: {  	_ =	shalt  }
0x55: {  	_ =	shalt  }
0x56: {  	_ =	shalt  }
0x57: {  	_ =	shalt  }
0x58: {  	_ =	shalt  }
0x59: {  	_ =	shalt  }
0x5a: {  	_ =	shalt  }
0x5b: {  	_ =	shalt  }
0x5c: {  	_ =	shalt  }
0x5d: {  	_ =	shalt  }
0x5e: {  	_ =	shalt  }
0x5f: {  	_ =	shalt  }
0x60: {  	_ =	shalt  }
0x61: {  	_ =	shalt  }
0x62: {  	_ =	shalt  }
0x63: {  	_ =	shalt  }
0x64: {  	_ =	shalt  }
0x65: {  	_ =	shalt  }
0x66: {  	_ =	shalt  }
0x67: {  	_ =	shalt  }
0x68: {  	_ =	shalt  }
0x69: {  	_ =	shalt  }
0x6a: {  	_ =	shalt  }
0x6b: {  	_ =	shalt  }
0x6c: {  	_ =	shalt  }
0x6d: {  	_ =	shalt  }
0x6e: {  	_ =	shalt  }
0x6f: {  	_ =	shalt  }
0x70: {  	_ =	shalt  }
0x71: {  	_ =	shalt  }
0x72: {  	_ =	shalt  }
0x73: {  	_ =	shalt  }
0x74: {  	_ =	shalt  }
0x75: {  	_ =	shalt  }
0x76: {  	_ =	shalt  }
0x77: {  	_ =	shalt  }
0x78: {  	_ =	shalt  }
0x79: {  	_ =	shalt  }
0x7a: {  	_ =	shalt  }
0x7b: {  	_ =	shalt  }
0x7c: {  	_ =	shalt  }
0x7d: {  	_ =	shalt  }
0x7e: {  	_ =	shalt  }
0x7f: {  	_ =	shalt  }
0x80: {  	_ =	shalt  }
0x81: {  	_ =	shalt  }
0x82: {  	_ =	shalt  }
0x83: {  	_ =	shalt  }
0x84: {  	_ =	shalt  }
0x85: {  	_ =	shalt  }
0x86: {  	_ =	shalt  }
0x87: {  	_ =	shalt  }
.Lfunc_end0:
.L_simem_size_0:
called_computation.1_lowered:
.L_overlay_start_0:
0x88: {  	s2 =	sld [smem:$0x3FD9]  }
0x89: {  	s3 =	sld [smem:$0x3FFE];
	_ =	sdelay $0x1  }
0x8a: {  	s1 =	srdreg.scid  }
0x8b: {  	s0 =	sand.u32 $0x1, s1  }
0x8c: {  	s16 =	sshll.u32 s0, $0xA;
	s2 =	sadd.s32 s3, s2  }
0x8d: {  	s2 =	sadd.s32 s2, s16  }
0x8e: {  	[smem:$0x3FB9] =	sst s2  }
0x8f: {  	_ = 	snop  }
0x90: {  	(tm) =	ssettm $0x1  }
0x91: {  	s17 =	sld [smem:$0x3FFB];
	_ =	sdelay $0x3  }
0x92: {  	_ =	strace s17  }
0x93: {  	s2 =	sld [smem:$0x3FFC];
	_ =	sdelay $0x3  }
0x94: {  	_ =	strace s2  }
0x95: {  	s2 =	sld [smem:$0x3FFD];
	_ =	sdelay $0x3  }
0x96: {  	_ =	strace s2  }
0x97: {  	_ =	strace $0x8FFFFFFF  }
0x98: {  	s18 =	sld [smem:$0x3FDB];
	_ =	sdelay $0x1  }
0x99: {  	s19 =	simm.s32 $_scs_section_size  }
0x9a: {  	s4 =	simm.s32 $_size__tile_overlayer_lowered;
	s5 =	simm.s32 $_tile_overlayer_lowered  }
0x9b: {  	s22 =	simm.s32 $0x1BFF;
	s21 =	sshll.u32 s5, $0x1;
	s2 =	sadd.s32 s19, s18  }
0x9c: {  	s6 =	simm.s32 $0x0;
	s20 =	sshll.u32 s4, $0x1;
	s4 =	sadd.s32 s21, s2  }
0x9d: {  	[timem:s6], [sflag:s22] =	dma.local [hbm:s4], s20  }
0x9e: {  	_ =	swait.ge [sflag:s22], s20  }
0x9f: {  	s3 =	ssub.s32 $0x0, s20;
	[sflag:s22] =	ssyncset.done $0x0  }
0xa0: {  	[sflag:s22] =	ssyncadd.s32 s3;
	_ =	sdelay $0x1  }
0xa1: {  	s23 =	simm.s32 $0x1B8B  }
0xa2: {  	_ =	swait.ge [sflag:s23], $0x1  }
0xa3: {  	[sflag:s23] =	ssyncset.done $0x0  }
0xa4: {  	s25 =	simm.s32 $0x1B8E;
	s24 =	sld [smem:$0x3FFE];
	[sflag:s23] =	ssyncadd.s32 $0xFFFFFFFF  }
0xa5: {  	s26 =	simm.s32 $execute0_lowered;
	[smem:$0x3FD2] =	sst s25  }
0xa6: {  	s4 =	sshll.u32 s26, $0x1;
	_ =	strace $0x80000049;
	[dreg:$0x1] =	wrdreg $0xFFFFFFFF  }
0xa7: {  	s28 =	simm.s32 $_size_execute0_lowered;
	s2 =	sadd.s32 s2, s4;
	[dreg:$0x0] =	wrdreg $0x0  }
0xa8: {  	s4 =	sshll.u32 s28, $0x1;
	[dreg:$0x2] =	wrdreg s2  }
0xa9: {  	[dreg:$0x3] =	wrdreg s4  }
0xaa: {  	[dreg:$0x4] =	wrdreg $0xC0  }
0xab: {  	_ =	task [dreg:s6], $0x5FFFF  }
0xac: {  	[dreg:$0x1] =	wrdreg $0xFFFFFFFF  }
0xad: {  	[dreg:$0x0] =	wrdreg $0x60  }
0xae: {  	[dreg:$0x2] =	wrdreg s24  }
0xaf: {  	[dreg:$0x3] =	wrdreg $0x90000  }
0xb0: {  	[dreg:$0x4] =	wrdreg $0x12C400  }
0xb1: {  	[dreg:$0x5] =	wrdreg $0x9  }
0xb2: {  	_ =	task.clear_ibuf [dreg:s6], $0x6FFFF;
	_ =	strace $0x90000049  }
0xb3: {  	s29 =	simm.s32 $0x9;
	_ =	strace $0x8000004B  }
0xb4: {  	_ =	swait.ge [sflag:s29], $0x1  }
0xb5: {  	[sflag:s29] =	ssyncadd.s32 $0xFFFFFFFF  }
0xb6: {  	_ =	strace $0x9000004B  }
0xb7: {  	_ =	sfence  }
0xb8: {  	s30 =	sld [smem:$0x0];
	_ =	sdelay $0x2  }
0xb9: {  	s31 =	sshll.u32 s1, $0xD;
	s1 =	sshrl.u32 s1, $0x2  }
0xba: {  	s3 =	sand.u32 $0x4000, s31;
	s1 =	sadd.s32 s1, s30  }
0xbb: {  	s0 =	sor.u32 s3, s0;
	s1 =	sshll.u32 s1, $0x11  }
0xbc: {  	s0 =	sor.u32 s1, s0  }
0xbd: {  	s0 =	sadd.s32 $0x8F2B, s0  }
0xbe: {  	[sflag:s0] =	ssyncadd.remote.s32 $0x1  }
0xbf: {  	_ =	sfence.sel $0xFFFF  }
0xc0: {  	[dreg:$0x0] =	wrdreg $0xFFFFFFFF;
	(pc) =	sbr.abs _section_cstart, $3  }
0xc1: {  	[dreg:$0x1] =	wrdreg $0xFFFFFFFF  }
0xc2: {  	_ =	task.clear_ibuf [dreg:s6], $0x2FFFF;
	_ =	strace $0x9FFFFFFF  }
0xc3: {  	(tm) =	ssettm $0x7FFFFFFF  }
tec
execute0_lowered:
.L_overlay_start_1:
0x0: {  	(tag) =	ssettag $0x1  }
0x1: {  	s6 =	rddreg [dreg:$0x0]  }
0x2: {  	s0 =	stileid.u32;
	s2 =	rddreg [dreg:$0x1]  }
0x3: {  	s1 =	srdreg.scid;
	s3 =	rddreg [dreg:$0x2];
	s4 =	simm.s32 $0x0  }
0x4: {  	s16 =	simm.s32 $0x80;
	s17 =	simm.s32 $0x5000;
	s18 =	simm.s32 $0x1  }
0x5: {  	s19 =	simm.s32 $0x7000;
	s20 =	simm.s32 $0x2;
	s21 =	simm.s32 $0x2780  }
0x6: {  	s22 =	simm.s32 $0x4F00;
	s23 =	simm.s32 $0x4F80;
	s24 =	simm.s32 $0x0  }
0x7: {  	s5 =	sand.u32 $0x1, s1;
	s30 =	sshll.u32 s0, $0x1;
	s8 =	smul.u32 $0x9C40, s0  }
0x8: {  	s9 =	smul.u32 $0x9E00, s0;
	[smem:$0x7FF] =	sst s4;
	s31 =	sshll.u32 s0, $0x6  }
0x9: {  	s1 =	sor.u32 s5, s30;
	s11 =	smul.u32 $0x9E000, s5;
	s12 =	ssub.s32 $0x2, s5  }
0xa: {  	s5 =	sadd.s32 $0x20200, s6;
	s7 =	smul.u32 $0x500, s1;
	s1 =	rddreg [dreg:$0x3]  }
0xb: {  	s10 =	sshrl.u32 s8, $0x3;
	_ =	strace $0x8000004A;
	s13 =	sshrl.u32 s12, $0x1  }
0xc: {  	s14 =	sadd.s32 s8, s2;
	s15 =	sadd.s32 s9, s3;
	s10 =	sadd.s32 s10, s6  }
0xd: {  	s11 =	sadd.s32 s9, s11;
	s12 =	ssub.s32 s12, s13;
	s13 =	sor.u32 $0x1C03, s31  }
0xe: {  	s14 =	sshrl.u32 s14, $0x3;
	s15 =	sshrl.u32 s15, $0x3;
	s7 =	sadd.s32 s7, s6  }
0xf: {  	s11 =	sshrl.u32 s11, $0x3;
	s8 =	sadd.s32 $0xC800, s10;
	s10 =	smax.u32 s12, $0x1  }
0x10: {  	s12 =	simm.s32 $0x2800;
	s11 =	sadd.s32 s11, s6;
	s6 =	sadd.s32 $0x30200, s7  }
0x11: {  	s7 =	sadd.s32 $0x2800, s7;
	s9 =	sadd.s32 $0x3A200, s11;
	s11 =	simm.s32 $0x3  }
.LBB2_1:
0x12: {  	[tilespmem:s4], [sflag:$0x3] =	stream.linear.gather [hbm4b:s6+s4], $0x2800, $0x38;
	[tilespmem:$0x1CA40] =	vst v63  }
0x13: {  	_ =	swait.ge [sflag:s11], $0x2800  }
0x14: {  	[sflag:s11] =	ssyncset.done $0x0  }
0x15: {  	[sflag:s11] =	ssyncadd.s32 $0xFFFFD800  }
0x16: {  	[tilespmem:s12], [sflag:$0x3] =	stream.linear.gather [hbm4b:s7+s4], $0x2800, $0x38;
	[tilespmem:$0x1CA40] =	vst v63  }
0x17: {  	_ =	swait.ge [sflag:s11], $0x2800  }
0x18: {  	[sflag:s11] =	ssyncset.done $0x0  }
0x19: {  	[sflag:s11] =	ssyncadd.s32 $0xFFFFD800  }
0x1a: {  	[spmem:s14], [sflag:s13] =	dma.local [hbm:s8], $0x1388  }
0x1b: {  	_ =	swait.ge [sflag:s11], $0x1388  }
0x1c: {  	[sflag:s11] =	ssyncset.done $0x0  }
0x1d: {  	[sflag:s11] =	ssyncadd.s32 $0xFFFFEC78  }
0x1e: {  	[spmem:s15], [sflag:s13] =	dma.local [hbm:s5], $0x13C0  }
0x1f: {  	_ =	swait.ge [sflag:s11], $0x13C0  }
0x20: {  	[sflag:s11] =	ssyncset.done $0x0  }
0x21: {  	[sflag:s11] =	ssyncadd.s32 $0xFFFFEC40  }
0x22: {  	[bflag:$0x0] =	sbarrier.arrive $0xFFFF  }
0x23: {  	[tilespmem:s17], [sflag:$0x1] =	stream.indirect.gather [spmem:s2], $0x40, s4, s16, $0xb8;
	[tilespmem:$0x1CA40] =	vst v63  }
0x24: {  	_ =	swait.ge [sflag:s18], $0x2000  }
0x25: {  	[sflag:s18] =	ssyncset.done $0x0  }
0x26: {  	s25 =	simm.s32 $0x80;
	[sflag:s18] =	ssyncadd.s32 $0xFFFFE000  }
0x27: {  	[tilespmem:s19], [sflag:$0x2] =	stream.indirect.gather [spmem:s2], $0x40, s25, s16, $0xb8;
	[tilespmem:$0x1CA40] =	vst v63  }
0x28: {  	s29 =	simm.s32 $0x2800  }
0x29: {  	[spmem:s3] =	stream.indirect.scatter.add.f32 [tilespmem:s17], [sflag:$0x3], $0x40, s29, s16, $0xb8;
	[tilespmem:$0x1CA40] =	vst v63  }
0x2a: {  	_ =	swait.ge [sflag:s11], $0x2000  }
0x2b: {  	[sflag:s11] =	ssyncset.done $0x0  }
0x2c: {  	[sflag:s11] =	ssyncadd.s32 $0xFFFFE000  }
0x2d: {  	_ =	swait.ge [sflag:s20], $0x2000  }
0x2e: {  	[sflag:s20] =	ssyncset.done $0x0  }
0x2f: {  	s30 =	simm.s32 $0x100;
	[sflag:s20] =	ssyncadd.s32 $0xFFFFE000  }
0x30: {  	[tilespmem:s17], [sflag:$0x1] =	stream.indirect.gather [spmem:s2], $0x40, s30, s16, $0xb8;
	[tilespmem:$0x1CA40] =	vst v63  }
0x31: {  	s31 =	simm.s32 $0x2880  }
0x32: {  	[spmem:s3] =	stream.indirect.scatter.add.f32 [tilespmem:s19], [sflag:$0x3], $0x40, s31, s16, $0xb8;
	[tilespmem:$0x1CA40] =	vst v63  }
0x33: {  	_ =	swait.ge [sflag:s11], $0x2000  }
0x34: {  	s25 =	simm.s32 $0x400;
	[sflag:s11] =	ssyncset.done $0x0  }
.LBB2_2:
0x35: {  	p0 =	sne.s32 s25, $0x9800  }
0x36: {  	[sflag:s11] =	ssyncadd.s32 $0xFFFFE000;
	s26 =	smov.u32 s25;
	s25 =	sadd.s32 $0x400, s25  }
0x37: {  	_ = 	snop  }
0x38: {  	_ =	swait.ge [sflag:s18], $0x2000  }
0x39: {  	s26 =	sshra.s32 s26, $0x2;
	[sflag:s18] =	ssyncset.done $0x0  }
0x3a: {  	s28 =	sadd.s32 $0x80, s26;
	[sflag:s18] =	ssyncadd.s32 $0xFFFFE000  }
0x3b: {  	[tilespmem:s19], [sflag:$0x2] =	stream.indirect.gather [spmem:s2], $0x40, s28, s16, $0xb8;
	[tilespmem:$0x1CA40] =	vst v63  }
0x3c: {  	s28 =	sadd.s32 $0x2800, s26  }
0x3d: {  	[spmem:s3] =	stream.indirect.scatter.add.f32 [tilespmem:s17], [sflag:$0x3], $0x40, s28, s16, $0xb8;
	[tilespmem:$0x1CA40] =	vst v63  }
0x3e: {  	_ =	swait.ge [sflag:s11], $0x2000  }
0x3f: {  	[sflag:s11] =	ssyncset.done $0x0  }
0x40: {  	[sflag:s11] =	ssyncadd.s32 $0xFFFFE000  }
0x41: {  	_ =	swait.ge [sflag:s20], $0x2000  }
0x42: {  	[sflag:s20] =	ssyncset.done $0x0  }
0x43: {  	s28 =	sadd.s32 $0x100, s26;
	[sflag:s20] =	ssyncadd.s32 $0xFFFFE000  }
0x44: {  	[tilespmem:s17], [sflag:$0x1] =	stream.indirect.gather [spmem:s2], $0x40, s28, s16, $0xb8;
	[tilespmem:$0x1CA40] =	vst v63  }
.Ltmp0:
0x45: {  	_ = 	snop;
	(pc) =	sbr.rel @p0 .LBB2_2-.Ltmp0, $4  }
0x46: {  	s26 =	sadd.s32 $0x2880, s26  }
0x47: {  	[spmem:s3] =	stream.indirect.scatter.add.f32 [tilespmem:s19], [sflag:$0x3], $0x40, s26, s16, $0xb8;
	[tilespmem:$0x1CA40] =	vst v63  }
0x48: {  	_ =	swait.ge [sflag:s11], $0x2000  }
0x49: {  	[sflag:s11] =	ssyncset.done $0x0  }
0x4a: {  	[sflag:s11] =	ssyncadd.s32 $0xFFFFE000  }
0x4b: {  	_ =	swait.ge [sflag:s18], $0x2000  }
0x4c: {  	[sflag:s18] =	ssyncset.done $0x0  }
0x4d: {  	[sflag:s18] =	ssyncadd.s32 $0xFFFFE000  }
0x4e: {  	[tilespmem:s19], [sflag:$0x2] =	stream.indirect.gather [spmem:s2], $0x40, s21, s16, $0xb8;
	[tilespmem:$0x1CA40] =	vst v63  }
0x4f: {  	_ = 	snop  }
0x50: {  	[spmem:s3] =	stream.indirect.scatter.add.f32 [tilespmem:s17], [sflag:$0x3], $0x40, s22, s16, $0xb8;
	[tilespmem:$0x1CA40] =	vst v63  }
0x51: {  	_ =	swait.ge [sflag:s11], $0x2000  }
0x52: {  	[sflag:s11] =	ssyncset.done $0x0  }
0x53: {  	[sflag:s11] =	ssyncadd.s32 $0xFFFFE000  }
0x54: {  	_ =	swait.ge [sflag:s20], $0x2000  }
0x55: {  	[sflag:s20] =	ssyncset.done $0x0  }
0x56: {  	[sflag:s20] =	ssyncadd.s32 $0xFFFFE000  }
0x57: {  	[tilespmem:s17], [sflag:$0x1] =	stream.indirect.gather [spmem:s2], $0x40, s21, s16, $0xb8;
	[tilespmem:$0x1CA40] =	vst v63  }
0x58: {  	_ = 	snop  }
0x59: {  	[spmem:s3] =	stream.indirect.scatter.add.f32 [tilespmem:s19], [sflag:$0x3], $0x40, s23, s16, $0xb8;
	[tilespmem:$0x1CA40] =	vst v63  }
0x5a: {  	_ =	swait.ge [sflag:s11], $0x2000  }
0x5b: {  	[sflag:s11] =	ssyncset.done $0x0  }
0x5c: {  	[sflag:s11] =	ssyncadd.s32 $0xFFFFE000  }
0x5d: {  	_ =	swait.ge [sflag:s18], $0x2000  }
0x5e: {  	s24 =	sadd.s32 $0x1, s24;
	[sflag:s18] =	ssyncset.done $0x0  }
0x5f: {  	p0 =	sne.s32 s24, s10;
	[sflag:s18] =	ssyncadd.s32 $0xFFFFE000  }
.Ltmp1:
0x60: {  	[bflag:$0x0] =	sbarrier.arrive $0xFFFF;
	(pc) =	sbr.rel @p0 .LBB2_1-.Ltmp1, $4  }
0x61: {  	[hbm:s9], [sflag:s13] =	dma.local [spmem:s15], $0x13C0  }
0x62: {  	_ =	swait.ge [sflag:s11], $0x13C0  }
0x63: {  	[sflag:s11] =	ssyncset.done $0x0  }
0x64: {  	[sflag:s11] =	ssyncadd.s32 $0xFFFFEC40  }
0x65: {  	_ =	sfence.sel $0x180000  }
0x66: {  	[bflag:$0x0] =	sbarrier.arrive $0xFFFF  }
0x67: {  	p0 =	sne.s32 s0, $0x0;
	_ =	strace $0x9000004A  }
0x68: {  	s0 =	sadd.s32 @!p0 $0x100000, s1;
	[bflag:$0x2] =	sbarrier.arrive $0xFFFF  }
0x69: {  	[sflag:s0] =	ssyncadd.tile.s32 @!p0 $0x1;
	_ =	shalt  }
.Lfunc_end2:
_tile_overlayer_lowered:
.L_overlay_start_2:
0x6a: {  	(tag) =	ssettag $0x2  }
0x6b: {  	s0 =	rddreg [dreg:$0x0];
	s2 =	stileid.u32  }
0x6c: {  	s1 =	rddreg [dreg:$0x1];
	p0 =	sne.s32 s2, $0x0  }
0x6d: {  	s3 =	rddreg [dreg:$0x2];
	[bflag:$0x3] =	sbarrier.arrive $0xFFFF;
	s2 =	simm.s32 @!p0 $0x1C03  }
0x6e: {  	[timem:s3], [sflag:s2] =	dma.local @!p0 [hbm:s0], s1  }
0x6f: {  	s0 =	simm.s32 @!p0 $0x3  }
0x70: {  	_ =	swait.ge @!p0 [sflag:s0], s1  }
0x71: {  	s1 =	ssub.s32 @!p0 $0x0, s1;
	[sflag:s0] =	ssyncset.done @!p0 $0x0  }
0x72: {  	[sflag:s0] =	ssyncadd.s32 @!p0 s1  }
0x73: {  	[bflag:$0x3] =	sbarrier.arrive $0xFFFF  }
0x74: {  	_ =	shalt  }

// kernel: kernel.15.cloned.1.call-start
scs
__scs_entry_jumppad:
0x0: {  	(pc) =	sbr.rel $0x88, $3  }
0x1: {  	(tag) =	ssettag $0x0;
	lr =	simm.s32 $0x1  }
0x2: {  	[smem:$0x3F92] =	sst lr;
	_ =	strace $0xD0000000  }
0x3: {  	_ = 	snop  }
0x4: {  	_ = 	snop  }
0x5: {  	_ = 	snop  }
0x6: {  	_ = 	snop  }
0x7: {  	_ = 	snop  }
__scs_overlays_trampoline_lowered:
0x8: {  	[smem:$0x3FA1] =	sst s0  }
0x9: {  	[smem:$0x3FA2] =	sst s1  }
0xa: {  	[smem:$0x3FA3] =	sst s2  }
0xb: {  	[smem:$0x3FA4] =	sst s3  }
0xc: {  	[smem:$0x3FA5] =	sst s4  }
0xd: {  	[smem:$0x3FA6] =	sst s5  }
0xe: {  	[smem:$0x3FA7] =	sst s6  }
0xf: {  	[smem:$0x3FA8] =	sst s7  }
0x10: {  	[smem:$0x3FA9] =	sst s8  }
0x11: {  	[smem:$0x3FAA] =	sst s9;
	s0 =	simm.s32 @!p0 $0x0  }
0x12: {  	s1 =	sld [smem:$0x3F90];
	s0 =	simm.s32 @p0 $0x1  }
0x13: {  	[smem:$0x3FAB] =	sst s0;
	s0 =	simm.s32 @!p1 $0x0  }
0x14: {  	s2 =	sld [smem:$0x3F8F];
	s0 =	simm.s32 @p1 $0x1  }
0x15: {  	[smem:$0x3FAC] =	sst s0;
	s0 =	simm.s32 @!p2 $0x0  }
0x16: {  	s3 =	sld [smem:$0x3FDB];
	s0 =	simm.s32 @p2 $0x1  }
0x17: {  	s4 =	simm.s32 $0x1BF5;
	[smem:$0x3FAE] =	sst s0  }
0x18: {  	s0 =	sld [smem:$0x3F91];
	_ =	swait.ge [sflag:s4], $0x0  }
0x19: {  	s7 =	sld [smem:$0x3F92]  }
0x1a: {  	s8 =	sadd.s32 $0xFFFFE003, lr  }
0x1b: {  	s9 =	sadd.s32 $0xFFFFFEF7, lr;
	s5 =	simm.s32 $0xFFFFFFFF;
	p2 =	slt.u32 s8, $0xFFFFF086  }
0x1c: {  	p1 =	slt.u32 s9, $0xF7A;
	s5 =	simm.s32 @!p2 $0x0  }
0x1d: {  	s5 =	simm.s32 @p1 $0x1;
	p0 =	seq.s32 s7, s2  }
0x1e: {  	s7 =	smul.u32 @!p0 $0xF7A, s2;
	p2 =	seq.s32 @!p0 s5, $0x0  }
0x1f: {  	s9 =	smul.u32 $0xF7A, s1;
	s8 =	simm.s32 @!p0 $0x1BF5;
	p2 =	por !p2, p0  }
0x20: {  	[sflag:s8] =	ssyncset.s32 @!p0 $0xFFFFF086;
	s6 =	sadd.s32 @!p0 s3, s7;
	s7 =	simm.s32 @!p0 $0x108  }
0x21: {  	s3 =	sadd.s32 s3, s9;
	s6 =	sadd.s32 @!p0 $0x88, s6;
	s7 =	simm.s32 @p2 $0x1082  }
0x22: {  	[simem:s7], [sflag:s8] =	dma.local @!p0 [hbm:s6], $0xF7A  }
0x23: {  	s9 =	sor.u32 $0xD0000000, s2;
	s6 =	simm.s32 $0x108;
	_ =	swait.ge @!p0 [sflag:s8], $0x0  }
0x24: {  	s3 =	sadd.s32 $0x88, s3;
	s6 =	simm.s32 @!p1 $0x1082;
	[sflag:s4] =	ssyncset.s32 $0xFFFFF086  }
0x25: {  	[simem:s6], [sflag:s4] =	dma.local [hbm:s3], $0xF7A  }
0x26: {  	[smem:$0x3F92] =	sst s1;
	(tag) =	ssettag s2;
	_ =	strace s9  }
0x27: {  	s1 =	sld [smem:$0x3FA2]  }
0x28: {  	s2 =	sld [smem:$0x3FA3]  }
0x29: {  	s4 =	sld [smem:$0x3FA5]  }
0x2a: {  	p0 =	seq.s32 s5, $0x0;
	s5 =	sld [smem:$0x3FA6]  }
0x2b: {  	s6 =	sld [smem:$0x3FA7]  }
0x2c: {  	s7 =	sld [smem:$0x3FA8]  }
0x2d: {  	s3 =	simm.s32 $0x108;
	s8 =	sld [smem:$0x3FA9]  }
0x2e: {  	s3 =	simm.s32 @!p0 $0x1082;
	s9 =	sld [smem:$0x3FAA]  }
0x2f: {  	lr =	sadd.s32 s0, s3;
	s0 =	sld [smem:$0x3FA1]  }
0x30: {  	s3 =	sld [smem:$0x3FA4]  }
0x31: {  	[smem:$0x3FAD] =	sst s10  }
0x32: {  	s10 =	sld [smem:$0x3FAB];
	_ =	sdelay $0x3  }
0x33: {  	p0 =	seq.s32 s10, $0x1;
	s10 =	sld [smem:$0x3FAD];
	_ =	sdelay $0x3  }
0x34: {  	[smem:$0x3FAD] =	sst s10  }
0x35: {  	s10 =	sld [smem:$0x3FAC];
	_ =	sdelay $0x3  }
0x36: {  	p1 =	seq.s32 s10, $0x1;
	s10 =	sld [smem:$0x3FAD];
	_ =	sdelay $0x3  }
0x37: {  	[smem:$0x3FAD] =	sst s10  }
0x38: {  	s10 =	sld [smem:$0x3FAE]  }
0x39: {  	_ = 	snop;
	(pc) =	sbr.ind lr, $3  }
0x3a: {  	_ = 	snop  }
0x3b: {  	_ = 	snop  }
0x3c: {  	p2 =	seq.s32 s10, $0x1;
	s10 =	sld [smem:$0x3FAD]  }
0x3d: {  	_ =	shalt  }
0x3e: {  	_ =	shalt  }
0x3f: {  	_ =	shalt  }
0x40: {  	_ =	shalt  }
0x41: {  	_ =	shalt  }
0x42: {  	_ =	shalt  }
0x43: {  	_ =	shalt  }
0x44: {  	_ =	shalt  }
0x45: {  	_ =	shalt  }
0x46: {  	_ =	shalt  }
0x47: {  	_ =	shalt  }
0x48: {  	_ =	shalt  }
0x49: {  	_ =	shalt  }
0x4a: {  	_ =	shalt  }
0x4b: {  	_ =	shalt  }
0x4c: {  	_ =	shalt  }
0x4d: {  	_ =	shalt  }
0x4e: {  	_ =	shalt  }
0x4f: {  	_ =	shalt  }
0x50: {  	_ =	shalt  }
0x51: {  	_ =	shalt  }
0x52: {  	_ =	shalt  }
0x53: {  	_ =	shalt  }
0x54: {  	_ =	shalt  }
0x55: {  	_ =	shalt  }
0x56: {  	_ =	shalt  }
0x57: {  	_ =	shalt  }
0x58: {  	_ =	shalt  }
0x59: {  	_ =	shalt  }
0x5a: {  	_ =	shalt  }
0x5b: {  	_ =	shalt  }
0x5c: {  	_ =	shalt  }
0x5d: {  	_ =	shalt  }
0x5e: {  	_ =	shalt  }
0x5f: {  	_ =	shalt  }
0x60: {  	_ =	shalt  }
0x61: {  	_ =	shalt  }
0x62: {  	_ =	shalt  }
0x63: {  	_ =	shalt  }
0x64: {  	_ =	shalt  }
0x65: {  	_ =	shalt  }
0x66: {  	_ =	shalt  }
0x67: {  	_ =	shalt  }
0x68: {  	_ =	shalt  }
0x69: {  	_ =	shalt  }
0x6a: {  	_ =	shalt  }
0x6b: {  	_ =	shalt  }
0x6c: {  	_ =	shalt  }
0x6d: {  	_ =	shalt  }
0x6e: {  	_ =	shalt  }
0x6f: {  	_ =	shalt  }
0x70: {  	_ =	shalt  }
0x71: {  	_ =	shalt  }
0x72: {  	_ =	shalt  }
0x73: {  	_ =	shalt  }
0x74: {  	_ =	shalt  }
0x75: {  	_ =	shalt  }
0x76: {  	_ =	shalt  }
0x77: {  	_ =	shalt  }
0x78: {  	_ =	shalt  }
0x79: {  	_ =	shalt  }
0x7a: {  	_ =	shalt  }
0x7b: {  	_ =	shalt  }
0x7c: {  	_ =	shalt  }
0x7d: {  	_ =	shalt  }
0x7e: {  	_ =	shalt  }
0x7f: {  	_ =	shalt  }
0x80: {  	_ =	shalt  }
0x81: {  	_ =	shalt  }
0x82: {  	_ =	shalt  }
0x83: {  	_ =	shalt  }
0x84: {  	_ =	shalt  }
0x85: {  	_ =	shalt  }
0x86: {  	_ =	shalt  }
0x87: {  	_ =	shalt  }
.Lfunc_end0:
.L_simem_size_0:
called_computation.2_lowered:
.L_overlay_start_0:
0x88: {  	s2 =	sld [smem:$0x3FD9]  }
0x89: {  	s3 =	sld [smem:$0x3FFE];
	_ =	sdelay $0x1  }
0x8a: {  	s1 =	srdreg.scid  }
0x8b: {  	s0 =	sand.u32 $0x1, s1  }
0x8c: {  	s16 =	sshll.u32 s0, $0xA;
	s2 =	sadd.s32 s3, s2  }
0x8d: {  	s2 =	sadd.s32 s2, s16  }
0x8e: {  	[smem:$0x3FB9] =	sst s2  }
0x8f: {  	_ = 	snop  }
0x90: {  	(tm) =	ssettm $0x1  }
0x91: {  	s17 =	sld [smem:$0x3FFB];
	_ =	sdelay $0x3  }
0x92: {  	_ =	strace s17  }
0x93: {  	s2 =	sld [smem:$0x3FFC];
	_ =	sdelay $0x3  }
0x94: {  	_ =	strace s2  }
0x95: {  	s2 =	sld [smem:$0x3FFD];
	_ =	sdelay $0x3  }
0x96: {  	_ =	strace s2  }
0x97: {  	_ =	strace $0x8FFFFFFF  }
0x98: {  	s18 =	sld [smem:$0x3FDB];
	_ =	sdelay $0x1  }
0x99: {  	s19 =	simm.s32 $_scs_section_size  }
0x9a: {  	s4 =	simm.s32 $_size__tile_overlayer_lowered;
	s5 =	simm.s32 $_tile_overlayer_lowered  }
0x9b: {  	s22 =	simm.s32 $0x1BFF;
	s21 =	sshll.u32 s5, $0x1;
	s2 =	sadd.s32 s19, s18  }
0x9c: {  	s6 =	simm.s32 $0x0;
	s20 =	sshll.u32 s4, $0x1;
	s4 =	sadd.s32 s21, s2  }
0x9d: {  	[timem:s6], [sflag:s22] =	dma.local [hbm:s4], s20  }
0x9e: {  	_ =	swait.ge [sflag:s22], s20  }
0x9f: {  	s3 =	ssub.s32 $0x0, s20;
	[sflag:s22] =	ssyncset.done $0x0  }
0xa0: {  	[sflag:s22] =	ssyncadd.s32 s3;
	_ =	sdelay $0x1  }
0xa1: {  	s23 =	simm.s32 $0x1B8B  }
0xa2: {  	_ =	swait.ge [sflag:s23], $0x1  }
0xa3: {  	[sflag:s23] =	ssyncset.done $0x0  }
0xa4: {  	s25 =	simm.s32 $0x1B8E;
	s24 =	sld [smem:$0x3FFE];
	[sflag:s23] =	ssyncadd.s32 $0xFFFFFFFF  }
0xa5: {  	s26 =	simm.s32 $execute0_lowered;
	[smem:$0x3FD2] =	sst s25  }
0xa6: {  	s4 =	sshll.u32 s26, $0x1;
	_ =	strace $0x8000004C;
	[dreg:$0x1] =	wrdreg $0xFFFFFFFF  }
0xa7: {  	s28 =	simm.s32 $_size_execute0_lowered;
	s2 =	sadd.s32 s2, s4;
	[dreg:$0x0] =	wrdreg $0x0  }
0xa8: {  	s4 =	sshll.u32 s28, $0x1;
	[dreg:$0x2] =	wrdreg s2  }
0xa9: {  	[dreg:$0x3] =	wrdreg s4  }
0xaa: {  	[dreg:$0x4] =	wrdreg $0xC0  }
0xab: {  	_ =	task [dreg:s6], $0x5FFFF  }
0xac: {  	[dreg:$0x1] =	wrdreg $0xFFFFFFFF  }
0xad: {  	[dreg:$0x0] =	wrdreg $0x60  }
0xae: {  	[dreg:$0x2] =	wrdreg s24  }
0xaf: {  	[dreg:$0x3] =	wrdreg $0x90000  }
0xb0: {  	[dreg:$0x4] =	wrdreg $0x12C400  }
0xb1: {  	[dreg:$0x5] =	wrdreg $0x9  }
0xb2: {  	_ =	task.clear_ibuf [dreg:s6], $0x6FFFF;
	_ =	strace $0x9000004C  }
0xb3: {  	s29 =	simm.s32 $0x9;
	_ =	strace $0x8000004E  }
0xb4: {  	_ =	swait.ge [sflag:s29], $0x1  }
0xb5: {  	[sflag:s29] =	ssyncadd.s32 $0xFFFFFFFF  }
0xb6: {  	_ =	strace $0x9000004E  }
0xb7: {  	_ =	sfence  }
0xb8: {  	s30 =	sld [smem:$0x0];
	_ =	sdelay $0x2  }
0xb9: {  	s31 =	sshll.u32 s1, $0xD;
	s1 =	sshrl.u32 s1, $0x2  }
0xba: {  	s3 =	sand.u32 $0x4000, s31;
	s1 =	sadd.s32 s1, s30  }
0xbb: {  	s0 =	sor.u32 s3, s0;
	s1 =	sshll.u32 s1, $0x11  }
0xbc: {  	s0 =	sor.u32 s1, s0  }
0xbd: {  	s0 =	sadd.s32 $0x8F2B, s0  }
0xbe: {  	[sflag:s0] =	ssyncadd.remote.s32 $0x1  }
0xbf: {  	_ =	sfence.sel $0xFFFF  }
0xc0: {  	[dreg:$0x0] =	wrdreg $0xFFFFFFFF;
	(pc) =	sbr.abs _section_cstart, $3  }
0xc1: {  	[dreg:$0x1] =	wrdreg $0xFFFFFFFF  }
0xc2: {  	_ =	task.clear_ibuf [dreg:s6], $0x2FFFF;
	_ =	strace $0x9FFFFFFF  }
0xc3: {  	(tm) =	ssettm $0x7FFFFFFF  }
tec
execute0_lowered:
.L_overlay_start_1:
0x0: {  	(tag) =	ssettag $0x1  }
0x1: {  	s6 =	rddreg [dreg:$0x0]  }
0x2: {  	s0 =	stileid.u32;
	s2 =	rddreg [dreg:$0x1]  }
0x3: {  	s1 =	srdreg.scid;
	s3 =	rddreg [dreg:$0x2];
	s4 =	simm.s32 $0x0  }
0x4: {  	s16 =	simm.s32 $0x80;
	s17 =	simm.s32 $0x5000;
	s18 =	simm.s32 $0x1  }
0x5: {  	s19 =	simm.s32 $0x7000;
	s20 =	simm.s32 $0x2;
	s21 =	simm.s32 $0x2780  }
0x6: {  	s22 =	simm.s32 $0x4F00;
	s23 =	simm.s32 $0x4F80;
	s24 =	simm.s32 $0x0  }
0x7: {  	s5 =	sand.u32 $0x1, s1;
	s30 =	sshll.u32 s0, $0x1;
	s8 =	smul.u32 $0x9C40, s0  }
0x8: {  	s9 =	smul.u32 $0x9E00, s0;
	[smem:$0x7FF] =	sst s4;
	s31 =	sshll.u32 s0, $0x6  }
0x9: {  	s1 =	sor.u32 s5, s30;
	s11 =	smul.u32 $0x9E000, s5;
	s12 =	ssub.s32 $0x2, s5  }
0xa: {  	s5 =	sadd.s32 $0x20200, s6;
	s7 =	smul.u32 $0x500, s1;
	s1 =	rddreg [dreg:$0x3]  }
0xb: {  	s10 =	sshrl.u32 s8, $0x3;
	_ =	strace $0x8000004D;
	s13 =	sshrl.u32 s12, $0x1  }
0xc: {  	s14 =	sadd.s32 s8, s2;
	s15 =	sadd.s32 s9, s3;
	s10 =	sadd.s32 s10, s6  }
0xd: {  	s11 =	sadd.s32 s9, s11;
	s12 =	ssub.s32 s12, s13;
	s13 =	sor.u32 $0x1C03, s31  }
0xe: {  	s14 =	sshrl.u32 s14, $0x3;
	s15 =	sshrl.u32 s15, $0x3;
	s7 =	sadd.s32 s7, s6  }
0xf: {  	s11 =	sshrl.u32 s11, $0x3;
	s8 =	sadd.s32 $0xC800, s10;
	s10 =	smax.u32 s12, $0x1  }
0x10: {  	s12 =	simm.s32 $0x2800;
	s11 =	sadd.s32 s11, s6;
	s6 =	sadd.s32 $0x30200, s7  }
0x11: {  	s7 =	sadd.s32 $0x2800, s7;
	s9 =	sadd.s32 $0x3A200, s11;
	s11 =	simm.s32 $0x3  }
.LBB2_1:
0x12: {  	[tilespmem:s4], [sflag:$0x3] =	stream.linear.gather [hbm4b:s6+s4], $0x2800, $0x38;
	[tilespmem:$0x1CA40] =	vst v63  }
0x13: {  	_ =	swait.ge [sflag:s11], $0x2800  }
0x14: {  	[sflag:s11] =	ssyncset.done $0x0  }
0x15: {  	[sflag:s11] =	ssyncadd.s32 $0xFFFFD800  }
0x16: {  	[tilespmem:s12], [sflag:$0x3] =	stream.linear.gather [hbm4b:s7+s4], $0x2800, $0x38;
	[tilespmem:$0x1CA40] =	vst v63  }
0x17: {  	_ =	swait.ge [sflag:s11], $0x2800  }
0x18: {  	[sflag:s11] =	ssyncset.done $0x0  }
0x19: {  	[sflag:s11] =	ssyncadd.s32 $0xFFFFD800  }
0x1a: {  	[spmem:s14], [sflag:s13] =	dma.local [hbm:s8], $0x1388  }
0x1b: {  	_ =	swait.ge [sflag:s11], $0x1388  }
0x1c: {  	[sflag:s11] =	ssyncset.done $0x0  }
0x1d: {  	[sflag:s11] =	ssyncadd.s32 $0xFFFFEC78  }
0x1e: {  	[spmem:s15], [sflag:s13] =	dma.local [hbm:s5], $0x13C0  }
0x1f: {  	_ =	swait.ge [sflag:s11], $0x13C0  }
0x20: {  	[sflag:s11] =	ssyncset.done $0x0  }
0x21: {  	[sflag:s11] =	ssyncadd.s32 $0xFFFFEC40  }
0x22: {  	[bflag:$0x0] =	sbarrier.arrive $0xFFFF  }
0x23: {  	[tilespmem:s17], [sflag:$0x1] =	stream.indirect.gather [spmem:s2], $0x40, s4, s16, $0xb8;
	[tilespmem:$0x1CA40] =	vst v63  }
0x24: {  	_ =	swait.ge [sflag:s18], $0x2000  }
0x25: {  	[sflag:s18] =	ssyncset.done $0x0  }
0x26: {  	s25 =	simm.s32 $0x80;
	[sflag:s18] =	ssyncadd.s32 $0xFFFFE000  }
0x27: {  	[tilespmem:s19], [sflag:$0x2] =	stream.indirect.gather [spmem:s2], $0x40, s25, s16, $0xb8;
	[tilespmem:$0x1CA40] =	vst v63  }
0x28: {  	s29 =	simm.s32 $0x2800  }
0x29: {  	[spmem:s3] =	stream.indirect.scatter.add.f32 [tilespmem:s17], [sflag:$0x3], $0x40, s29, s16, $0xb8;
	[tilespmem:$0x1CA40] =	vst v63  }
0x2a: {  	_ =	swait.ge [sflag:s11], $0x2000  }
0x2b: {  	[sflag:s11] =	ssyncset.done $0x0  }
0x2c: {  	[sflag:s11] =	ssyncadd.s32 $0xFFFFE000  }
0x2d: {  	_ =	swait.ge [sflag:s20], $0x2000  }
0x2e: {  	[sflag:s20] =	ssyncset.done $0x0  }
0x2f: {  	s30 =	simm.s32 $0x100;
	[sflag:s20] =	ssyncadd.s32 $0xFFFFE000  }
0x30: {  	[tilespmem:s17], [sflag:$0x1] =	stream.indirect.gather [spmem:s2], $0x40, s30, s16, $0xb8;
	[tilespmem:$0x1CA40] =	vst v63  }
0x31: {  	s31 =	simm.s32 $0x2880  }
0x32: {  	[spmem:s3] =	stream.indirect.scatter.add.f32 [tilespmem:s19], [sflag:$0x3], $0x40, s31, s16, $0xb8;
	[tilespmem:$0x1CA40] =	vst v63  }
0x33: {  	_ =	swait.ge [sflag:s11], $0x2000  }
0x34: {  	s25 =	simm.s32 $0x400;
	[sflag:s11] =	ssyncset.done $0x0  }
.LBB2_2:
0x35: {  	p0 =	sne.s32 s25, $0x9800  }
0x36: {  	[sflag:s11] =	ssyncadd.s32 $0xFFFFE000;
	s26 =	smov.u32 s25;
	s25 =	sadd.s32 $0x400, s25  }
0x37: {  	_ = 	snop  }
0x38: {  	_ =	swait.ge [sflag:s18], $0x2000  }
0x39: {  	s26 =	sshra.s32 s26, $0x2;
	[sflag:s18] =	ssyncset.done $0x0  }
0x3a: {  	s28 =	sadd.s32 $0x80, s26;
	[sflag:s18] =	ssyncadd.s32 $0xFFFFE000  }
0x3b: {  	[tilespmem:s19], [sflag:$0x2] =	stream.indirect.gather [spmem:s2], $0x40, s28, s16, $0xb8;
	[tilespmem:$0x1CA40] =	vst v63  }
0x3c: {  	s28 =	sadd.s32 $0x2800, s26  }
0x3d: {  	[spmem:s3] =	stream.indirect.scatter.add.f32 [tilespmem:s17], [sflag:$0x3], $0x40, s28, s16, $0xb8;
	[tilespmem:$0x1CA40] =	vst v63  }
0x3e: {  	_ =	swait.ge [sflag:s11], $0x2000  }
0x3f: {  	[sflag:s11] =	ssyncset.done $0x0  }
0x40: {  	[sflag:s11] =	ssyncadd.s32 $0xFFFFE000  }
0x41: {  	_ =	swait.ge [sflag:s20], $0x2000  }
0x42: {  	[sflag:s20] =	ssyncset.done $0x0  }
0x43: {  	s28 =	sadd.s32 $0x100, s26;
	[sflag:s20] =	ssyncadd.s32 $0xFFFFE000  }
0x44: {  	[tilespmem:s17], [sflag:$0x1] =	stream.indirect.gather [spmem:s2], $0x40, s28, s16, $0xb8;
	[tilespmem:$0x1CA40] =	vst v63  }
.Ltmp0:
0x45: {  	_ = 	snop;
	(pc) =	sbr.rel @p0 .LBB2_2-.Ltmp0, $4  }
0x46: {  	s26 =	sadd.s32 $0x2880, s26  }
0x47: {  	[spmem:s3] =	stream.indirect.scatter.add.f32 [tilespmem:s19], [sflag:$0x3], $0x40, s26, s16, $0xb8;
	[tilespmem:$0x1CA40] =	vst v63  }
0x48: {  	_ =	swait.ge [sflag:s11], $0x2000  }
0x49: {  	[sflag:s11] =	ssyncset.done $0x0  }
0x4a: {  	[sflag:s11] =	ssyncadd.s32 $0xFFFFE000  }
0x4b: {  	_ =	swait.ge [sflag:s18], $0x2000  }
0x4c: {  	[sflag:s18] =	ssyncset.done $0x0  }
0x4d: {  	[sflag:s18] =	ssyncadd.s32 $0xFFFFE000  }
0x4e: {  	[tilespmem:s19], [sflag:$0x2] =	stream.indirect.gather [spmem:s2], $0x40, s21, s16, $0xb8;
	[tilespmem:$0x1CA40] =	vst v63  }
0x4f: {  	_ = 	snop  }
0x50: {  	[spmem:s3] =	stream.indirect.scatter.add.f32 [tilespmem:s17], [sflag:$0x3], $0x40, s22, s16, $0xb8;
	[tilespmem:$0x1CA40] =	vst v63  }
0x51: {  	_ =	swait.ge [sflag:s11], $0x2000  }
0x52: {  	[sflag:s11] =	ssyncset.done $0x0  }
0x53: {  	[sflag:s11] =	ssyncadd.s32 $0xFFFFE000  }
0x54: {  	_ =	swait.ge [sflag:s20], $0x2000  }
0x55: {  	[sflag:s20] =	ssyncset.done $0x0  }
0x56: {  	[sflag:s20] =	ssyncadd.s32 $0xFFFFE000  }
0x57: {  	[tilespmem:s17], [sflag:$0x1] =	stream.indirect.gather [spmem:s2], $0x40, s21, s16, $0xb8;
	[tilespmem:$0x1CA40] =	vst v63  }
0x58: {  	_ = 	snop  }
0x59: {  	[spmem:s3] =	stream.indirect.scatter.add.f32 [tilespmem:s19], [sflag:$0x3], $0x40, s23, s16, $0xb8;
	[tilespmem:$0x1CA40] =	vst v63  }
0x5a: {  	_ =	swait.ge [sflag:s11], $0x2000  }
0x5b: {  	[sflag:s11] =	ssyncset.done $0x0  }
0x5c: {  	[sflag:s11] =	ssyncadd.s32 $0xFFFFE000  }
0x5d: {  	_ =	swait.ge [sflag:s18], $0x2000  }
0x5e: {  	s24 =	sadd.s32 $0x1, s24;
	[sflag:s18] =	ssyncset.done $0x0  }
0x5f: {  	p0 =	sne.s32 s24, s10;
	[sflag:s18] =	ssyncadd.s32 $0xFFFFE000  }
.Ltmp1:
0x60: {  	[bflag:$0x0] =	sbarrier.arrive $0xFFFF;
	(pc) =	sbr.rel @p0 .LBB2_1-.Ltmp1, $4  }
0x61: {  	[hbm:s9], [sflag:s13] =	dma.local [spmem:s15], $0x13C0  }
0x62: {  	_ =	swait.ge [sflag:s11], $0x13C0  }
0x63: {  	[sflag:s11] =	ssyncset.done $0x0  }
0x64: {  	[sflag:s11] =	ssyncadd.s32 $0xFFFFEC40  }
0x65: {  	_ =	sfence.sel $0x180000  }
0x66: {  	[bflag:$0x0] =	sbarrier.arrive $0xFFFF  }
0x67: {  	p0 =	sne.s32 s0, $0x0;
	_ =	strace $0x9000004D  }
0x68: {  	s0 =	sadd.s32 @!p0 $0x100000, s1;
	[bflag:$0x2] =	sbarrier.arrive $0xFFFF  }
0x69: {  	[sflag:s0] =	ssyncadd.tile.s32 @!p0 $0x1;
	_ =	shalt  }
.Lfunc_end2:
_tile_overlayer_lowered:
.L_overlay_start_2:
0x6a: {  	(tag) =	ssettag $0x2  }
0x6b: {  	s0 =	rddreg [dreg:$0x0];
	s2 =	stileid.u32  }
0x6c: {  	s1 =	rddreg [dreg:$0x1];
	p0 =	sne.s32 s2, $0x0  }
0x6d: {  	s3 =	rddreg [dreg:$0x2];
	[bflag:$0x3] =	sbarrier.arrive $0xFFFF;
	s2 =	simm.s32 @!p0 $0x1C03  }
0x6e: {  	[timem:s3], [sflag:s2] =	dma.local @!p0 [hbm:s0], s1  }
0x6f: {  	s0 =	simm.s32 @!p0 $0x3  }
0x70: {  	_ =	swait.ge @!p0 [sflag:s0], s1  }
0x71: {  	s1 =	ssub.s32 @!p0 $0x0, s1;
	[sflag:s0] =	ssyncset.done @!p0 $0x0  }
0x72: {  	[sflag:s0] =	ssyncadd.s32 @!p0 s1  }
0x73: {  	[bflag:$0x3] =	sbarrier.arrive $0xFFFF  }
0x74: {  	_ =	shalt  }

// kernel: kernel.9.cloned.1.call-start
scs
__scs_entry_jumppad:
0x0: {  	(pc) =	sbr.rel $0x88, $3  }
0x1: {  	(tag) =	ssettag $0x0;
	lr =	simm.s32 $0x1  }
0x2: {  	[smem:$0x3F92] =	sst lr;
	_ =	strace $0xD0000000  }
0x3: {  	_ = 	snop  }
0x4: {  	_ = 	snop  }
0x5: {  	_ = 	snop  }
0x6: {  	_ = 	snop  }
0x7: {  	_ = 	snop  }
__scs_overlays_trampoline_lowered:
0x8: {  	[smem:$0x3FA1] =	sst s0  }
0x9: {  	[smem:$0x3FA2] =	sst s1  }
0xa: {  	[smem:$0x3FA3] =	sst s2  }
0xb: {  	[smem:$0x3FA4] =	sst s3  }
0xc: {  	[smem:$0x3FA5] =	sst s4  }
0xd: {  	[smem:$0x3FA6] =	sst s5  }
0xe: {  	[smem:$0x3FA7] =	sst s6  }
0xf: {  	[smem:$0x3FA8] =	sst s7  }
0x10: {  	[smem:$0x3FA9] =	sst s8  }
0x11: {  	[smem:$0x3FAA] =	sst s9;
	s0 =	simm.s32 @!p0 $0x0  }
0x12: {  	s1 =	sld [smem:$0x3F90];
	s0 =	simm.s32 @p0 $0x1  }
0x13: {  	[smem:$0x3FAB] =	sst s0;
	s0 =	simm.s32 @!p1 $0x0  }
0x14: {  	s2 =	sld [smem:$0x3F8F];
	s0 =	simm.s32 @p1 $0x1  }
0x15: {  	[smem:$0x3FAC] =	sst s0;
	s0 =	simm.s32 @!p2 $0x0  }
0x16: {  	s3 =	sld [smem:$0x3FDB];
	s0 =	simm.s32 @p2 $0x1  }
0x17: {  	s4 =	simm.s32 $0x1BF5;
	[smem:$0x3FAE] =	sst s0  }
0x18: {  	s0 =	sld [smem:$0x3F91];
	_ =	swait.ge [sflag:s4], $0x0  }
0x19: {  	s7 =	sld [smem:$0x3F92]  }
0x1a: {  	s8 =	sadd.s32 $0xFFFFE003, lr  }
0x1b: {  	s9 =	sadd.s32 $0xFFFFFEF7, lr;
	s5 =	simm.s32 $0xFFFFFFFF;
	p2 =	slt.u32 s8, $0xFFFFF086  }
0x1c: {  	p1 =	slt.u32 s9, $0xF7A;
	s5 =	simm.s32 @!p2 $0x0  }
0x1d: {  	s5 =	simm.s32 @p1 $0x1;
	p0 =	seq.s32 s7, s2  }
0x1e: {  	s7 =	smul.u32 @!p0 $0xF7A, s2;
	p2 =	seq.s32 @!p0 s5, $0x0  }
0x1f: {  	s9 =	smul.u32 $0xF7A, s1;
	s8 =	simm.s32 @!p0 $0x1BF5;
	p2 =	por !p2, p0  }
0x20: {  	[sflag:s8] =	ssyncset.s32 @!p0 $0xFFFFF086;
	s6 =	sadd.s32 @!p0 s3, s7;
	s7 =	simm.s32 @!p0 $0x108  }
0x21: {  	s3 =	sadd.s32 s3, s9;
	s6 =	sadd.s32 @!p0 $0x88, s6;
	s7 =	simm.s32 @p2 $0x1082  }
0x22: {  	[simem:s7], [sflag:s8] =	dma.local @!p0 [hbm:s6], $0xF7A  }
0x23: {  	s9 =	sor.u32 $0xD0000000, s2;
	s6 =	simm.s32 $0x108;
	_ =	swait.ge @!p0 [sflag:s8], $0x0  }
0x24: {  	s3 =	sadd.s32 $0x88, s3;
	s6 =	simm.s32 @!p1 $0x1082;
	[sflag:s4] =	ssyncset.s32 $0xFFFFF086  }
0x25: {  	[simem:s6], [sflag:s4] =	dma.local [hbm:s3], $0xF7A  }
0x26: {  	[smem:$0x3F92] =	sst s1;
	(tag) =	ssettag s2;
	_ =	strace s9  }
0x27: {  	s1 =	sld [smem:$0x3FA2]  }
0x28: {  	s2 =	sld [smem:$0x3FA3]  }
0x29: {  	s4 =	sld [smem:$0x3FA5]  }
0x2a: {  	p0 =	seq.s32 s5, $0x0;
	s5 =	sld [smem:$0x3FA6]  }
0x2b: {  	s6 =	sld [smem:$0x3FA7]  }
0x2c: {  	s7 =	sld [smem:$0x3FA8]  }
0x2d: {  	s3 =	simm.s32 $0x108;
	s8 =	sld [smem:$0x3FA9]  }
0x2e: {  	s3 =	simm.s32 @!p0 $0x1082;
	s9 =	sld [smem:$0x3FAA]  }
0x2f: {  	lr =	sadd.s32 s0, s3;
	s0 =	sld [smem:$0x3FA1]  }
0x30: {  	s3 =	sld [smem:$0x3FA4]  }
0x31: {  	[smem:$0x3FAD] =	sst s10  }
0x32: {  	s10 =	sld [smem:$0x3FAB];
	_ =	sdelay $0x3  }
0x33: {  	p0 =	seq.s32 s10, $0x1;
	s10 =	sld [smem:$0x3FAD];
	_ =	sdelay $0x3  }
0x34: {  	[smem:$0x3FAD] =	sst s10  }
0x35: {  	s10 =	sld [smem:$0x3FAC];
	_ =	sdelay $0x3  }
0x36: {  	p1 =	seq.s32 s10, $0x1;
	s10 =	sld [smem:$0x3FAD];
	_ =	sdelay $0x3  }
0x37: {  	[smem:$0x3FAD] =	sst s10  }
0x38: {  	s10 =	sld [smem:$0x3FAE]  }
0x39: {  	_ = 	snop;
	(pc) =	sbr.ind lr, $3  }
0x3a: {  	_ = 	snop  }
0x3b: {  	_ = 	snop  }
0x3c: {  	p2 =	seq.s32 s10, $0x1;
	s10 =	sld [smem:$0x3FAD]  }
0x3d: {  	_ =	shalt  }
0x3e: {  	_ =	shalt  }
0x3f: {  	_ =	shalt  }
0x40: {  	_ =	shalt  }
0x41: {  	_ =	shalt  }
0x42: {  	_ =	shalt  }
0x43: {  	_ =	shalt  }
0x44: {  	_ =	shalt  }
0x45: {  	_ =	shalt  }
0x46: {  	_ =	shalt  }
0x47: {  	_ =	shalt  }
0x48: {  	_ =	shalt  }
0x49: {  	_ =	shalt  }
0x4a: {  	_ =	shalt  }
0x4b: {  	_ =	shalt  }
0x4c: {  	_ =	shalt  }
0x4d: {  	_ =	shalt  }
0x4e: {  	_ =	shalt  }
0x4f: {  	_ =	shalt  }
0x50: {  	_ =	shalt  }
0x51: {  	_ =	shalt  }
0x52: {  	_ =	shalt  }
0x53: {  	_ =	shalt  }
0x54: {  	_ =	shalt  }
0x55: {  	_ =	shalt  }
0x56: {  	_ =	shalt  }
0x57: {  	_ =	shalt  }
0x58: {  	_ =	shalt  }
0x59: {  	_ =	shalt  }
0x5a: {  	_ =	shalt  }
0x5b: {  	_ =	shalt  }
0x5c: {  	_ =	shalt  }
0x5d: {  	_ =	shalt  }
0x5e: {  	_ =	shalt  }
0x5f: {  	_ =	shalt  }
0x60: {  	_ =	shalt  }
0x61: {  	_ =	shalt  }
0x62: {  	_ =	shalt  }
0x63: {  	_ =	shalt  }
0x64: {  	_ =	shalt  }
0x65: {  	_ =	shalt  }
0x66: {  	_ =	shalt  }
0x67: {  	_ =	shalt  }
0x68: {  	_ =	shalt  }
0x69: {  	_ =	shalt  }
0x6a: {  	_ =	shalt  }
0x6b: {  	_ =	shalt  }
0x6c: {  	_ =	shalt  }
0x6d: {  	_ =	shalt  }
0x6e: {  	_ =	shalt  }
0x6f: {  	_ =	shalt  }
0x70: {  	_ =	shalt  }
0x71: {  	_ =	shalt  }
0x72: {  	_ =	shalt  }
0x73: {  	_ =	shalt  }
0x74: {  	_ =	shalt  }
0x75: {  	_ =	shalt  }
0x76: {  	_ =	shalt  }
0x77: {  	_ =	shalt  }
0x78: {  	_ =	shalt  }
0x79: {  	_ =	shalt  }
0x7a: {  	_ =	shalt  }
0x7b: {  	_ =	shalt  }
0x7c: {  	_ =	shalt  }
0x7d: {  	_ =	shalt  }
0x7e: {  	_ =	shalt  }
0x7f: {  	_ =	shalt  }
0x80: {  	_ =	shalt  }
0x81: {  	_ =	shalt  }
0x82: {  	_ =	shalt  }
0x83: {  	_ =	shalt  }
0x84: {  	_ =	shalt  }
0x85: {  	_ =	shalt  }
0x86: {  	_ =	shalt  }
0x87: {  	_ =	shalt  }
.Lfunc_end0:
.L_simem_size_0:
called_computation_lowered:
.L_overlay_start_0:
0x88: {  	s2 =	sld [smem:$0x3FD9]  }
0x89: {  	s3 =	sld [smem:$0x3FFE];
	_ =	sdelay $0x1  }
0x8a: {  	s1 =	srdreg.scid  }
0x8b: {  	s0 =	sand.u32 $0x1, s1  }
0x8c: {  	s17 =	sshll.u32 s0, $0xA;
	s2 =	sadd.s32 s3, s2  }
0x8d: {  	s2 =	sadd.s32 s2, s17  }
0x8e: {  	[smem:$0x3FB9] =	sst s2  }
0x8f: {  	_ = 	snop  }
0x90: {  	s2 =	sld [smem:$0x3FD0];
	(tm) =	ssettm $0x1  }
0x91: {  	s18 =	sld [smem:$0x3FFB];
	_ =	sdelay $0x3  }
0x92: {  	_ =	strace s18  }
0x93: {  	s3 =	sld [smem:$0x3FFC];
	_ =	sdelay $0x3  }
0x94: {  	_ =	strace s3  }
0x95: {  	s3 =	sld [smem:$0x3FFD];
	_ =	sdelay $0x3  }
0x96: {  	_ =	strace s3  }
0x97: {  	_ =	strace $0x8FFFFFFF  }
0x98: {  	s19 =	sld [smem:$0x3FDB];
	_ =	sdelay $0x1  }
0x99: {  	s4 =	simm.s32 $_scs_section_size  }
0x9a: {  	s5 =	simm.s32 $_size__tile_overlayer_lowered;
	s6 =	simm.s32 $_tile_overlayer_lowered  }
0x9b: {  	s22 =	simm.s32 $0x1BFF;
	s21 =	sshll.u32 s6, $0x1;
	s3 =	sadd.s32 s4, s19  }
0x9c: {  	s7 =	simm.s32 $0x0;
	s20 =	sshll.u32 s5, $0x1;
	s5 =	sadd.s32 s21, s3  }
0x9d: {  	[timem:s7], [sflag:s22] =	dma.local [hbm:s5], s20  }
0x9e: {  	_ =	swait.ge [sflag:s22], s20  }
0x9f: {  	s4 =	ssub.s32 $0x0, s20;
	[sflag:s22] =	ssyncset.done $0x0  }
0xa0: {  	[sflag:s22] =	ssyncadd.s32 s4;
	_ =	sdelay $0x1  }
0xa1: {  	s23 =	simm.s32 $0x1B8B  }
0xa2: {  	_ =	swait.ge [sflag:s23], $0x1  }
0xa3: {  	[sflag:s23] =	ssyncset.done $0x0  }
0xa4: {  	s25 =	simm.s32 $0x1B8E;
	s24 =	sld [smem:$0x3FFE];
	[sflag:s23] =	ssyncadd.s32 $0xFFFFFFFF  }
0xa5: {  	s26 =	simm.s32 $execute0_lowered;
	[smem:$0x3FD2] =	sst s25  }
0xa6: {  	s5 =	sshll.u32 s26, $0x1;
	_ =	strace $0x80000046;
	[dreg:$0x1] =	wrdreg $0xFFFFFFFF  }
0xa7: {  	s28 =	simm.s32 $_size_execute0_lowered;
	s3 =	sadd.s32 s3, s5;
	[dreg:$0x0] =	wrdreg $0x0  }
0xa8: {  	s5 =	sshll.u32 s28, $0x1;
	[dreg:$0x2] =	wrdreg s3  }
0xa9: {  	[dreg:$0x3] =	wrdreg s5  }
0xaa: {  	[dreg:$0x4] =	wrdreg $0xC0  }
0xab: {  	_ =	task [dreg:s7], $0x5FFFF  }
0xac: {  	[dreg:$0x1] =	wrdreg $0xFFFFFFFF  }
0xad: {  	[dreg:$0x0] =	wrdreg $0x60  }
0xae: {  	[dreg:$0x2] =	wrdreg s24  }
0xaf: {  	[dreg:$0x3] =	wrdreg s2  }
0xb0: {  	[dreg:$0x4] =	wrdreg $0x50000  }
0xb1: {  	[dreg:$0x5] =	wrdreg $0x188800  }
0xb2: {  	[dreg:$0x6] =	wrdreg $0x1DB800  }
0xb3: {  	[dreg:$0x7] =	wrdreg $0x9  }
0xb4: {  	_ =	task.clear_ibuf [dreg:s7], $0x8FFFF;
	_ =	strace $0x90000046  }
0xb5: {  	s29 =	simm.s32 $0x9;
	_ =	strace $0x80000048  }
0xb6: {  	_ =	swait.ge [sflag:s29], $0x1  }
0xb7: {  	[sflag:s29] =	ssyncadd.s32 $0xFFFFFFFF  }
0xb8: {  	_ =	strace $0x90000048  }
0xb9: {  	_ =	sfence  }
0xba: {  	s30 =	sld [smem:$0x0];
	_ =	sdelay $0x2  }
0xbb: {  	s31 =	sshll.u32 s1, $0xD;
	s1 =	sshrl.u32 s1, $0x2  }
0xbc: {  	s3 =	sand.u32 $0x4000, s31;
	s1 =	sadd.s32 s1, s30  }
0xbd: {  	s0 =	sor.u32 s3, s0;
	s1 =	sshll.u32 s1, $0x11  }
0xbe: {  	s0 =	sor.u32 s1, s0  }
0xbf: {  	s0 =	sadd.s32 $0x8F2B, s0  }
0xc0: {  	[sflag:s0] =	ssyncadd.remote.s32 $0x1  }
0xc1: {  	_ =	sfence.sel $0xFFFF  }
0xc2: {  	[dreg:$0x0] =	wrdreg $0xFFFFFFFF;
	(pc) =	sbr.abs _section_cstart, $3  }
0xc3: {  	[dreg:$0x1] =	wrdreg $0xFFFFFFFF  }
0xc4: {  	_ =	task.clear_ibuf [dreg:s7], $0x2FFFF;
	_ =	strace $0x9FFFFFFF  }
0xc5: {  	(tm) =	ssettm $0x7FFFFFFF  }
tec
execute0_lowered:
.L_overlay_start_1:
0x0: {  	(tag) =	ssettag $0x1  }
0x1: {  	s0 =	rddreg [dreg:$0x0]  }
0x2: {  	s3 =	rddreg [dreg:$0x2]  }
0x3: {  	s4 =	rddreg [dreg:$0x3]  }
0x4: {  	s5 =	rddreg [dreg:$0x4]  }
0x5: {  	s1 =	stileid.u32;
	s6 =	srdreg.scid  }
0x6: {  	s23 =	simm.s32 $0x100;
	s24 =	simm.s32 $0x180;
	s25 =	simm.s32 $0x200  }
0x7: {  	s31 =	simm.s32 $0x280;
	s28 =	simm.s32 $0x700;
	s2 =	smul.u32 $0x13880, s1  }
0x8: {  	s29 =	simm.s32 $0x780;
	s30 =	simm.s32 $0x0;
	s7 =	smul.u32 $0x5000, s1  }
0x9: {  	s9 =	sand.u32 $0x1, s6;
	s8 =	sshll.u32 s1, $0x1;
	s12 =	smul.u32 $0x4F00, s1  }
0xa: {  	s6 =	simm.s32 $0x0;
	s13 =	smul.u32 $0x13C0, s1;
	s26 =	sshll.u32 s1, $0x6  }
0xb: {  	s1 =	simm.s32 $0x300;
	s10 =	smul.u32 $0x2800, s9;
	[smem:$0x7FF] =	sst s6  }
0xc: {  	s20 =	smul.u32 $0x4F000, s9;
	_ =	strace $0x80000047;
	[dreg:$0x6] =	wrdreg s23  }
0xd: {  	s8 =	sor.u32 s9, s8;
	s16 =	smul.u32 $0x13C00, s9;
	[dreg:$0x7] =	wrdreg s24  }
0xe: {  	s9 =	ssub.s32 $0x2, s9;
	s8 =	smul.u32 $0x2800, s8;
	[dreg:$0x8] =	wrdreg s25  }
0xf: {  	s11 =	sshrl.u32 s2, $0x3;
	s22 =	sshrl.u32 s9, $0x1;
	[dreg:$0x9] =	wrdreg s31  }
0x10: {  	s2 =	sadd.s32 s2, s3;
	s19 =	sadd.s32 s12, s4;
	[dreg:$0xa] =	wrdreg s1  }
0x11: {  	s23 =	simm.s32 $0x480;
	s24 =	simm.s32 $0x500;
	s25 =	simm.s32 $0x580  }
0x12: {  	s31 =	simm.s32 $0x680;
	s11 =	sadd.s32 s11, s0;
	s7 =	sadd.s32 s10, s7  }
0x13: {  	s10 =	sadd.s32 s12, s20;
	s16 =	sadd.s32 s13, s16;
	[dreg:$0xd] =	wrdreg s23  }
0x14: {  	s20 =	sadd.s32 s13, s5;
	s18 =	sshrl.u32 s2, $0x3;
	[dreg:$0xe] =	wrdreg s24  }
0x15: {  	s19 =	sshrl.u32 s19, $0x3;
	s23 =	simm.s32 $0x3000;
	[dreg:$0xf] =	wrdreg s25  }
0x16: {  	s24 =	simm.s32 $0x1;
	[dreg:$0x11] =	wrdreg s31;
	s25 =	simm.s32 $0x4000  }
0x17: {  	s7 =	sshrl.u32 s7, $0x3;
	s8 =	sshrl.u32 s8, $0x3;
	s10 =	sshrl.u32 s10, $0x3  }
0x18: {  	s21 =	sshrl.u32 s16, $0x3;
	s16 =	ssub.s32 s9, s22;
	s22 =	simm.s32 $0x400  }
0x19: {  	s20 =	sshrl.u32 s20, $0x3;
	s14 =	sadd.s32 s7, s0;
	s15 =	sadd.s32 s8, s0  }
0x1a: {  	s7 =	sadd.s32 $0x16800, s0;
	s8 =	sadd.s32 $0x17200, s0;
	s17 =	sadd.s32 s10, s0  }
0x1b: {  	s0 =	sadd.s32 s21, s0;
	s10 =	sadd.s32 $0x9EC00, s11;
	s13 =	smax.u32 s16, $0x1  }
0x1c: {  	s16 =	simm.s32 $0x3;
	s21 =	simm.s32 $0x380;
	[dreg:$0xc] =	wrdreg s22  }
0x1d: {  	s22 =	simm.s32 $0x80;
	s9 =	sadd.s32 $0x2800, s15;
	s11 =	sadd.s32 $0x1C600, s17  }
0x1e: {  	s12 =	sadd.s32 $0x17600, s0;
	s0 =	sadd.s32 $0xC800, s14;
	s15 =	simm.s32 $0x800  }
0x1f: {  	s17 =	sor.u32 $0x1C03, s26;
	[dreg:$0xb] =	wrdreg s21;
	s26 =	simm.s32 $0x600  }
0x20: {  	s21 =	simm.s32 $0x1D780;
	[dreg:$0x10] =	wrdreg s26;
	s26 =	simm.s32 $0x2  }
.LBB2_1:
0x21: {  	[tilespmem:s15], [sflag:$0x3] =	stream.linear.gather [hbm4b:s9+s6], $0x2800, $0x38;
	[tilespmem:$0x1EF40] =	vst v63  }
0x22: {  	_ =	swait.ge [sflag:s16], $0x2800  }
0x23: {  	[sflag:s16] =	ssyncset.done $0x0  }
0x24: {  	[sflag:s16] =	ssyncadd.s32 $0xFFFFD800  }
0x25: {  	[spmem:s18], [sflag:s17] =	dma.local [hbm:s10], $0x2710  }
0x26: {  	_ =	swait.ge [sflag:s16], $0x2710  }
0x27: {  	[sflag:s16] =	ssyncset.done $0x0  }
0x28: {  	[sflag:s16] =	ssyncadd.s32 $0xFFFFD8F0  }
0x29: {  	[spmem:s19], [sflag:s17] =	dma.local [hbm:s7], $0x9E0  }
0x2a: {  	_ =	swait.ge [sflag:s16], $0x9E0  }
0x2b: {  	[sflag:s16] =	ssyncset.done $0x0  }
0x2c: {  	[sflag:s16] =	ssyncadd.s32 $0xFFFFF620  }
0x2d: {  	[spmem:s20], [sflag:s17] =	dma.local [hbm:s8], $0x278  }
0x2e: {  	_ =	swait.ge [sflag:s16], $0x278  }
0x2f: {  	[sflag:s16] =	ssyncset.done $0x0  }
0x30: {  	[sflag:s16] =	ssyncadd.s32 $0xFFFFFD88  }
0x31: {  	s1 =	rddreg [dreg:$0x1]  }
0x32: {  	[tilespmem:s21], [sflag:$0x3] =	stream.linear.gather [hbm4b:s1+s6], $0x400, $0x38;
	[tilespmem:$0x1EF40] =	vst v63  }
0x33: {  	_ =	swait.ge [sflag:s16], $0x400  }
0x34: {  	[sflag:s16] =	ssyncset.done $0x0  }
0x35: {  	[sflag:s16] =	ssyncadd.s32 $0xFFFFFC00  }
0x36: {  	[bflag:$0x0] =	sbarrier.arrive $0xFFFF  }
0x37: {  	[tilespmem:s6], [sflag:$0x3] =	stream.linear.gather [hbm4b:s0+s6], $0x800, $0x38;
	[tilespmem:$0x1EF40] =	vst v63  }
0x38: {  	_ =	swait.ge [sflag:s16], $0x800  }
0x39: {  	[sflag:s16] =	ssyncset.done $0x0  }
0x3a: {  	[sflag:s16] =	ssyncadd.s32 $0xFFFFF800  }
0x3b: {  	[tilespmem:s23], [sflag:$0x1] =	stream.indirect.gather [spmem:s3], $0x20, s6, s22, $0xb8;
	[tilespmem:$0x1EF40] =	vst v63  }
0x3c: {  	_ =	swait.ge [sflag:s24], $0x1000  }
0x3d: {  	[sflag:s24] =	ssyncset.done $0x0  }
0x3e: {  	[sflag:s24] =	ssyncadd.s32 $0xFFFFF000  }
0x3f: {  	[tilespmem:s25], [sflag:$0x2] =	stream.indirect.gather [spmem:s3], $0x20, s22, s22, $0xb8;
	[tilespmem:$0x1EF40] =	vst v63  }
0x40: {  	s2 =	simm.s32 $0x800  }
0x41: {  	[spmem:s4] =	stream.indirect.scatter.add.f32 [tilespmem:s23], [sflag:$0x3], $0x20, s2, s22, $0xb8;
	[tilespmem:$0x1EF40] =	vst v63  }
0x42: {  	_ =	swait.ge [sflag:s16], $0x1000  }
0x43: {  	[sflag:s16] =	ssyncset.done $0x0  }
0x44: {  	[sflag:s16] =	ssyncadd.s32 $0xFFFFF000  }
0x45: {  	[spmem:s5] =	stream.indirect.scatter.add.f32 [tilespmem:s21], [sflag:$0x3], $0x8, s2, s22, $0xb8;
	[tilespmem:$0x1EF40] =	vst v63  }
0x46: {  	_ =	swait.ge [sflag:s16], $0x400  }
0x47: {  	[sflag:s16] =	ssyncset.done $0x0  }
0x48: {  	[sflag:s16] =	ssyncadd.s32 $0xFFFFFC00  }
0x49: {  	_ =	swait.ge [sflag:s26], $0x1000  }
0x4a: {  	[sflag:s26] =	ssyncset.done $0x0  }
0x4b: {  	s14 =	rddreg [dreg:$0x6];
	[sflag:s26] =	ssyncadd.s32 $0xFFFFF000  }
0x4c: {  	[tilespmem:s23], [sflag:$0x1] =	stream.indirect.gather [spmem:s3], $0x20, s14, s22, $0xb8;
	[tilespmem:$0x1EF40] =	vst v63  }
0x4d: {  	s1 =	simm.s32 $0x880  }
0x4e: {  	[spmem:s4] =	stream.indirect.scatter.add.f32 [tilespmem:s25], [sflag:$0x3], $0x20, s1, s22, $0xb8;
	[tilespmem:$0x1EF40] =	vst v63  }
0x4f: {  	_ =	swait.ge [sflag:s16], $0x1000  }
0x50: {  	[sflag:s16] =	ssyncset.done $0x0  }
0x51: {  	[sflag:s16] =	ssyncadd.s32 $0xFFFFF000  }
0x52: {  	[spmem:s5] =	stream.indirect.scatter.add.f32 [tilespmem:s21], [sflag:$0x3], $0x8, s1, s22, $0xb8;
	[tilespmem:$0x1EF40] =	vst v63  }
0x53: {  	_ =	swait.ge [sflag:s16], $0x400  }
0x54: {  	[sflag:s16] =	ssyncset.done $0x0  }
0x55: {  	[sflag:s16] =	ssyncadd.s32 $0xFFFFFC00  }
0x56: {  	_ =	swait.ge [sflag:s24], $0x1000  }
0x57: {  	[sflag:s24] =	ssyncset.done $0x0  }
0x58: {  	s14 =	rddreg [dreg:$0x7];
	[sflag:s24] =	ssyncadd.s32 $0xFFFFF000  }
0x59: {  	[tilespmem:s25], [sflag:$0x2] =	stream.indirect.gather [spmem:s3], $0x20, s14, s22, $0xb8;
	[tilespmem:$0x1EF40] =	vst v63  }
0x5a: {  	s1 =	simm.s32 $0x900  }
0x5b: {  	[spmem:s4] =	stream.indirect.scatter.add.f32 [tilespmem:s23], [sflag:$0x3], $0x20, s1, s22, $0xb8;
	[tilespmem:$0x1EF40] =	vst v63  }
0x5c: {  	_ =	swait.ge [sflag:s16], $0x1000  }
0x5d: {  	[sflag:s16] =	ssyncset.done $0x0  }
0x5e: {  	[sflag:s16] =	ssyncadd.s32 $0xFFFFF000  }
0x5f: {  	[spmem:s5] =	stream.indirect.scatter.add.f32 [tilespmem:s21], [sflag:$0x3], $0x8, s1, s22, $0xb8;
	[tilespmem:$0x1EF40] =	vst v63  }
0x60: {  	_ =	swait.ge [sflag:s16], $0x400  }
0x61: {  	[sflag:s16] =	ssyncset.done $0x0  }
0x62: {  	[sflag:s16] =	ssyncadd.s32 $0xFFFFFC00  }
0x63: {  	_ =	swait.ge [sflag:s26], $0x1000  }
0x64: {  	[sflag:s26] =	ssyncset.done $0x0  }
0x65: {  	s14 =	rddreg [dreg:$0x8];
	[sflag:s26] =	ssyncadd.s32 $0xFFFFF000  }
0x66: {  	[tilespmem:s23], [sflag:$0x1] =	stream.indirect.gather [spmem:s3], $0x20, s14, s22, $0xb8;
	[tilespmem:$0x1EF40] =	vst v63  }
0x67: {  	s1 =	simm.s32 $0x980  }
0x68: {  	[spmem:s4] =	stream.indirect.scatter.add.f32 [tilespmem:s25], [sflag:$0x3], $0x20, s1, s22, $0xb8;
	[tilespmem:$0x1EF40] =	vst v63  }
0x69: {  	_ =	swait.ge [sflag:s16], $0x1000  }
0x6a: {  	[sflag:s16] =	ssyncset.done $0x0  }
0x6b: {  	[sflag:s16] =	ssyncadd.s32 $0xFFFFF000  }
0x6c: {  	[spmem:s5] =	stream.indirect.scatter.add.f32 [tilespmem:s21], [sflag:$0x3], $0x8, s1, s22, $0xb8;
	[tilespmem:$0x1EF40] =	vst v63  }
0x6d: {  	_ =	swait.ge [sflag:s16], $0x400  }
0x6e: {  	[sflag:s16] =	ssyncset.done $0x0  }
0x6f: {  	[sflag:s16] =	ssyncadd.s32 $0xFFFFFC00  }
0x70: {  	_ =	swait.ge [sflag:s24], $0x1000  }
0x71: {  	[sflag:s24] =	ssyncset.done $0x0  }
0x72: {  	s14 =	rddreg [dreg:$0x9];
	[sflag:s24] =	ssyncadd.s32 $0xFFFFF000  }
0x73: {  	[tilespmem:s25], [sflag:$0x2] =	stream.indirect.gather [spmem:s3], $0x20, s14, s22, $0xb8;
	[tilespmem:$0x1EF40] =	vst v63  }
0x74: {  	s1 =	simm.s32 $0xA00  }
0x75: {  	[spmem:s4] =	stream.indirect.scatter.add.f32 [tilespmem:s23], [sflag:$0x3], $0x20, s1, s22, $0xb8;
	[tilespmem:$0x1EF40] =	vst v63  }
0x76: {  	_ =	swait.ge [sflag:s16], $0x1000  }
0x77: {  	[sflag:s16] =	ssyncset.done $0x0  }
0x78: {  	[sflag:s16] =	ssyncadd.s32 $0xFFFFF000  }
0x79: {  	[spmem:s5] =	stream.indirect.scatter.add.f32 [tilespmem:s21], [sflag:$0x3], $0x8, s1, s22, $0xb8;
	[tilespmem:$0x1EF40] =	vst v63  }
0x7a: {  	_ =	swait.ge [sflag:s16], $0x400  }
0x7b: {  	[sflag:s16] =	ssyncset.done $0x0  }
0x7c: {  	[sflag:s16] =	ssyncadd.s32 $0xFFFFFC00  }
0x7d: {  	_ =	swait.ge [sflag:s26], $0x1000  }
0x7e: {  	[sflag:s26] =	ssyncset.done $0x0  }
0x7f: {  	s14 =	rddreg [dreg:$0xa];
	[sflag:s26] =	ssyncadd.s32 $0xFFFFF000  }
0x80: {  	[tilespmem:s23], [sflag:$0x1] =	stream.indirect.gather [spmem:s3], $0x20, s14, s22, $0xb8;
	[tilespmem:$0x1EF40] =	vst v63  }
0x81: {  	s1 =	simm.s32 $0xA80  }
0x82: {  	[spmem:s4] =	stream.indirect.scatter.add.f32 [tilespmem:s25], [sflag:$0x3], $0x20, s1, s22, $0xb8;
	[tilespmem:$0x1EF40] =	vst v63  }
0x83: {  	_ =	swait.ge [sflag:s16], $0x1000  }
0x84: {  	[sflag:s16] =	ssyncset.done $0x0  }
0x85: {  	[sflag:s16] =	ssyncadd.s32 $0xFFFFF000  }
0x86: {  	[spmem:s5] =	stream.indirect.scatter.add.f32 [tilespmem:s21], [sflag:$0x3], $0x8, s1, s22, $0xb8;
	[tilespmem:$0x1EF40] =	vst v63  }
0x87: {  	_ =	swait.ge [sflag:s16], $0x400  }
0x88: {  	[sflag:s16] =	ssyncset.done $0x0  }
0x89: {  	[sflag:s16] =	ssyncadd.s32 $0xFFFFFC00  }
0x8a: {  	_ =	swait.ge [sflag:s24], $0x1000  }
0x8b: {  	[sflag:s24] =	ssyncset.done $0x0  }
0x8c: {  	s14 =	rddreg [dreg:$0xb];
	[sflag:s24] =	ssyncadd.s32 $0xFFFFF000  }
0x8d: {  	[tilespmem:s25], [sflag:$0x2] =	stream.indirect.gather [spmem:s3], $0x20, s14, s22, $0xb8;
	[tilespmem:$0x1EF40] =	vst v63  }
0x8e: {  	s1 =	simm.s32 $0xB00  }
0x8f: {  	[spmem:s4] =	stream.indirect.scatter.add.f32 [tilespmem:s23], [sflag:$0x3], $0x20, s1, s22, $0xb8;
	[tilespmem:$0x1EF40] =	vst v63  }
0x90: {  	_ =	swait.ge [sflag:s16], $0x1000  }
0x91: {  	[sflag:s16] =	ssyncset.done $0x0  }
0x92: {  	[sflag:s16] =	ssyncadd.s32 $0xFFFFF000  }
0x93: {  	[spmem:s5] =	stream.indirect.scatter.add.f32 [tilespmem:s21], [sflag:$0x3], $0x8, s1, s22, $0xb8;
	[tilespmem:$0x1EF40] =	vst v63  }
0x94: {  	_ =	swait.ge [sflag:s16], $0x400  }
0x95: {  	[sflag:s16] =	ssyncset.done $0x0  }
0x96: {  	[sflag:s16] =	ssyncadd.s32 $0xFFFFFC00  }
0x97: {  	_ =	swait.ge [sflag:s26], $0x1000  }
0x98: {  	[sflag:s26] =	ssyncset.done $0x0  }
0x99: {  	s14 =	rddreg [dreg:$0xc];
	[sflag:s26] =	ssyncadd.s32 $0xFFFFF000  }
0x9a: {  	[tilespmem:s23], [sflag:$0x1] =	stream.indirect.gather [spmem:s3], $0x20, s14, s22, $0xb8;
	[tilespmem:$0x1EF40] =	vst v63  }
0x9b: {  	s1 =	simm.s32 $0xB80  }
0x9c: {  	[spmem:s4] =	stream.indirect.scatter.add.f32 [tilespmem:s25], [sflag:$0x3], $0x20, s1, s22, $0xb8;
	[tilespmem:$0x1EF40] =	vst v63  }
0x9d: {  	_ =	swait.ge [sflag:s16], $0x1000  }
0x9e: {  	[sflag:s16] =	ssyncset.done $0x0  }
0x9f: {  	[sflag:s16] =	ssyncadd.s32 $0xFFFFF000  }
0xa0: {  	[spmem:s5] =	stream.indirect.scatter.add.f32 [tilespmem:s21], [sflag:$0x3], $0x8, s1, s22, $0xb8;
	[tilespmem:$0x1EF40] =	vst v63  }
0xa1: {  	_ =	swait.ge [sflag:s16], $0x400  }
0xa2: {  	[sflag:s16] =	ssyncset.done $0x0  }
0xa3: {  	[sflag:s16] =	ssyncadd.s32 $0xFFFFFC00  }
0xa4: {  	_ =	swait.ge [sflag:s24], $0x1000  }
0xa5: {  	[sflag:s24] =	ssyncset.done $0x0  }
0xa6: {  	s14 =	rddreg [dreg:$0xd];
	[sflag:s24] =	ssyncadd.s32 $0xFFFFF000  }
0xa7: {  	[tilespmem:s25], [sflag:$0x2] =	stream.indirect.gather [spmem:s3], $0x20, s14, s22, $0xb8;
	[tilespmem:$0x1EF40] =	vst v63  }
0xa8: {  	s1 =	simm.s32 $0xC00  }
0xa9: {  	[spmem:s4] =	stream.indirect.scatter.add.f32 [tilespmem:s23], [sflag:$0x3], $0x20, s1, s22, $0xb8;
	[tilespmem:$0x1EF40] =	vst v63  }
0xaa: {  	_ =	swait.ge [sflag:s16], $0x1000  }
0xab: {  	[sflag:s16] =	ssyncset.done $0x0  }
0xac: {  	[sflag:s16] =	ssyncadd.s32 $0xFFFFF000  }
0xad: {  	[spmem:s5] =	stream.indirect.scatter.add.f32 [tilespmem:s21], [sflag:$0x3], $0x8, s1, s22, $0xb8;
	[tilespmem:$0x1EF40] =	vst v63  }
0xae: {  	_ =	swait.ge [sflag:s16], $0x400  }
0xaf: {  	[sflag:s16] =	ssyncset.done $0x0  }
0xb0: {  	[sflag:s16] =	ssyncadd.s32 $0xFFFFFC00  }
0xb1: {  	_ =	swait.ge [sflag:s26], $0x1000  }
0xb2: {  	[sflag:s26] =	ssyncset.done $0x0  }
0xb3: {  	s14 =	rddreg [dreg:$0xe];
	[sflag:s26] =	ssyncadd.s32 $0xFFFFF000  }
0xb4: {  	[tilespmem:s23], [sflag:$0x1] =	stream.indirect.gather [spmem:s3], $0x20, s14, s22, $0xb8;
	[tilespmem:$0x1EF40] =	vst v63  }
0xb5: {  	s1 =	simm.s32 $0xC80  }
0xb6: {  	[spmem:s4] =	stream.indirect.scatter.add.f32 [tilespmem:s25], [sflag:$0x3], $0x20, s1, s22, $0xb8;
	[tilespmem:$0x1EF40] =	vst v63  }
0xb7: {  	_ =	swait.ge [sflag:s16], $0x1000  }
0xb8: {  	[sflag:s16] =	ssyncset.done $0x0  }
0xb9: {  	[sflag:s16] =	ssyncadd.s32 $0xFFFFF000  }
0xba: {  	[spmem:s5] =	stream.indirect.scatter.add.f32 [tilespmem:s21], [sflag:$0x3], $0x8, s1, s22, $0xb8;
	[tilespmem:$0x1EF40] =	vst v63  }
0xbb: {  	_ =	swait.ge [sflag:s16], $0x400  }
0xbc: {  	[sflag:s16] =	ssyncset.done $0x0  }
0xbd: {  	[sflag:s16] =	ssyncadd.s32 $0xFFFFFC00  }
0xbe: {  	_ =	swait.ge [sflag:s24], $0x1000  }
0xbf: {  	[sflag:s24] =	ssyncset.done $0x0  }
0xc0: {  	s14 =	rddreg [dreg:$0xf];
	[sflag:s24] =	ssyncadd.s32 $0xFFFFF000  }
0xc1: {  	[tilespmem:s25], [sflag:$0x2] =	stream.indirect.gather [spmem:s3], $0x20, s14, s22, $0xb8;
	[tilespmem:$0x1EF40] =	vst v63  }
0xc2: {  	s1 =	simm.s32 $0xD00  }
0xc3: {  	[spmem:s4] =	stream.indirect.scatter.add.f32 [tilespmem:s23], [sflag:$0x3], $0x20, s1, s22, $0xb8;
	[tilespmem:$0x1EF40] =	vst v63  }
0xc4: {  	_ =	swait.ge [sflag:s16], $0x1000  }
0xc5: {  	[sflag:s16] =	ssyncset.done $0x0  }
0xc6: {  	[sflag:s16] =	ssyncadd.s32 $0xFFFFF000  }
0xc7: {  	[spmem:s5] =	stream.indirect.scatter.add.f32 [tilespmem:s21], [sflag:$0x3], $0x8, s1, s22, $0xb8;
	[tilespmem:$0x1EF40] =	vst v63  }
0xc8: {  	_ =	swait.ge [sflag:s16], $0x400  }
0xc9: {  	[sflag:s16] =	ssyncset.done $0x0  }
0xca: {  	[sflag:s16] =	ssyncadd.s32 $0xFFFFFC00  }
0xcb: {  	_ =	swait.ge [sflag:s26], $0x1000  }
0xcc: {  	[sflag:s26] =	ssyncset.done $0x0  }
0xcd: {  	s14 =	rddreg [dreg:$0x10];
	[sflag:s26] =	ssyncadd.s32 $0xFFFFF000  }
0xce: {  	[tilespmem:s23], [sflag:$0x1] =	stream.indirect.gather [spmem:s3], $0x20, s14, s22, $0xb8;
	[tilespmem:$0x1EF40] =	vst v63  }
0xcf: {  	s1 =	simm.s32 $0xD80  }
0xd0: {  	[spmem:s4] =	stream.indirect.scatter.add.f32 [tilespmem:s25], [sflag:$0x3], $0x20, s1, s22, $0xb8;
	[tilespmem:$0x1EF40] =	vst v63  }
0xd1: {  	_ =	swait.ge [sflag:s16], $0x1000  }
0xd2: {  	[sflag:s16] =	ssyncset.done $0x0  }
0xd3: {  	[sflag:s16] =	ssyncadd.s32 $0xFFFFF000  }
0xd4: {  	[spmem:s5] =	stream.indirect.scatter.add.f32 [tilespmem:s21], [sflag:$0x3], $0x8, s1, s22, $0xb8;
	[tilespmem:$0x1EF40] =	vst v63  }
0xd5: {  	_ =	swait.ge [sflag:s16], $0x400  }
0xd6: {  	[sflag:s16] =	ssyncset.done $0x0  }
0xd7: {  	[sflag:s16] =	ssyncadd.s32 $0xFFFFFC00  }
0xd8: {  	_ =	swait.ge [sflag:s24], $0x1000  }
0xd9: {  	[sflag:s24] =	ssyncset.done $0x0  }
0xda: {  	s14 =	rddreg [dreg:$0x11];
	[sflag:s24] =	ssyncadd.s32 $0xFFFFF000  }
0xdb: {  	[tilespmem:s25], [sflag:$0x2] =	stream.indirect.gather [spmem:s3], $0x20, s14, s22, $0xb8;
	[tilespmem:$0x1EF40] =	vst v63  }
0xdc: {  	s1 =	simm.s32 $0xE00  }
0xdd: {  	[spmem:s4] =	stream.indirect.scatter.add.f32 [tilespmem:s23], [sflag:$0x3], $0x20, s1, s22, $0xb8;
	[tilespmem:$0x1EF40] =	vst v63  }
0xde: {  	_ =	swait.ge [sflag:s16], $0x1000  }
0xdf: {  	[sflag:s16] =	ssyncset.done $0x0  }
0xe0: {  	[sflag:s16] =	ssyncadd.s32 $0xFFFFF000  }
0xe1: {  	[spmem:s5] =	stream.indirect.scatter.add.f32 [tilespmem:s21], [sflag:$0x3], $0x8, s1, s22, $0xb8;
	[tilespmem:$0x1EF40] =	vst v63  }
0xe2: {  	_ =	swait.ge [sflag:s16], $0x400  }
0xe3: {  	[sflag:s16] =	ssyncset.done $0x0  }
0xe4: {  	[sflag:s16] =	ssyncadd.s32 $0xFFFFFC00  }
0xe5: {  	_ =	swait.ge [sflag:s26], $0x1000  }
0xe6: {  	[sflag:s26] =	ssyncset.done $0x0  }
0xe7: {  	[sflag:s26] =	ssyncadd.s32 $0xFFFFF000  }
0xe8: {  	[tilespmem:s23], [sflag:$0x1] =	stream.indirect.gather [spmem:s3], $0x20, s28, s22, $0xb8;
	[tilespmem:$0x1EF40] =	vst v63  }
0xe9: {  	s14 =	simm.s32 $0xE80  }
0xea: {  	[spmem:s4] =	stream.indirect.scatter.add.f32 [tilespmem:s25], [sflag:$0x3], $0x20, s14, s22, $0xb8;
	[tilespmem:$0x1EF40] =	vst v63  }
0xeb: {  	_ =	swait.ge [sflag:s16], $0x1000  }
0xec: {  	[sflag:s16] =	ssyncset.done $0x0  }
0xed: {  	[sflag:s16] =	ssyncadd.s32 $0xFFFFF000  }
0xee: {  	[spmem:s5] =	stream.indirect.scatter.add.f32 [tilespmem:s21], [sflag:$0x3], $0x8, s14, s22, $0xb8;
	[tilespmem:$0x1EF40] =	vst v63  }
0xef: {  	_ =	swait.ge [sflag:s16], $0x400  }
0xf0: {  	[sflag:s16] =	ssyncset.done $0x0  }
0xf1: {  	[sflag:s16] =	ssyncadd.s32 $0xFFFFFC00  }
0xf2: {  	_ =	swait.ge [sflag:s24], $0x1000  }
0xf3: {  	[sflag:s24] =	ssyncset.done $0x0  }
0xf4: {  	[sflag:s24] =	ssyncadd.s32 $0xFFFFF000  }
0xf5: {  	[tilespmem:s25], [sflag:$0x2] =	stream.indirect.gather [spmem:s3], $0x20, s29, s22, $0xb8;
	[tilespmem:$0x1EF40] =	vst v63  }
0xf6: {  	s1 =	simm.s32 $0xF00  }
0xf7: {  	[spmem:s4] =	stream.indirect.scatter.add.f32 [tilespmem:s23], [sflag:$0x3], $0x20, s1, s22, $0xb8;
	[tilespmem:$0x1EF40] =	vst v63  }
0xf8: {  	_ =	swait.ge [sflag:s16], $0x1000  }
0xf9: {  	[sflag:s16] =	ssyncset.done $0x0  }
0xfa: {  	[sflag:s16] =	ssyncadd.s32 $0xFFFFF000  }
0xfb: {  	[spmem:s5] =	stream.indirect.scatter.add.f32 [tilespmem:s21], [sflag:$0x3], $0x8, s1, s22, $0xb8;
	[tilespmem:$0x1EF40] =	vst v63  }
0xfc: {  	_ =	swait.ge [sflag:s16], $0x400  }
0xfd: {  	[sflag:s16] =	ssyncset.done $0x0  }
0xfe: {  	[sflag:s16] =	ssyncadd.s32 $0xFFFFFC00  }
0xff: {  	_ =	swait.ge [sflag:s26], $0x1000  }
0x100: {  	[sflag:s26] =	ssyncset.done $0x0  }
0x101: {  	[sflag:s26] =	ssyncadd.s32 $0xFFFFF000  }
0x102: {  	[tilespmem:s23], [sflag:$0x1] =	stream.indirect.gather [spmem:s3], $0x20, s29, s22, $0xb8;
	[tilespmem:$0x1EF40] =	vst v63  }
0x103: {  	s14 =	simm.s32 $0xF80  }
0x104: {  	[spmem:s4] =	stream.indirect.scatter.add.f32 [tilespmem:s25], [sflag:$0x3], $0x20, s14, s22, $0xb8;
	[tilespmem:$0x1EF40] =	vst v63  }
0x105: {  	_ =	swait.ge [sflag:s16], $0x1000  }
0x106: {  	[sflag:s16] =	ssyncset.done $0x0  }
0x107: {  	[sflag:s16] =	ssyncadd.s32 $0xFFFFF000  }
0x108: {  	[spmem:s5] =	stream.indirect.scatter.add.f32 [tilespmem:s21], [sflag:$0x3], $0x8, s14, s22, $0xb8;
	[tilespmem:$0x1EF40] =	vst v63  }
0x109: {  	_ =	swait.ge [sflag:s16], $0x400  }
0x10a: {  	[sflag:s16] =	ssyncset.done $0x0  }
0x10b: {  	[sflag:s16] =	ssyncadd.s32 $0xFFFFFC00  }
0x10c: {  	_ =	swait.ge [sflag:s24], $0x1000  }
0x10d: {  	s31 =	simm.s32 $0x2000;
	s14 =	smov.u32 s0;
	[sflag:s24] =	ssyncset.done $0x0  }
.LBB2_2:
0x10e: {  	[sflag:s24] =	ssyncadd.s32 $0xFFFFF000;
	s14 =	sadd.s32 $0x100, s14  }
0x10f: {  	[tilespmem:s6], [sflag:$0x3] =	stream.linear.gather [hbm4b:s14+s6], $0x800, $0x38;
	[tilespmem:$0x1EF40] =	vst v63  }
0x110: {  	_ =	swait.ge [sflag:s16], $0x800  }
0x111: {  	[sflag:s16] =	ssyncset.done $0x0  }
0x112: {  	[sflag:s16] =	ssyncadd.s32 $0xFFFFF800  }
0x113: {  	[tilespmem:s23], [sflag:$0x1] =	stream.indirect.gather [spmem:s3], $0x20, s6, s22, $0xb8;
	[tilespmem:$0x1EF40] =	vst v63  }
0x114: {  	_ =	swait.ge [sflag:s24], $0x1000  }
0x115: {  	s2 =	smov.u32 s31;
	[sflag:s24] =	ssyncset.done $0x0  }
0x116: {  	s2 =	sshra.s32 s2, $0x2;
	[sflag:s24] =	ssyncadd.s32 $0xFFFFF000  }
0x117: {  	[tilespmem:s25], [sflag:$0x2] =	stream.indirect.gather [spmem:s3], $0x20, s22, s22, $0xb8;
	[tilespmem:$0x1EF40] =	vst v63  }
0x118: {  	s1 =	sadd.s32 $0x800, s2  }
0x119: {  	[spmem:s4] =	stream.indirect.scatter.add.f32 [tilespmem:s23], [sflag:$0x3], $0x20, s1, s22, $0xb8;
	[tilespmem:$0x1EF40] =	vst v63  }
0x11a: {  	_ =	swait.ge [sflag:s16], $0x1000  }
0x11b: {  	[sflag:s16] =	ssyncset.done $0x0  }
0x11c: {  	[sflag:s16] =	ssyncadd.s32 $0xFFFFF000  }
0x11d: {  	[spmem:s5] =	stream.indirect.scatter.add.f32 [tilespmem:s21], [sflag:$0x3], $0x8, s1, s22, $0xb8;
	[tilespmem:$0x1EF40] =	vst v63  }
0x11e: {  	_ =	swait.ge [sflag:s16], $0x400  }
0x11f: {  	[sflag:s16] =	ssyncset.done $0x0  }
0x120: {  	[sflag:s16] =	ssyncadd.s32 $0xFFFFFC00  }
0x121: {  	_ =	swait.ge [sflag:s26], $0x1000  }
0x122: {  	[sflag:s26] =	ssyncset.done $0x0  }
0x123: {  	s1 =	rddreg [dreg:$0x6];
	[sflag:s26] =	ssyncadd.s32 $0xFFFFF000  }
0x124: {  	[tilespmem:s23], [sflag:$0x1] =	stream.indirect.gather [spmem:s3], $0x20, s1, s22, $0xb8;
	[tilespmem:$0x1EF40] =	vst v63  }
0x125: {  	s1 =	sadd.s32 $0x880, s2  }
0x126: {  	[spmem:s4] =	stream.indirect.scatter.add.f32 [tilespmem:s25], [sflag:$0x3], $0x20, s1, s22, $0xb8;
	[tilespmem:$0x1EF40] =	vst v63  }
0x127: {  	_ =	swait.ge [sflag:s16], $0x1000  }
0x128: {  	[sflag:s16] =	ssyncset.done $0x0  }
0x129: {  	[sflag:s16] =	ssyncadd.s32 $0xFFFFF000  }
0x12a: {  	[spmem:s5] =	stream.indirect.scatter.add.f32 [tilespmem:s21], [sflag:$0x3], $0x8, s1, s22, $0xb8;
	[tilespmem:$0x1EF40] =	vst v63  }
0x12b: {  	_ =	swait.ge [sflag:s16], $0x400  }
0x12c: {  	[sflag:s16] =	ssyncset.done $0x0  }
0x12d: {  	[sflag:s16] =	ssyncadd.s32 $0xFFFFFC00  }
0x12e: {  	_ =	swait.ge [sflag:s24], $0x1000  }
0x12f: {  	[sflag:s24] =	ssyncset.done $0x0  }
0x130: {  	s1 =	rddreg [dreg:$0x7];
	[sflag:s24] =	ssyncadd.s32 $0xFFFFF000  }
0x131: {  	[tilespmem:s25], [sflag:$0x2] =	stream.indirect.gather [spmem:s3], $0x20, s1, s22, $0xb8;
	[tilespmem:$0x1EF40] =	vst v63  }
0x132: {  	s1 =	sadd.s32 $0x900, s2  }
0x133: {  	[spmem:s4] =	stream.indirect.scatter.add.f32 [tilespmem:s23], [sflag:$0x3], $0x20, s1, s22, $0xb8;
	[tilespmem:$0x1EF40] =	vst v63  }
0x134: {  	_ =	swait.ge [sflag:s16], $0x1000  }
0x135: {  	[sflag:s16] =	ssyncset.done $0x0  }
0x136: {  	[sflag:s16] =	ssyncadd.s32 $0xFFFFF000  }
0x137: {  	[spmem:s5] =	stream.indirect.scatter.add.f32 [tilespmem:s21], [sflag:$0x3], $0x8, s1, s22, $0xb8;
	[tilespmem:$0x1EF40] =	vst v63  }
0x138: {  	_ =	swait.ge [sflag:s16], $0x400  }
0x139: {  	[sflag:s16] =	ssyncset.done $0x0  }
0x13a: {  	[sflag:s16] =	ssyncadd.s32 $0xFFFFFC00  }
0x13b: {  	_ =	swait.ge [sflag:s26], $0x1000  }
0x13c: {  	[sflag:s26] =	ssyncset.done $0x0  }
0x13d: {  	s1 =	rddreg [dreg:$0x8];
	[sflag:s26] =	ssyncadd.s32 $0xFFFFF000  }
0x13e: {  	[tilespmem:s23], [sflag:$0x1] =	stream.indirect.gather [spmem:s3], $0x20, s1, s22, $0xb8;
	[tilespmem:$0x1EF40] =	vst v63  }
0x13f: {  	s1 =	sadd.s32 $0x980, s2  }
0x140: {  	[spmem:s4] =	stream.indirect.scatter.add.f32 [tilespmem:s25], [sflag:$0x3], $0x20, s1, s22, $0xb8;
	[tilespmem:$0x1EF40] =	vst v63  }
0x141: {  	_ =	swait.ge [sflag:s16], $0x1000  }
0x142: {  	[sflag:s16] =	ssyncset.done $0x0  }
0x143: {  	[sflag:s16] =	ssyncadd.s32 $0xFFFFF000  }
0x144: {  	[spmem:s5] =	stream.indirect.scatter.add.f32 [tilespmem:s21], [sflag:$0x3], $0x8, s1, s22, $0xb8;
	[tilespmem:$0x1EF40] =	vst v63  }
0x145: {  	_ =	swait.ge [sflag:s16], $0x400  }
0x146: {  	[sflag:s16] =	ssyncset.done $0x0  }
0x147: {  	[sflag:s16] =	ssyncadd.s32 $0xFFFFFC00  }
0x148: {  	_ =	swait.ge [sflag:s24], $0x1000  }
0x149: {  	[sflag:s24] =	ssyncset.done $0x0  }
0x14a: {  	s1 =	rddreg [dreg:$0x9];
	[sflag:s24] =	ssyncadd.s32 $0xFFFFF000  }
0x14b: {  	[tilespmem:s25], [sflag:$0x2] =	stream.indirect.gather [spmem:s3], $0x20, s1, s22, $0xb8;
	[tilespmem:$0x1EF40] =	vst v63  }
0x14c: {  	s1 =	sadd.s32 $0xA00, s2  }
0x14d: {  	[spmem:s4] =	stream.indirect.scatter.add.f32 [tilespmem:s23], [sflag:$0x3], $0x20, s1, s22, $0xb8;
	[tilespmem:$0x1EF40] =	vst v63  }
0x14e: {  	_ =	swait.ge [sflag:s16], $0x1000  }
0x14f: {  	[sflag:s16] =	ssyncset.done $0x0  }
0x150: {  	[sflag:s16] =	ssyncadd.s32 $0xFFFFF000  }
0x151: {  	[spmem:s5] =	stream.indirect.scatter.add.f32 [tilespmem:s21], [sflag:$0x3], $0x8, s1, s22, $0xb8;
	[tilespmem:$0x1EF40] =	vst v63  }
0x152: {  	_ =	swait.ge [sflag:s16], $0x400  }
0x153: {  	[sflag:s16] =	ssyncset.done $0x0  }
0x154: {  	[sflag:s16] =	ssyncadd.s32 $0xFFFFFC00  }
0x155: {  	_ =	swait.ge [sflag:s26], $0x1000  }
0x156: {  	[sflag:s26] =	ssyncset.done $0x0  }
0x157: {  	s1 =	rddreg [dreg:$0xa];
	[sflag:s26] =	ssyncadd.s32 $0xFFFFF000  }
0x158: {  	[tilespmem:s23], [sflag:$0x1] =	stream.indirect.gather [spmem:s3], $0x20, s1, s22, $0xb8;
	[tilespmem:$0x1EF40] =	vst v63  }
0x159: {  	s1 =	sadd.s32 $0xA80, s2  }
0x15a: {  	[spmem:s4] =	stream.indirect.scatter.add.f32 [tilespmem:s25], [sflag:$0x3], $0x20, s1, s22, $0xb8;
	[tilespmem:$0x1EF40] =	vst v63  }
0x15b: {  	_ =	swait.ge [sflag:s16], $0x1000  }
0x15c: {  	[sflag:s16] =	ssyncset.done $0x0  }
0x15d: {  	[sflag:s16] =	ssyncadd.s32 $0xFFFFF000  }
0x15e: {  	[spmem:s5] =	stream.indirect.scatter.add.f32 [tilespmem:s21], [sflag:$0x3], $0x8, s1, s22, $0xb8;
	[tilespmem:$0x1EF40] =	vst v63  }
0x15f: {  	_ =	swait.ge [sflag:s16], $0x400  }
0x160: {  	[sflag:s16] =	ssyncset.done $0x0  }
0x161: {  	[sflag:s16] =	ssyncadd.s32 $0xFFFFFC00  }
0x162: {  	_ =	swait.ge [sflag:s24], $0x1000  }
0x163: {  	[sflag:s24] =	ssyncset.done $0x0  }
0x164: {  	s1 =	rddreg [dreg:$0xb];
	[sflag:s24] =	ssyncadd.s32 $0xFFFFF000  }
0x165: {  	[tilespmem:s25], [sflag:$0x2] =	stream.indirect.gather [spmem:s3], $0x20, s1, s22, $0xb8;
	[tilespmem:$0x1EF40] =	vst v63  }
0x166: {  	s1 =	sadd.s32 $0xB00, s2  }
0x167: {  	[spmem:s4] =	stream.indirect.scatter.add.f32 [tilespmem:s23], [sflag:$0x3], $0x20, s1, s22, $0xb8;
	[tilespmem:$0x1EF40] =	vst v63  }
0x168: {  	_ =	swait.ge [sflag:s16], $0x1000  }
0x169: {  	[sflag:s16] =	ssyncset.done $0x0  }
0x16a: {  	[sflag:s16] =	ssyncadd.s32 $0xFFFFF000  }
0x16b: {  	[spmem:s5] =	stream.indirect.scatter.add.f32 [tilespmem:s21], [sflag:$0x3], $0x8, s1, s22, $0xb8;
	[tilespmem:$0x1EF40] =	vst v63  }
0x16c: {  	_ =	swait.ge [sflag:s16], $0x400  }
0x16d: {  	[sflag:s16] =	ssyncset.done $0x0  }
0x16e: {  	[sflag:s16] =	ssyncadd.s32 $0xFFFFFC00  }
0x16f: {  	_ =	swait.ge [sflag:s26], $0x1000  }
0x170: {  	[sflag:s26] =	ssyncset.done $0x0  }
0x171: {  	s1 =	rddreg [dreg:$0xc];
	[sflag:s26] =	ssyncadd.s32 $0xFFFFF000  }
0x172: {  	[tilespmem:s23], [sflag:$0x1] =	stream.indirect.gather [spmem:s3], $0x20, s1, s22, $0xb8;
	[tilespmem:$0x1EF40] =	vst v63  }
0x173: {  	s1 =	sadd.s32 $0xB80, s2  }
0x174: {  	[spmem:s4] =	stream.indirect.scatter.add.f32 [tilespmem:s25], [sflag:$0x3], $0x20, s1, s22, $0xb8;
	[tilespmem:$0x1EF40] =	vst v63  }
0x175: {  	_ =	swait.ge [sflag:s16], $0x1000  }
0x176: {  	[sflag:s16] =	ssyncset.done $0x0  }
0x177: {  	[sflag:s16] =	ssyncadd.s32 $0xFFFFF000  }
0x178: {  	[spmem:s5] =	stream.indirect.scatter.add.f32 [tilespmem:s21], [sflag:$0x3], $0x8, s1, s22, $0xb8;
	[tilespmem:$0x1EF40] =	vst v63  }
0x179: {  	_ =	swait.ge [sflag:s16], $0x400  }
0x17a: {  	[sflag:s16] =	ssyncset.done $0x0  }
0x17b: {  	[sflag:s16] =	ssyncadd.s32 $0xFFFFFC00  }
0x17c: {  	_ =	swait.ge [sflag:s24], $0x1000  }
0x17d: {  	[sflag:s24] =	ssyncset.done $0x0  }
0x17e: {  	s1 =	rddreg [dreg:$0xd];
	[sflag:s24] =	ssyncadd.s32 $0xFFFFF000  }
0x17f: {  	[tilespmem:s25], [sflag:$0x2] =	stream.indirect.gather [spmem:s3], $0x20, s1, s22, $0xb8;
	[tilespmem:$0x1EF40] =	vst v63  }
0x180: {  	s1 =	sadd.s32 $0xC00, s2  }
0x181: {  	[spmem:s4] =	stream.indirect.scatter.add.f32 [tilespmem:s23], [sflag:$0x3], $0x20, s1, s22, $0xb8;
	[tilespmem:$0x1EF40] =	vst v63  }
0x182: {  	_ =	swait.ge [sflag:s16], $0x1000  }
0x183: {  	[sflag:s16] =	ssyncset.done $0x0  }
0x184: {  	[sflag:s16] =	ssyncadd.s32 $0xFFFFF000  }
0x185: {  	[spmem:s5] =	stream.indirect.scatter.add.f32 [tilespmem:s21], [sflag:$0x3], $0x8, s1, s22, $0xb8;
	[tilespmem:$0x1EF40] =	vst v63  }
0x186: {  	_ =	swait.ge [sflag:s16], $0x400  }
0x187: {  	[sflag:s16] =	ssyncset.done $0x0  }
0x188: {  	[sflag:s16] =	ssyncadd.s32 $0xFFFFFC00  }
0x189: {  	_ =	swait.ge [sflag:s26], $0x1000  }
0x18a: {  	[sflag:s26] =	ssyncset.done $0x0  }
0x18b: {  	s1 =	rddreg [dreg:$0xe];
	[sflag:s26] =	ssyncadd.s32 $0xFFFFF000  }
0x18c: {  	[tilespmem:s23], [sflag:$0x1] =	stream.indirect.gather [spmem:s3], $0x20, s1, s22, $0xb8;
	[tilespmem:$0x1EF40] =	vst v63  }
0x18d: {  	s1 =	sadd.s32 $0xC80, s2  }
0x18e: {  	[spmem:s4] =	stream.indirect.scatter.add.f32 [tilespmem:s25], [sflag:$0x3], $0x20, s1, s22, $0xb8;
	[tilespmem:$0x1EF40] =	vst v63  }
0x18f: {  	_ =	swait.ge [sflag:s16], $0x1000  }
0x190: {  	[sflag:s16] =	ssyncset.done $0x0  }
0x191: {  	[sflag:s16] =	ssyncadd.s32 $0xFFFFF000  }
0x192: {  	[spmem:s5] =	stream.indirect.scatter.add.f32 [tilespmem:s21], [sflag:$0x3], $0x8, s1, s22, $0xb8;
	[tilespmem:$0x1EF40] =	vst v63  }
0x193: {  	_ =	swait.ge [sflag:s16], $0x400  }
0x194: {  	[sflag:s16] =	ssyncset.done $0x0  }
0x195: {  	[sflag:s16] =	ssyncadd.s32 $0xFFFFFC00  }
0x196: {  	_ =	swait.ge [sflag:s24], $0x1000  }
0x197: {  	[sflag:s24] =	ssyncset.done $0x0  }
0x198: {  	s1 =	rddreg [dreg:$0xf];
	[sflag:s24] =	ssyncadd.s32 $0xFFFFF000  }
0x199: {  	[tilespmem:s25], [sflag:$0x2] =	stream.indirect.gather [spmem:s3], $0x20, s1, s22, $0xb8;
	[tilespmem:$0x1EF40] =	vst v63  }
0x19a: {  	s1 =	sadd.s32 $0xD00, s2  }
0x19b: {  	[spmem:s4] =	stream.indirect.scatter.add.f32 [tilespmem:s23], [sflag:$0x3], $0x20, s1, s22, $0xb8;
	[tilespmem:$0x1EF40] =	vst v63  }
0x19c: {  	_ =	swait.ge [sflag:s16], $0x1000  }
0x19d: {  	[sflag:s16] =	ssyncset.done $0x0  }
0x19e: {  	[sflag:s16] =	ssyncadd.s32 $0xFFFFF000  }
0x19f: {  	[spmem:s5] =	stream.indirect.scatter.add.f32 [tilespmem:s21], [sflag:$0x3], $0x8, s1, s22, $0xb8;
	[tilespmem:$0x1EF40] =	vst v63  }
0x1a0: {  	_ =	swait.ge [sflag:s16], $0x400  }
0x1a1: {  	[sflag:s16] =	ssyncset.done $0x0  }
0x1a2: {  	[sflag:s16] =	ssyncadd.s32 $0xFFFFFC00  }
0x1a3: {  	_ =	swait.ge [sflag:s26], $0x1000  }
0x1a4: {  	[sflag:s26] =	ssyncset.done $0x0  }
0x1a5: {  	s1 =	rddreg [dreg:$0x10];
	[sflag:s26] =	ssyncadd.s32 $0xFFFFF000  }
0x1a6: {  	[tilespmem:s23], [sflag:$0x1] =	stream.indirect.gather [spmem:s3], $0x20, s1, s22, $0xb8;
	[tilespmem:$0x1EF40] =	vst v63  }
0x1a7: {  	s1 =	sadd.s32 $0xD80, s2  }
0x1a8: {  	[spmem:s4] =	stream.indirect.scatter.add.f32 [tilespmem:s25], [sflag:$0x3], $0x20, s1, s22, $0xb8;
	[tilespmem:$0x1EF40] =	vst v63  }
0x1a9: {  	_ =	swait.ge [sflag:s16], $0x1000  }
0x1aa: {  	[sflag:s16] =	ssyncset.done $0x0  }
0x1ab: {  	[sflag:s16] =	ssyncadd.s32 $0xFFFFF000  }
0x1ac: {  	[spmem:s5] =	stream.indirect.scatter.add.f32 [tilespmem:s21], [sflag:$0x3], $0x8, s1, s22, $0xb8;
	[tilespmem:$0x1EF40] =	vst v63  }
0x1ad: {  	_ =	swait.ge [sflag:s16], $0x400  }
0x1ae: {  	[sflag:s16] =	ssyncset.done $0x0  }
0x1af: {  	[sflag:s16] =	ssyncadd.s32 $0xFFFFFC00  }
0x1b0: {  	_ =	swait.ge [sflag:s24], $0x1000  }
0x1b1: {  	[sflag:s24] =	ssyncset.done $0x0  }
0x1b2: {  	s1 =	rddreg [dreg:$0x11];
	[sflag:s24] =	ssyncadd.s32 $0xFFFFF000  }
0x1b3: {  	[tilespmem:s25], [sflag:$0x2] =	stream.indirect.gather [spmem:s3], $0x20, s1, s22, $0xb8;
	[tilespmem:$0x1EF40] =	vst v63  }
0x1b4: {  	s1 =	sadd.s32 $0xE00, s2  }
0x1b5: {  	[spmem:s4] =	stream.indirect.scatter.add.f32 [tilespmem:s23], [sflag:$0x3], $0x20, s1, s22, $0xb8;
	[tilespmem:$0x1EF40] =	vst v63  }
0x1b6: {  	_ =	swait.ge [sflag:s16], $0x1000  }
0x1b7: {  	[sflag:s16] =	ssyncset.done $0x0  }
0x1b8: {  	[sflag:s16] =	ssyncadd.s32 $0xFFFFF000  }
0x1b9: {  	[spmem:s5] =	stream.indirect.scatter.add.f32 [tilespmem:s21], [sflag:$0x3], $0x8, s1, s22, $0xb8;
	[tilespmem:$0x1EF40] =	vst v63  }
0x1ba: {  	_ =	swait.ge [sflag:s16], $0x400  }
0x1bb: {  	[sflag:s16] =	ssyncset.done $0x0  }
0x1bc: {  	[sflag:s16] =	ssyncadd.s32 $0xFFFFFC00  }
0x1bd: {  	_ =	swait.ge [sflag:s26], $0x1000  }
0x1be: {  	[sflag:s26] =	ssyncset.done $0x0  }
0x1bf: {  	[sflag:s26] =	ssyncadd.s32 $0xFFFFF000  }
0x1c0: {  	[tilespmem:s23], [sflag:$0x1] =	stream.indirect.gather [spmem:s3], $0x20, s28, s22, $0xb8;
	[tilespmem:$0x1EF40] =	vst v63  }
0x1c1: {  	s1 =	sadd.s32 $0xE80, s2  }
0x1c2: {  	[spmem:s4] =	stream.indirect.scatter.add.f32 [tilespmem:s25], [sflag:$0x3], $0x20, s1, s22, $0xb8;
	[tilespmem:$0x1EF40] =	vst v63  }
0x1c3: {  	_ =	swait.ge [sflag:s16], $0x1000  }
0x1c4: {  	[sflag:s16] =	ssyncset.done $0x0  }
0x1c5: {  	[sflag:s16] =	ssyncadd.s32 $0xFFFFF000  }
0x1c6: {  	[spmem:s5] =	stream.indirect.scatter.add.f32 [tilespmem:s21], [sflag:$0x3], $0x8, s1, s22, $0xb8;
	[tilespmem:$0x1EF40] =	vst v63  }
0x1c7: {  	_ =	swait.ge [sflag:s16], $0x400  }
0x1c8: {  	[sflag:s16] =	ssyncset.done $0x0  }
0x1c9: {  	[sflag:s16] =	ssyncadd.s32 $0xFFFFFC00  }
0x1ca: {  	_ =	swait.ge [sflag:s24], $0x1000  }
0x1cb: {  	[sflag:s24] =	ssyncset.done $0x0  }
0x1cc: {  	[sflag:s24] =	ssyncadd.s32 $0xFFFFF000  }
0x1cd: {  	[tilespmem:s25], [sflag:$0x2] =	stream.indirect.gather [spmem:s3], $0x20, s29, s22, $0xb8;
	[tilespmem:$0x1EF40] =	vst v63  }
0x1ce: {  	s1 =	sadd.s32 $0xF00, s2  }
0x1cf: {  	[spmem:s4] =	stream.indirect.scatter.add.f32 [tilespmem:s23], [sflag:$0x3], $0x20, s1, s22, $0xb8;
	[tilespmem:$0x1EF40] =	vst v63  }
0x1d0: {  	_ =	swait.ge [sflag:s16], $0x1000  }
0x1d1: {  	[sflag:s16] =	ssyncset.done $0x0  }
0x1d2: {  	[sflag:s16] =	ssyncadd.s32 $0xFFFFF000  }
0x1d3: {  	[spmem:s5] =	stream.indirect.scatter.add.f32 [tilespmem:s21], [sflag:$0x3], $0x8, s1, s22, $0xb8;
	[tilespmem:$0x1EF40] =	vst v63  }
0x1d4: {  	_ =	swait.ge [sflag:s16], $0x400  }
0x1d5: {  	[sflag:s16] =	ssyncset.done $0x0  }
0x1d6: {  	[sflag:s16] =	ssyncadd.s32 $0xFFFFFC00  }
0x1d7: {  	_ =	swait.ge [sflag:s26], $0x1000  }
0x1d8: {  	[sflag:s26] =	ssyncset.done $0x0  }
0x1d9: {  	[sflag:s26] =	ssyncadd.s32 $0xFFFFF000  }
0x1da: {  	[tilespmem:s23], [sflag:$0x1] =	stream.indirect.gather [spmem:s3], $0x20, s29, s22, $0xb8;
	[tilespmem:$0x1EF40] =	vst v63  }
0x1db: {  	s2 =	sadd.s32 $0xF80, s2  }
0x1dc: {  	[spmem:s4] =	stream.indirect.scatter.add.f32 [tilespmem:s25], [sflag:$0x3], $0x20, s2, s22, $0xb8;
	[tilespmem:$0x1EF40] =	vst v63  }
0x1dd: {  	_ =	swait.ge [sflag:s16], $0x1000  }
0x1de: {  	[sflag:s16] =	ssyncset.done $0x0  }
0x1df: {  	p0 =	sne.s32 s31, $0x8000;
	[sflag:s16] =	ssyncadd.s32 $0xFFFFF000  }
0x1e0: {  	[spmem:s5] =	stream.indirect.scatter.add.f32 [tilespmem:s21], [sflag:$0x3], $0x8, s2, s22, $0xb8;
	[tilespmem:$0x1EF40] =	vst v63  }
.Ltmp0:
0x1e1: {  	_ =	swait.ge [sflag:s16], $0x400;
	(pc) =	sbr.rel @p0 .LBB2_2-.Ltmp0, $4  }
0x1e2: {  	[sflag:s16] =	ssyncset.done $0x0  }
0x1e3: {  	[sflag:s16] =	ssyncadd.s32 $0xFFFFFC00  }
0x1e4: {  	_ =	swait.ge [sflag:s24], $0x1000  }
0x1e5: {  	s31 =	sadd.s32 $0x2000, s31;
	[sflag:s24] =	ssyncset.done $0x0  }
0x1e6: {  	[sflag:s24] =	ssyncadd.s32 $0xFFFFF000  }
0x1e7: {  	[bflag:$0x0] =	sbarrier.arrive $0xFFFF  }
0x1e8: {  	[hbm:s11], [sflag:s17] =	dma.local [spmem:s19], $0x9E0  }
0x1e9: {  	s30 =	sadd.s32 $0x1, s30;
	_ =	swait.ge [sflag:s16], $0x9E0  }
0x1ea: {  	p0 =	sne.s32 s30, s13;
	[sflag:s16] =	ssyncset.done $0x0  }
.Ltmp1:
0x1eb: {  	[sflag:s16] =	ssyncadd.s32 $0xFFFFF620;
	(pc) =	sbr.rel @p0 .LBB2_1-.Ltmp1, $4  }
0x1ec: {  	[hbm:s12], [sflag:s17] =	dma.local [spmem:s20], $0x278  }
0x1ed: {  	_ =	swait.ge [sflag:s16], $0x278  }
0x1ee: {  	[sflag:s16] =	ssyncset.done $0x0  }
0x1ef: {  	[sflag:s16] =	ssyncadd.s32 $0xFFFFFD88  }
0x1f0: {  	_ =	sfence.sel $0x180000  }
0x1f1: {  	[bflag:$0x0] =	sbarrier.arrive $0xFFFF  }
0x1f2: {  	_ =	strace $0x90000047  }
0x1f3: {  	s0 =	stileid.u32;
	[bflag:$0x2] =	sbarrier.arrive $0xFFFF  }
0x1f4: {  	p0 =	sne.s32 s0, $0x0;
	s0 =	rddreg [dreg:$0x5]  }
0x1f5: {  	s0 =	sadd.s32 @!p0 $0x100000, s0  }
0x1f6: {  	[sflag:s0] =	ssyncadd.tile.s32 @!p0 $0x1;
	_ =	shalt  }
.Lfunc_end2:
_tile_overlayer_lowered:
.L_overlay_start_2:
0x1f7: {  	(tag) =	ssettag $0x2  }
0x1f8: {  	s0 =	rddreg [dreg:$0x0];
	s2 =	stileid.u32  }
0x1f9: {  	s1 =	rddreg [dreg:$0x1];
	p0 =	sne.s32 s2, $0x0  }
0x1fa: {  	s3 =	rddreg [dreg:$0x2];
	[bflag:$0x3] =	sbarrier.arrive $0xFFFF;
	s2 =	simm.s32 @!p0 $0x1C03  }
0x1fb: {  	[timem:s3], [sflag:s2] =	dma.local @!p0 [hbm:s0], s1  }
0x1fc: {  	s0 =	simm.s32 @!p0 $0x3  }
0x1fd: {  	_ =	swait.ge @!p0 [sflag:s0], s1  }
0x1fe: {  	s1 =	ssub.s32 @!p0 $0x0, s1;
	[sflag:s0] =	ssyncset.done @!p0 $0x0  }
0x1ff: {  	[sflag:s0] =	ssyncadd.s32 @!p0 s1  }
0x200: {  	[bflag:$0x3] =	sbarrier.arrive $0xFFFF  }
0x201: {  	_ =	shalt  }

</sc_bundles>
